<compile_context>
chip_gen: v7x
topology: tpu7x:2x2x1
jax: 0.10.2.dev20260603
libtpu: 0.0.44.dev20260713+nightly
codegen_flags: <defaults>
</compile_context>

<pallas_src>
import functools

import jax
import jax.numpy as jnp
from jax import lax
from jax.experimental import pallas as pl
from jax.experimental.pallas import tpu as pltpu
from jax.experimental.pallas import tpu_sc as plsc

N = 10000
E = 160000
D = 256
G = 64
H = 128
NSUB = 16
EK = 80
N2 = 10240
ROWS_PER_TILE = N2 // NSUB
EROWS_PER_TILE = E // (EK * NSUB)
RB = 2000
NBLK = N // RB


def _sc_agg(zeros, hl, hr, src2, dst2):
    mesh = plsc.VectorSubcoreMesh(core_axis_name="c", subcore_axis_name="s")

    @functools.partial(
        pl.kernel,
        mesh=mesh,
        out_type=(
            jax.ShapeDtypeStruct((N2, H), jnp.float32),
            jax.ShapeDtypeStruct((N2, H), jnp.float32),
        ),
        scratch_types=[
            pltpu.VMEM((EROWS_PER_TILE, EK), jnp.int32),
            pltpu.VMEM((EROWS_PER_TILE, EK), jnp.int32),
            pltpu.VMEM((EK, H), jnp.float32),
            pltpu.VMEM_SHARED((N2, H), jnp.float32),
            pltpu.SemaphoreType.DMA,
        ],
    )
    def k(zeros_hbm, hl_hbm, hr_hbm, src_hbm, dst_hbm, aggl_hbm, aggr_hbm,
          src_v, dst_v, buf0, acc, sem0):
        c = lax.axis_index("c")
        s = lax.axis_index("s")
        rbase = s * ROWS_PER_TILE
        pltpu.sync_copy(zeros_hbm, acc.at[pl.ds(rbase, ROWS_PER_TILE)])
        pltpu.sync_copy(src_hbm.at[s], src_v)
        pltpu.sync_copy(dst_hbm.at[s], dst_v)
        plsc.subcore_barrier()

        def do(h_hbm, out_hbm):
            def chunk(j, carry):
                pltpu.async_copy(h_hbm.at[src_v.at[j]], buf0, sem0).wait()
                pltpu.sync_copy(buf0, acc.at[dst_v.at[j]], add=True)
                return carry
            lax.fori_loop(0, EROWS_PER_TILE, chunk, 0)
            plsc.subcore_barrier()
            pltpu.sync_copy(acc.at[pl.ds(rbase, ROWS_PER_TILE)],
                            out_hbm.at[pl.ds(rbase, ROWS_PER_TILE)])

        @pl.when(c == 0)
        def _():
            do(hl_hbm, aggl_hbm)

        @pl.when(c == 1)
        def _():
            do(hr_hbm, aggr_hbm)

    return k(zeros, hl, hr, src2, dst2)


def _mlp_body(eps_ref, hl_ref, hr_ref, al_ref, ar_ref, w1_ref, b1_ref,
              w2_ref, b2_ref, ol_ref, or_ref):
    h = jnp.concatenate([hl_ref[...], hr_ref[...]], axis=1)
    a = jnp.concatenate([al_ref[...], ar_ref[...]], axis=1)
    z = h * eps_ref[0, 0] + a
    z = jnp.dot(z, w1_ref[...], preferred_element_type=jnp.float32,
                precision=lax.Precision.DEFAULT) + b1_ref[...]
    z = jnp.maximum(z, 0.0)
    z = jnp.dot(z, w2_ref[...], preferred_element_type=jnp.float32,
                precision=lax.Precision.DEFAULT) + b2_ref[...]
    z = jnp.maximum(z, 0.0)
    ol_ref[...] = z[:, :H]
    or_ref[...] = z[:, H:]


def _mlp(hl, hr, al, ar, p):
    eps1 = (1.0 + p["eps"]).reshape(1, 1)
    b1 = p["b1"].reshape(1, D)
    b2 = p["b2"].reshape(1, D)
    half = pl.BlockSpec((RB, H), lambda i: (i, 0))

    def full(r, c):
        return pl.BlockSpec((r, c), lambda i: (0, 0))

    return pl.pallas_call(
        _mlp_body,
        grid=(NBLK,),
        in_specs=[
            pl.BlockSpec(memory_space=pltpu.SMEM),
            half, half, half, half,
            full(D, D), full(1, D), full(D, D), full(1, D),
        ],
        out_specs=[half, half],
        out_shape=[jax.ShapeDtypeStruct((N, H), jnp.float32)] * 2,
    )(eps1, hl, hr, al, ar, p["W1"], b1, p["W2"], b2)


def _pool_body(gid_ref, hl_ref, hr_ref, pool_ref, cnt_ref):
    @pl.when(pl.program_id(0) == 0)
    def _():
        pool_ref[...] = jnp.zeros_like(pool_ref)
        cnt_ref[...] = jnp.zeros_like(cnt_ref)

    g = gid_ref[0, 0, :]
    m = (g[:, None] == lax.broadcasted_iota(jnp.int32, (RB, G), 1))
    m = m.astype(jnp.float32)
    h = jnp.concatenate([hl_ref[...], hr_ref[...]], axis=1)
    pool_ref[...] += lax.dot_general(m, h, (((0,), (0,)), ((), ())),
                                     preferred_element_type=jnp.float32,
                                     precision=lax.Precision.HIGHEST)
    cnt_ref[...] += jnp.broadcast_to(jnp.sum(m, axis=0)[:, None], (G, D))


def _pool(hl, hr, gids):
    g3 = gids.reshape(NBLK, 1, RB)
    half = pl.BlockSpec((RB, H), lambda i: (i, 0))
    return pl.pallas_call(
        _pool_body,
        grid=(NBLK,),
        in_specs=[
            pl.BlockSpec((1, 1, RB), lambda i: (i, 0, 0)),
            half, half,
        ],
        out_specs=[
            pl.BlockSpec((G, D), lambda i: (0, 0)),
            pl.BlockSpec((G, D), lambda i: (0, 0)),
        ],
        out_shape=[jax.ShapeDtypeStruct((G, D), jnp.float32)] * 2,
    )(g3, hl, hr)


def _head_body(p1_ref, c1_ref, p2_ref, c2_ref, w1a_ref, w1b_ref, b1_ref,
               w2_ref, b2_ref, out_ref):
    m1 = p1_ref[...] / jnp.maximum(c1_ref[...], 1.0)
    m2 = p2_ref[...] / jnp.maximum(c2_ref[...], 1.0)
    z = (jnp.dot(m1, w1a_ref[...], preferred_element_type=jnp.float32,
                 precision=lax.Precision.DEFAULT)
         + jnp.dot(m2, w1b_ref[...], preferred_element_type=jnp.float32,
                   precision=lax.Precision.DEFAULT)
         + b1_ref[...])
    z = jnp.maximum(z, 0.0)
    out_ref[...] = jnp.dot(z, w2_ref[...], preferred_element_type=jnp.float32,
                           precision=lax.Precision.DEFAULT) + b2_ref[...]


def _head(p1, c1, p2, c2, dp):
    w1a = dp["W1"][:D]
    w1b = dp["W1"][D:]
    b1 = dp["b1"].reshape(1, D)
    w2 = jnp.pad(dp["W2"], ((0, 0), (0, 127)))
    b2 = jnp.pad(dp["b2"], (0, 127)).reshape(1, 128)
    out = pl.pallas_call(
        _head_body,
        out_shape=jax.ShapeDtypeStruct((G, 128), jnp.float32),
    )(p1, c1, p2, c2, w1a, w1b, b1, w2, b2)
    return out[:, :1]


def kernel(x1, edge_index1, graph_ids1, x2, edge_index2, graph_ids2,
           gin_params, dense_params):
    zeros = jnp.zeros((ROWS_PER_TILE, H), jnp.float32)
    src1 = edge_index1[0].reshape(NSUB, EROWS_PER_TILE, EK)
    dst1 = edge_index1[1].reshape(NSUB, EROWS_PER_TILE, EK)
    src2 = edge_index2[0].reshape(NSUB, EROWS_PER_TILE, EK)
    dst2 = edge_index2[1].reshape(NSUB, EROWS_PER_TILE, EK)
    h1l, h1r = x1[:, :H], x1[:, H:]
    h2l, h2r = x2[:, :H], x2[:, H:]
    for p in gin_params:
        a1l, a1r = _sc_agg(zeros, h1l, h1r, src1, dst1)
        h1l, h1r = _mlp(h1l, h1r, a1l[:N], a1r[:N], p)
        a2l, a2r = _sc_agg(zeros, h2l, h2r, src2, dst2)
        h2l, h2r = _mlp(h2l, h2r, a2l[:N], a2r[:N], p)
    p1, c1 = _pool(h1l, h1r, graph_ids1)
    p2, c2 = _pool(h2l, h2r, graph_ids2)
    return _head(p1, c1, p2, c2, dense_params)

# --- scband reference (transcript-rebuilt; emitter-appended) ---
"""Pipeline reference for scband-policy-network-91061896609881 (READ-ONLY COPY).

The authoritative reference and input builder live on the scoring server;
editing this copy changes nothing except your own understanding.
"""

import jax, jax.numpy as jnp
import numpy as np

N = 10000
E = 160000
D = 256
L = 3
G = 64


def setup_inputs(seed: int = 0) -> dict:
    key = jax.random.key(seed)
    ks = jax.random.split(key, 40)
    x1 = jax.random.normal(ks[0], (N, D), dtype=jnp.float32)
    x2 = jax.random.normal(ks[1], (N, D), dtype=jnp.float32)
    edge_index1 = jax.random.randint(ks[2], (2, E), 0, N, dtype=jnp.int32)
    edge_index2 = jax.random.randint(ks[3], (2, E), 0, N, dtype=jnp.int32)
    graph_ids1 = jnp.sort(jax.random.randint(ks[4], (N,), 0, G, dtype=jnp.int32))
    graph_ids2 = jnp.sort(jax.random.randint(ks[5], (N,), 0, G, dtype=jnp.int32))
    # GIN encoder parameters (shared across both graph inputs, as in original module)
    gin_params = []
    ki = 6
    for l in range(L):
        gin_params.append({
            'eps': jnp.zeros((), dtype=jnp.float32),
            'W1': jax.random.normal(ks[ki + 0], (D, D), dtype=jnp.float32) * 0.05,
            'b1': jnp.zeros((D,), dtype=jnp.float32),
            'W2': jax.random.normal(ks[ki + 1], (D, D), dtype=jnp.float32) * 0.05,
            'b2': jnp.zeros((D,), dtype=jnp.float32),
        })
        ki += 2
    dense_params = {
        'W1': jax.random.normal(ks[ki + 0], (2 * D, D), dtype=jnp.float32) * 0.05,
        'b1': jnp.zeros((D,), dtype=jnp.float32),
        'W2': jax.random.normal(ks[ki + 1], (D, 1), dtype=jnp.float32) * 0.05,
        'b2': jnp.zeros((1,), dtype=jnp.float32),
    }
    return {
        'x1': x1, 'edge_index1': edge_index1, 'graph_ids1': graph_ids1,
        'x2': x2, 'edge_index2': edge_index2, 'graph_ids2': graph_ids2,
        'gin_params': gin_params, 'dense_params': dense_params,
    }


def _gin_forward(x, src, dst, gin_params):
    h = x
    for p in gin_params:
        # message passing: sum-aggregate neighbor features (gather + scatter-add)
        agg = jax.ops.segment_sum(h[src], dst, num_segments=h.shape[0])
        z = (1.0 + p['eps']) * h + agg
        z = jnp.maximum(z @ p['W1'] + p['b1'], 0.0)
        z = z @ p['W2'] + p['b2']
        h = jnp.maximum(z, 0.0)
    return h


def _graph_pool(h, gids):
    s = jax.ops.segment_sum(h, gids, num_segments=G)
    c = jax.ops.segment_sum(jnp.ones((h.shape[0], 1), dtype=h.dtype), gids, num_segments=G)
    return s / jnp.maximum(c, 1.0)


def reference(x1, edge_index1, graph_ids1, x2, edge_index2, graph_ids2, gin_params, dense_params):
    # out1 = GIN(x1)['graph_feature']
    h1 = _gin_forward(x1, edge_index1[0], edge_index1[1], gin_params)
    out1 = _graph_pool(h1, graph_ids1)
    # out2 = GIN(x2)['graph_feature'] (shared weights)
    h2 = _gin_forward(x2, edge_index2[0], edge_index2[1], gin_params)
    out2 = _graph_pool(h2, graph_ids2)
    # concat along feature axis, then DENSE head
    out = jnp.concatenate([out1, out2], axis=1)
    out = jnp.maximum(out @ dense_params['W1'] + dense_params['b1'], 0.0)
    out = out @ dense_params['W2'] + dense_params['b2']
    return out

if __name__ == "__main__":
    import jax
    _d = setup_inputs()
    print(jax.jit(kernel)(*tuple(_d.values())))

</pallas_src>

<mosaic_0001>
#map = affine_map<(d0, d1) -> (0, 0)>
#map1 = affine_map<(d0, d1) -> (0, 0, 0)>
module attributes {stable_mosaic.version = 14 : i64} {
  func.func @k(%arg0: i32, %arg1: i32, %arg2: memref<640x128xf32, #tpu.memory_space<hbm>>, %arg3: memref<10000x128xf32, #tpu.memory_space<hbm>>, %arg4: memref<10000x128xf32, #tpu.memory_space<hbm>>, %arg5: memref<16x125x80xi32, #tpu.memory_space<hbm>>, %arg6: memref<16x125x80xi32, #tpu.memory_space<hbm>>, %arg7: memref<10240x128xf32, #tpu.memory_space<hbm>>, %arg8: memref<10240x128xf32, #tpu.memory_space<hbm>>, %arg9: memref<125x80xi32, #tpu.memory_space<vmem>>, %arg10: memref<125x80xi32, #tpu.memory_space<vmem>>, %arg11: memref<80x128xf32, #tpu.memory_space<vmem>>, %arg12: memref<10240x128xf32, #tpu.memory_space<vmem_shared>>, %arg13: memref<!tpu.dma_semaphore, #tpu.memory_space<semaphore_mem>>) attributes {dimension_semantics = [#tpu.dimension_semantics<core_parallel>, #tpu.dimension_semantics<subcore_parallel>], iteration_bounds = array<i64: 2, 16>, scalar_prefetch = 0 : i64, scratch_operands = 5 : i64, tpu.core_type = #tpu.core_type<sc_vector_subcore>, window_params = [{transform_indices = #map}, {transform_indices = #map}, {transform_indices = #map}, {transform_indices = #map1}, {transform_indices = #map1}, {transform_indices = #map}, {transform_indices = #map}]} {
    %mul3A = arith.constant 640 : i32
    %mul3A_0 = arith.muli %arg1, %mul3A : i32
    "tpu.region"() ({
      %run_scoped3A = tpu.sem_alloc : memref<!tpu.dma_semaphore, #tpu.memory_space<semaphore_mem>>
      %dma_start3A = arith.constant 0 : i32
      %dma_start3A_8 = tpu.memref_slice %arg12[%mul3A_0, %dma_start3A] : memref<10240x128xf32, #tpu.memory_space<vmem_shared>> -> memref<640x128xf32, #tpu.memory_space<vmem_shared>>
      tpu.enqueue_dma source(%arg2 : memref<640x128xf32, #tpu.memory_space<hbm>>) target(%dma_start3A_8 : memref<640x128xf32, #tpu.memory_space<vmem_shared>>) target_semaphore(%run_scoped3A : memref<!tpu.dma_semaphore, #tpu.memory_space<semaphore_mem>>)
      %dma_wait3A = arith.constant 0 : i32
      %dma_wait3A_9 = tpu.memref_slice %arg12[%mul3A_0, %dma_wait3A] : memref<10240x128xf32, #tpu.memory_space<vmem_shared>> -> memref<640x128xf32, #tpu.memory_space<vmem_shared>>
      tpu.wait_dma2 semaphore(%run_scoped3A : memref<!tpu.dma_semaphore, #tpu.memory_space<semaphore_mem>>) src(%arg2 : memref<640x128xf32, #tpu.memory_space<hbm>>) dst(%dma_wait3A_9 : memref<640x128xf32, #tpu.memory_space<vmem_shared>>)
      tpu.yield
    }) : () -> ()
    "tpu.region"() ({
      %run_scoped3A = tpu.sem_alloc : memref<!tpu.dma_semaphore, #tpu.memory_space<semaphore_mem>>
      %dma_start3A = arith.constant 0 : i32
      %dma_start3A_8 = arith.constant 0 : i32
      %dma_start3A_9 = tpu.memref_slice %arg5[%arg1, %dma_start3A, %dma_start3A_8] : memref<16x125x80xi32, #tpu.memory_space<hbm>> -> memref<1x125x80xi32, #tpu.memory_space<hbm>>
      %dma_start3A_10 = tpu.memref_squeeze %dma_start3A_9 : memref<1x125x80xi32, #tpu.memory_space<hbm>> -> memref<125x80xi32, #tpu.memory_space<hbm>>
      %dma_start3A_11 = arith.constant 0 : i32
      %dma_start3A_12 = arith.constant 0 : i32
      %dma_start3A_13 = tpu.memref_slice %arg5[%arg1, %dma_start3A_11, %dma_start3A_12] : memref<16x125x80xi32, #tpu.memory_space<hbm>> -> memref<1x125x80xi32, #tpu.memory_space<hbm>>
      %dma_start3A_14 = tpu.memref_squeeze %dma_start3A_13 : memref<1x125x80xi32, #tpu.memory_space<hbm>> -> memref<125x80xi32, #tpu.memory_space<hbm>>
      tpu.enqueue_dma source(%dma_start3A_14 : memref<125x80xi32, #tpu.memory_space<hbm>>) target(%arg9 : memref<125x80xi32, #tpu.memory_space<vmem>>) target_semaphore(%run_scoped3A : memref<!tpu.dma_semaphore, #tpu.memory_space<semaphore_mem>>)
      %dma_wait3A = arith.constant 0 : i32
      %dma_wait3A_15 = arith.constant 0 : i32
      %dma_wait3A_16 = tpu.memref_slice %arg5[%arg1, %dma_wait3A, %dma_wait3A_15] : memref<16x125x80xi32, #tpu.memory_space<hbm>> -> memref<1x125x80xi32, #tpu.memory_space<hbm>>
      %dma_wait3A_17 = tpu.memref_squeeze %dma_wait3A_16 : memref<1x125x80xi32, #tpu.memory_space<hbm>> -> memref<125x80xi32, #tpu.memory_space<hbm>>
      %dma_wait3A_18 = arith.constant 0 : i32
      %dma_wait3A_19 = arith.constant 0 : i32
      %dma_wait3A_20 = tpu.memref_slice %arg5[%arg1, %dma_wait3A_18, %dma_wait3A_19] : memref<16x125x80xi32, #tpu.memory_space<hbm>> -> memref<1x125x80xi32, #tpu.memory_space<hbm>>
      %dma_wait3A_21 = tpu.memref_squeeze %dma_wait3A_20 : memref<1x125x80xi32, #tpu.memory_space<hbm>> -> memref<125x80xi32, #tpu.memory_space<hbm>>
      tpu.wait_dma2 semaphore(%run_scoped3A : memref<!tpu.dma_semaphore, #tpu.memory_space<semaphore_mem>>) src(%dma_wait3A_21 : memref<125x80xi32, #tpu.memory_space<hbm>>) dst(%arg9 : memref<125x80xi32, #tpu.memory_space<vmem>>)
      tpu.yield
    }) : () -> ()
    "tpu.region"() ({
      %run_scoped3A = tpu.sem_alloc : memref<!tpu.dma_semaphore, #tpu.memory_space<semaphore_mem>>
      %dma_start3A = arith.constant 0 : i32
      %dma_start3A_8 = arith.constant 0 : i32
      %dma_start3A_9 = tpu.memref_slice %arg6[%arg1, %dma_start3A, %dma_start3A_8] : memref<16x125x80xi32, #tpu.memory_space<hbm>> -> memref<1x125x80xi32, #tpu.memory_space<hbm>>
      %dma_start3A_10 = tpu.memref_squeeze %dma_start3A_9 : memref<1x125x80xi32, #tpu.memory_space<hbm>> -> memref<125x80xi32, #tpu.memory_space<hbm>>
      %dma_start3A_11 = arith.constant 0 : i32
      %dma_start3A_12 = arith.constant 0 : i32
      %dma_start3A_13 = tpu.memref_slice %arg6[%arg1, %dma_start3A_11, %dma_start3A_12] : memref<16x125x80xi32, #tpu.memory_space<hbm>> -> memref<1x125x80xi32, #tpu.memory_space<hbm>>
      %dma_start3A_14 = tpu.memref_squeeze %dma_start3A_13 : memref<1x125x80xi32, #tpu.memory_space<hbm>> -> memref<125x80xi32, #tpu.memory_space<hbm>>
      tpu.enqueue_dma source(%dma_start3A_14 : memref<125x80xi32, #tpu.memory_space<hbm>>) target(%arg10 : memref<125x80xi32, #tpu.memory_space<vmem>>) target_semaphore(%run_scoped3A : memref<!tpu.dma_semaphore, #tpu.memory_space<semaphore_mem>>)
      %dma_wait3A = arith.constant 0 : i32
      %dma_wait3A_15 = arith.constant 0 : i32
      %dma_wait3A_16 = tpu.memref_slice %arg6[%arg1, %dma_wait3A, %dma_wait3A_15] : memref<16x125x80xi32, #tpu.memory_space<hbm>> -> memref<1x125x80xi32, #tpu.memory_space<hbm>>
      %dma_wait3A_17 = tpu.memref_squeeze %dma_wait3A_16 : memref<1x125x80xi32, #tpu.memory_space<hbm>> -> memref<125x80xi32, #tpu.memory_space<hbm>>
      %dma_wait3A_18 = arith.constant 0 : i32
      %dma_wait3A_19 = arith.constant 0 : i32
      %dma_wait3A_20 = tpu.memref_slice %arg6[%arg1, %dma_wait3A_18, %dma_wait3A_19] : memref<16x125x80xi32, #tpu.memory_space<hbm>> -> memref<1x125x80xi32, #tpu.memory_space<hbm>>
      %dma_wait3A_21 = tpu.memref_squeeze %dma_wait3A_20 : memref<1x125x80xi32, #tpu.memory_space<hbm>> -> memref<125x80xi32, #tpu.memory_space<hbm>>
      tpu.wait_dma2 semaphore(%run_scoped3A : memref<!tpu.dma_semaphore, #tpu.memory_space<semaphore_mem>>) src(%dma_wait3A_21 : memref<125x80xi32, #tpu.memory_space<hbm>>) dst(%arg10 : memref<125x80xi32, #tpu.memory_space<vmem>>)
      tpu.yield
    }) : () -> ()
    %barrier3A = arith.constant 0 : index
    tpu.barrier barrier_id(%barrier3A)
    %eq3A = arith.constant 0 : i32
    %eq3A_1 = arith.cmpi eq, %arg0, %eq3A : i32
    %convert_element_type3A = arith.extui %eq3A_1 : i1 to i32
    %cond3A = arith.constant 0 : i32
    %cond3A_2 = arith.cmpi ne, %convert_element_type3A, %cond3A : i32
    scf.if %cond3A_2 {
      %scan3A = arith.constant 0 : i32
      %scan3A_8 = arith.constant 0 : i32
      %scan3A_9 = arith.constant 125 : i32
      %scan3A_10 = arith.addi %scan3A_8, %scan3A_9 : i32
      %scan3A_11 = arith.constant 1 : i32
      scf.for %scan3A_14 = %scan3A_8 to %scan3A_10 step %scan3A_11  : i32 {
        %dma_start3A = arith.constant 0 : i32
        %dma_start3A_15 = tpu.memref_slice %arg9[%scan3A_14, %dma_start3A] : memref<125x80xi32, #tpu.memory_space<vmem>> -> memref<1x80xi32, #tpu.memory_space<vmem>>
        %dma_start3A_16 = tpu.memref_squeeze %dma_start3A_15 : memref<1x80xi32, #tpu.memory_space<vmem>> -> memref<80xi32, #tpu.memory_space<vmem>>
        %dma_start3A_17 = arith.constant 0 : i32
        %dma_start3A_18 = arith.constant 0 : i32
        %dma_start3A_19 = tpu.memref_slice %arg3[%dma_start3A_17, %dma_start3A_18] : memref<10000x128xf32, #tpu.memory_space<hbm>> -> memref<10000x128xf32, #tpu.memory_space<hbm>>
        tpu.enqueue_indirect_dma source(%dma_start3A_19 : memref<10000x128xf32, #tpu.memory_space<hbm>>) target(%arg11 : memref<80x128xf32, #tpu.memory_space<vmem>>) offsets(%dma_start3A_16 : memref<80xi32, #tpu.memory_space<vmem>>) semaphore(%arg13 : memref<!tpu.dma_semaphore, #tpu.memory_space<semaphore_mem>>)
        %dma_wait3A = arith.constant 0 : i32
        %dma_wait3A_20 = tpu.memref_slice %arg9[%scan3A_14, %dma_wait3A] : memref<125x80xi32, #tpu.memory_space<vmem>> -> memref<1x80xi32, #tpu.memory_space<vmem>>
        %dma_wait3A_21 = tpu.memref_squeeze %dma_wait3A_20 : memref<1x80xi32, #tpu.memory_space<vmem>> -> memref<80xi32, #tpu.memory_space<vmem>>
        %dma_wait3A_22 = arith.constant 0 : i32
        %dma_wait3A_23 = arith.constant 0 : i32
        %dma_wait3A_24 = tpu.memref_slice %arg3[%dma_wait3A_22, %dma_wait3A_23] : memref<10000x128xf32, #tpu.memory_space<hbm>> -> memref<10000x128xf32, #tpu.memory_space<hbm>>
        tpu.wait_indirect_dma semaphore(%arg13 : memref<!tpu.dma_semaphore, #tpu.memory_space<semaphore_mem>>) src(%dma_wait3A_24 : memref<10000x128xf32, #tpu.memory_space<hbm>>) dst(%arg11 : memref<80x128xf32, #tpu.memory_space<vmem>>)
        "tpu.region"() ({
          %run_scoped3A = tpu.sem_alloc : memref<!tpu.dma_semaphore, #tpu.memory_space<semaphore_mem>>
          %dma_start3A_25 = arith.constant 0 : i32
          %dma_start3A_26 = tpu.memref_slice %arg10[%scan3A_14, %dma_start3A_25] : memref<125x80xi32, #tpu.memory_space<vmem>> -> memref<1x80xi32, #tpu.memory_space<vmem>>
          %dma_start3A_27 = tpu.memref_squeeze %dma_start3A_26 : memref<1x80xi32, #tpu.memory_space<vmem>> -> memref<80xi32, #tpu.memory_space<vmem>>
          %dma_start3A_28 = arith.constant 0 : i32
          %dma_start3A_29 = arith.constant 0 : i32
          %dma_start3A_30 = tpu.memref_slice %arg12[%dma_start3A_28, %dma_start3A_29] : memref<10240x128xf32, #tpu.memory_space<vmem_shared>> -> memref<10240x128xf32, #tpu.memory_space<vmem_shared>>
          tpu.enqueue_indirect_dma source(%arg11 : memref<80x128xf32, #tpu.memory_space<vmem>>) target(%dma_start3A_30 : memref<10240x128xf32, #tpu.memory_space<vmem_shared>>) offsets(%dma_start3A_27 : memref<80xi32, #tpu.memory_space<vmem>>) semaphore(%run_scoped3A : memref<!tpu.dma_semaphore, #tpu.memory_space<semaphore_mem>>) {add = true}
          %dma_wait3A_31 = arith.constant 0 : i32
          %dma_wait3A_32 = tpu.memref_slice %arg10[%scan3A_14, %dma_wait3A_31] : memref<125x80xi32, #tpu.memory_space<vmem>> -> memref<1x80xi32, #tpu.memory_space<vmem>>
          %dma_wait3A_33 = tpu.memref_squeeze %dma_wait3A_32 : memref<1x80xi32, #tpu.memory_space<vmem>> -> memref<80xi32, #tpu.memory_space<vmem>>
          %dma_wait3A_34 = arith.constant 0 : i32
          %dma_wait3A_35 = arith.constant 0 : i32
          %dma_wait3A_36 = tpu.memref_slice %arg12[%dma_wait3A_34, %dma_wait3A_35] : memref<10240x128xf32, #tpu.memory_space<vmem_shared>> -> memref<10240x128xf32, #tpu.memory_space<vmem_shared>>
          tpu.wait_indirect_dma semaphore(%run_scoped3A : memref<!tpu.dma_semaphore, #tpu.memory_space<semaphore_mem>>) src(%arg11 : memref<80x128xf32, #tpu.memory_space<vmem>>) dst(%dma_wait3A_36 : memref<10240x128xf32, #tpu.memory_space<vmem_shared>>)
          tpu.yield
        }) : () -> ()
      }
      %scan3A_12 = arith.constant 125 : i32
      %barrier3A_13 = arith.constant 0 : index
      tpu.barrier barrier_id(%barrier3A_13)
      "tpu.region"() ({
        %run_scoped3A = tpu.sem_alloc : memref<!tpu.dma_semaphore, #tpu.memory_space<semaphore_mem>>
        %dma_start3A = arith.constant 0 : i32
        %dma_start3A_14 = tpu.memref_slice %arg7[%mul3A_0, %dma_start3A] : memref<10240x128xf32, #tpu.memory_space<hbm>> -> memref<640x128xf32, #tpu.memory_space<hbm>>
        %dma_start3A_15 = arith.constant 0 : i32
        %dma_start3A_16 = tpu.memref_slice %arg12[%mul3A_0, %dma_start3A_15] : memref<10240x128xf32, #tpu.memory_space<vmem_shared>> -> memref<640x128xf32, #tpu.memory_space<vmem_shared>>
        tpu.enqueue_dma source(%dma_start3A_16 : memref<640x128xf32, #tpu.memory_space<vmem_shared>>) target(%dma_start3A_14 : memref<640x128xf32, #tpu.memory_space<hbm>>) target_semaphore(%run_scoped3A : memref<!tpu.dma_semaphore, #tpu.memory_space<semaphore_mem>>)
        %dma_wait3A = arith.constant 0 : i32
        %dma_wait3A_17 = tpu.memref_slice %arg7[%mul3A_0, %dma_wait3A] : memref<10240x128xf32, #tpu.memory_space<hbm>> -> memref<640x128xf32, #tpu.memory_space<hbm>>
        %dma_wait3A_18 = arith.constant 0 : i32
        %dma_wait3A_19 = tpu.memref_slice %arg12[%mul3A_0, %dma_wait3A_18] : memref<10240x128xf32, #tpu.memory_space<vmem_shared>> -> memref<640x128xf32, #tpu.memory_space<vmem_shared>>
        tpu.wait_dma2 semaphore(%run_scoped3A : memref<!tpu.dma_semaphore, #tpu.memory_space<semaphore_mem>>) src(%dma_wait3A_19 : memref<640x128xf32, #tpu.memory_space<vmem_shared>>) dst(%dma_wait3A_17 : memref<640x128xf32, #tpu.memory_space<hbm>>)
        tpu.yield
      }) : () -> ()
    } else {
    }
    %eq3A_3 = arith.constant 1 : i32
    %eq3A_4 = arith.cmpi eq, %arg0, %eq3A_3 : i32
    %convert_element_type3A_5 = arith.extui %eq3A_4 : i1 to i32
    %cond3A_6 = arith.constant 0 : i32
    %cond3A_7 = arith.cmpi ne, %convert_element_type3A_5, %cond3A_6 : i32
    scf.if %cond3A_7 {
      %scan3A = arith.constant 0 : i32
      %scan3A_8 = arith.constant 0 : i32
      %scan3A_9 = arith.constant 125 : i32
      %scan3A_10 = arith.addi %scan3A_8, %scan3A_9 : i32
      %scan3A_11 = arith.constant 1 : i32
      scf.for %scan3A_14 = %scan3A_8 to %scan3A_10 step %scan3A_11  : i32 {
        %dma_start3A = arith.constant 0 : i32
        %dma_start3A_15 = tpu.memref_slice %arg9[%scan3A_14, %dma_start3A] : memref<125x80xi32, #tpu.memory_space<vmem>> -> memref<1x80xi32, #tpu.memory_space<vmem>>
        %dma_start3A_16 = tpu.memref_squeeze %dma_start3A_15 : memref<1x80xi32, #tpu.memory_space<vmem>> -> memref<80xi32, #tpu.memory_space<vmem>>
        %dma_start3A_17 = arith.constant 0 : i32
        %dma_start3A_18 = arith.constant 0 : i32
        %dma_start3A_19 = tpu.memref_slice %arg4[%dma_start3A_17, %dma_start3A_18] : memref<10000x128xf32, #tpu.memory_space<hbm>> -> memref<10000x128xf32, #tpu.memory_space<hbm>>
        tpu.enqueue_indirect_dma source(%dma_start3A_19 : memref<10000x128xf32, #tpu.memory_space<hbm>>) target(%arg11 : memref<80x128xf32, #tpu.memory_space<vmem>>) offsets(%dma_start3A_16 : memref<80xi32, #tpu.memory_space<vmem>>) semaphore(%arg13 : memref<!tpu.dma_semaphore, #tpu.memory_space<semaphore_mem>>)
        %dma_wait3A = arith.constant 0 : i32
        %dma_wait3A_20 = tpu.memref_slice %arg9[%scan3A_14, %dma_wait3A] : memref<125x80xi32, #tpu.memory_space<vmem>> -> memref<1x80xi32, #tpu.memory_space<vmem>>
        %dma_wait3A_21 = tpu.memref_squeeze %dma_wait3A_20 : memref<1x80xi32, #tpu.memory_space<vmem>> -> memref<80xi32, #tpu.memory_space<vmem>>
        %dma_wait3A_22 = arith.constant 0 : i32
        %dma_wait3A_23 = arith.constant 0 : i32
        %dma_wait3A_24 = tpu.memref_slice %arg4[%dma_wait3A_22, %dma_wait3A_23] : memref<10000x128xf32, #tpu.memory_space<hbm>> -> memref<10000x128xf32, #tpu.memory_space<hbm>>
        tpu.wait_indirect_dma semaphore(%arg13 : memref<!tpu.dma_semaphore, #tpu.memory_space<semaphore_mem>>) src(%dma_wait3A_24 : memref<10000x128xf32, #tpu.memory_space<hbm>>) dst(%arg11 : memref<80x128xf32, #tpu.memory_space<vmem>>)
        "tpu.region"() ({
          %run_scoped3A = tpu.sem_alloc : memref<!tpu.dma_semaphore, #tpu.memory_space<semaphore_mem>>
          %dma_start3A_25 = arith.constant 0 : i32
          %dma_start3A_26 = tpu.memref_slice %arg10[%scan3A_14, %dma_start3A_25] : memref<125x80xi32, #tpu.memory_space<vmem>> -> memref<1x80xi32, #tpu.memory_space<vmem>>
          %dma_start3A_27 = tpu.memref_squeeze %dma_start3A_26 : memref<1x80xi32, #tpu.memory_space<vmem>> -> memref<80xi32, #tpu.memory_space<vmem>>
          %dma_start3A_28 = arith.constant 0 : i32
          %dma_start3A_29 = arith.constant 0 : i32
          %dma_start3A_30 = tpu.memref_slice %arg12[%dma_start3A_28, %dma_start3A_29] : memref<10240x128xf32, #tpu.memory_space<vmem_shared>> -> memref<10240x128xf32, #tpu.memory_space<vmem_shared>>
          tpu.enqueue_indirect_dma source(%arg11 : memref<80x128xf32, #tpu.memory_space<vmem>>) target(%dma_start3A_30 : memref<10240x128xf32, #tpu.memory_space<vmem_shared>>) offsets(%dma_start3A_27 : memref<80xi32, #tpu.memory_space<vmem>>) semaphore(%run_scoped3A : memref<!tpu.dma_semaphore, #tpu.memory_space<semaphore_mem>>) {add = true}
          %dma_wait3A_31 = arith.constant 0 : i32
          %dma_wait3A_32 = tpu.memref_slice %arg10[%scan3A_14, %dma_wait3A_31] : memref<125x80xi32, #tpu.memory_space<vmem>> -> memref<1x80xi32, #tpu.memory_space<vmem>>
          %dma_wait3A_33 = tpu.memref_squeeze %dma_wait3A_32 : memref<1x80xi32, #tpu.memory_space<vmem>> -> memref<80xi32, #tpu.memory_space<vmem>>
          %dma_wait3A_34 = arith.constant 0 : i32
          %dma_wait3A_35 = arith.constant 0 : i32
          %dma_wait3A_36 = tpu.memref_slice %arg12[%dma_wait3A_34, %dma_wait3A_35] : memref<10240x128xf32, #tpu.memory_space<vmem_shared>> -> memref<10240x128xf32, #tpu.memory_space<vmem_shared>>
          tpu.wait_indirect_dma semaphore(%run_scoped3A : memref<!tpu.dma_semaphore, #tpu.memory_space<semaphore_mem>>) src(%arg11 : memref<80x128xf32, #tpu.memory_space<vmem>>) dst(%dma_wait3A_36 : memref<10240x128xf32, #tpu.memory_space<vmem_shared>>)
          tpu.yield
        }) : () -> ()
      }
      %scan3A_12 = arith.constant 125 : i32
      %barrier3A_13 = arith.constant 0 : index
      tpu.barrier barrier_id(%barrier3A_13)
      "tpu.region"() ({
        %run_scoped3A = tpu.sem_alloc : memref<!tpu.dma_semaphore, #tpu.memory_space<semaphore_mem>>
        %dma_start3A = arith.constant 0 : i32
        %dma_start3A_14 = tpu.memref_slice %arg8[%mul3A_0, %dma_start3A] : memref<10240x128xf32, #tpu.memory_space<hbm>> -> memref<640x128xf32, #tpu.memory_space<hbm>>
        %dma_start3A_15 = arith.constant 0 : i32
        %dma_start3A_16 = tpu.memref_slice %arg12[%mul3A_0, %dma_start3A_15] : memref<10240x128xf32, #tpu.memory_space<vmem_shared>> -> memref<640x128xf32, #tpu.memory_space<vmem_shared>>
        tpu.enqueue_dma source(%dma_start3A_16 : memref<640x128xf32, #tpu.memory_space<vmem_shared>>) target(%dma_start3A_14 : memref<640x128xf32, #tpu.memory_space<hbm>>) target_semaphore(%run_scoped3A : memref<!tpu.dma_semaphore, #tpu.memory_space<semaphore_mem>>)
        %dma_wait3A = arith.constant 0 : i32
        %dma_wait3A_17 = tpu.memref_slice %arg8[%mul3A_0, %dma_wait3A] : memref<10240x128xf32, #tpu.memory_space<hbm>> -> memref<640x128xf32, #tpu.memory_space<hbm>>
        %dma_wait3A_18 = arith.constant 0 : i32
        %dma_wait3A_19 = tpu.memref_slice %arg12[%mul3A_0, %dma_wait3A_18] : memref<10240x128xf32, #tpu.memory_space<vmem_shared>> -> memref<640x128xf32, #tpu.memory_space<vmem_shared>>
        tpu.wait_dma2 semaphore(%run_scoped3A : memref<!tpu.dma_semaphore, #tpu.memory_space<semaphore_mem>>) src(%dma_wait3A_19 : memref<640x128xf32, #tpu.memory_space<vmem_shared>>) dst(%dma_wait3A_17 : memref<640x128xf32, #tpu.memory_space<hbm>>)
        tpu.yield
      }) : () -> ()
    } else {
    }
    return
  }
}

#map = affine_map<(d0, d1) -> (0, 0)>
#map1 = affine_map<(d0, d1) -> (0, 0, 0)>
module attributes {stable_mosaic.version = 14 : i64} {
  func.func @k(%arg0: i32, %arg1: i32, %arg2: memref<640x128xf32, #tpu.memory_space<hbm>>, %arg3: memref<10000x128xf32, #tpu.memory_space<hbm>>, %arg4: memref<10000x128xf32, #tpu.memory_space<hbm>>, %arg5: memref<16x125x80xi32, #tpu.memory_space<hbm>>, %arg6: memref<16x125x80xi32, #tpu.memory_space<hbm>>, %arg7: memref<10240x128xf32, #tpu.memory_space<hbm>>, %arg8: memref<10240x128xf32, #tpu.memory_space<hbm>>, %arg9: memref<125x80xi32, #tpu.memory_space<vmem>>, %arg10: memref<125x80xi32, #tpu.memory_space<vmem>>, %arg11: memref<80x128xf32, #tpu.memory_space<vmem>>, %arg12: memref<10240x128xf32, #tpu.memory_space<vmem_shared>>, %arg13: memref<!tpu.dma_semaphore, #tpu.memory_space<semaphore_mem>>) attributes {dimension_semantics = [#tpu.dimension_semantics<core_parallel>, #tpu.dimension_semantics<subcore_parallel>], iteration_bounds = array<i64: 2, 16>, scalar_prefetch = 0 : i64, scratch_operands = 5 : i64, tpu.core_type = #tpu.core_type<sc_vector_subcore>, window_params = [{transform_indices = #map}, {transform_indices = #map}, {transform_indices = #map}, {transform_indices = #map1}, {transform_indices = #map1}, {transform_indices = #map}, {transform_indices = #map}]} {
    %mul3A = arith.constant 640 : i32
    %mul3A_0 = arith.muli %arg1, %mul3A : i32
    "tpu.region"() ({
      %run_scoped3A = tpu.sem_alloc : memref<!tpu.dma_semaphore, #tpu.memory_space<semaphore_mem>>
      %dma_start3A = arith.constant 0 : i32
      %dma_start3A_8 = tpu.memref_slice %arg12[%mul3A_0, %dma_start3A] : memref<10240x128xf32, #tpu.memory_space<vmem_shared>> -> memref<640x128xf32, #tpu.memory_space<vmem_shared>>
      tpu.enqueue_dma source(%arg2 : memref<640x128xf32, #tpu.memory_space<hbm>>) target(%dma_start3A_8 : memref<640x128xf32, #tpu.memory_space<vmem_shared>>) target_semaphore(%run_scoped3A : memref<!tpu.dma_semaphore, #tpu.memory_space<semaphore_mem>>)
      %dma_wait3A = arith.constant 0 : i32
      %dma_wait3A_9 = tpu.memref_slice %arg12[%mul3A_0, %dma_wait3A] : memref<10240x128xf32, #tpu.memory_space<vmem_shared>> -> memref<640x128xf32, #tpu.memory_space<vmem_shared>>
      tpu.wait_dma2 semaphore(%run_scoped3A : memref<!tpu.dma_semaphore, #tpu.memory_space<semaphore_mem>>) src(%arg2 : memref<640x128xf32, #tpu.memory_space<hbm>>) dst(%dma_wait3A_9 : memref<640x128xf32, #tpu.memory_space<vmem_shared>>)
      tpu.yield
    }) : () -> ()
    "tpu.region"() ({
      %run_scoped3A = tpu.sem_alloc : memref<!tpu.dma_semaphore, #tpu.memory_space<semaphore_mem>>
      %dma_start3A = arith.constant 0 : i32
      %dma_start3A_8 = arith.constant 0 : i32
      %dma_start3A_9 = tpu.memref_slice %arg5[%arg1, %dma_start3A, %dma_start3A_8] : memref<16x125x80xi32, #tpu.memory_space<hbm>> -> memref<1x125x80xi32, #tpu.memory_space<hbm>>
      %dma_start3A_10 = tpu.memref_squeeze %dma_start3A_9 : memref<1x125x80xi32, #tpu.memory_space<hbm>> -> memref<125x80xi32, #tpu.memory_space<hbm>>
      %dma_start3A_11 = arith.constant 0 : i32
      %dma_start3A_12 = arith.constant 0 : i32
      %dma_start3A_13 = tpu.memref_slice %arg5[%arg1, %dma_start3A_11, %dma_start3A_12] : memref<16x125x80xi32, #tpu.memory_space<hbm>> -> memref<1x125x80xi32, #tpu.memory_space<hbm>>
      %dma_start3A_14 = tpu.memref_squeeze %dma_start3A_13 : memref<1x125x80xi32, #tpu.memory_space<hbm>> -> memref<125x80xi32, #tpu.memory_space<hbm>>
      tpu.enqueue_dma source(%dma_start3A_14 : memref<125x80xi32, #tpu.memory_space<hbm>>) target(%arg9 : memref<125x80xi32, #tpu.memory_space<vmem>>) target_semaphore(%run_scoped3A : memref<!tpu.dma_semaphore, #tpu.memory_space<semaphore_mem>>)
      %dma_wait3A = arith.constant 0 : i32
      %dma_wait3A_15 = arith.constant 0 : i32
      %dma_wait3A_16 = tpu.memref_slice %arg5[%arg1, %dma_wait3A, %dma_wait3A_15] : memref<16x125x80xi32, #tpu.memory_space<hbm>> -> memref<1x125x80xi32, #tpu.memory_space<hbm>>
      %dma_wait3A_17 = tpu.memref_squeeze %dma_wait3A_16 : memref<1x125x80xi32, #tpu.memory_space<hbm>> -> memref<125x80xi32, #tpu.memory_space<hbm>>
      %dma_wait3A_18 = arith.constant 0 : i32
      %dma_wait3A_19 = arith.constant 0 : i32
      %dma_wait3A_20 = tpu.memref_slice %arg5[%arg1, %dma_wait3A_18, %dma_wait3A_19] : memref<16x125x80xi32, #tpu.memory_space<hbm>> -> memref<1x125x80xi32, #tpu.memory_space<hbm>>
      %dma_wait3A_21 = tpu.memref_squeeze %dma_wait3A_20 : memref<1x125x80xi32, #tpu.memory_space<hbm>> -> memref<125x80xi32, #tpu.memory_space<hbm>>
      tpu.wait_dma2 semaphore(%run_scoped3A : memref<!tpu.dma_semaphore, #tpu.memory_space<semaphore_mem>>) src(%dma_wait3A_21 : memref<125x80xi32, #tpu.memory_space<hbm>>) dst(%arg9 : memref<125x80xi32, #tpu.memory_space<vmem>>)
      tpu.yield
    }) : () -> ()
    "tpu.region"() ({
      %run_scoped3A = tpu.sem_alloc : memref<!tpu.dma_semaphore, #tpu.memory_space<semaphore_mem>>
      %dma_start3A = arith.constant 0 : i32
      %dma_start3A_8 = arith.constant 0 : i32
      %dma_start3A_9 = tpu.memref_slice %arg6[%arg1, %dma_start3A, %dma_start3A_8] : memref<16x125x80xi32, #tpu.memory_space<hbm>> -> memref<1x125x80xi32, #tpu.memory_space<hbm>>
      %dma_start3A_10 = tpu.memref_squeeze %dma_start3A_9 : memref<1x125x80xi32, #tpu.memory_space<hbm>> -> memref<125x80xi32, #tpu.memory_space<hbm>>
      %dma_start3A_11 = arith.constant 0 : i32
      %dma_start3A_12 = arith.constant 0 : i32
      %dma_start3A_13 = tpu.memref_slice %arg6[%arg1, %dma_start3A_11, %dma_start3A_12] : memref<16x125x80xi32, #tpu.memory_space<hbm>> -> memref<1x125x80xi32, #tpu.memory_space<hbm>>
      %dma_start3A_14 = tpu.memref_squeeze %dma_start3A_13 : memref<1x125x80xi32, #tpu.memory_space<hbm>> -> memref<125x80xi32, #tpu.memory_space<hbm>>
      tpu.enqueue_dma source(%dma_start3A_14 : memref<125x80xi32, #tpu.memory_space<hbm>>) target(%arg10 : memref<125x80xi32, #tpu.memory_space<vmem>>) target_semaphore(%run_scoped3A : memref<!tpu.dma_semaphore, #tpu.memory_space<semaphore_mem>>)
      %dma_wait3A = arith.constant 0 : i32
      %dma_wait3A_15 = arith.constant 0 : i32
      %dma_wait3A_16 = tpu.memref_slice %arg6[%arg1, %dma_wait3A, %dma_wait3A_15] : memref<16x125x80xi32, #tpu.memory_space<hbm>> -> memref<1x125x80xi32, #tpu.memory_space<hbm>>
      %dma_wait3A_17 = tpu.memref_squeeze %dma_wait3A_16 : memref<1x125x80xi32, #tpu.memory_space<hbm>> -> memref<125x80xi32, #tpu.memory_space<hbm>>
      %dma_wait3A_18 = arith.constant 0 : i32
      %dma_wait3A_19 = arith.constant 0 : i32
      %dma_wait3A_20 = tpu.memref_slice %arg6[%arg1, %dma_wait3A_18, %dma_wait3A_19] : memref<16x125x80xi32, #tpu.memory_space<hbm>> -> memref<1x125x80xi32, #tpu.memory_space<hbm>>
      %dma_wait3A_21 = tpu.memref_squeeze %dma_wait3A_20 : memref<1x125x80xi32, #tpu.memory_space<hbm>> -> memref<125x80xi32, #tpu.memory_space<hbm>>
      tpu.wait_dma2 semaphore(%run_scoped3A : memref<!tpu.dma_semaphore, #tpu.memory_space<semaphore_mem>>) src(%dma_wait3A_21 : memref<125x80xi32, #tpu.memory_space<hbm>>) dst(%arg10 : memref<125x80xi32, #tpu.memory_space<vmem>>)
      tpu.yield
    }) : () -> ()
    %barrier3A = arith.constant 0 : index
    tpu.barrier barrier_id(%barrier3A)
    %eq3A = arith.constant 0 : i32
    %eq3A_1 = arith.cmpi eq, %arg0, %eq3A : i32
    %convert_element_type3A = arith.extui %eq3A_1 : i1 to i32
    %cond3A = arith.constant 0 : i32
    %cond3A_2 = arith.cmpi ne, %convert_element_type3A, %cond3A : i32
    scf.if %cond3A_2 {
      %scan3A = arith.constant 0 : i32
      %scan3A_8 = arith.constant 0 : i32
      %scan3A_9 = arith.constant 125 : i32
      %scan3A_10 = arith.addi %scan3A_8, %scan3A_9 : i32
      %scan3A_11 = arith.constant 1 : i32
      scf.for %scan3A_14 = %scan3A_8 to %scan3A_10 step %scan3A_11  : i32 {
        %dma_start3A = arith.constant 0 : i32
        %dma_start3A_15 = tpu.memref_slice %arg9[%scan3A_14, %dma_start3A] : memref<125x80xi32, #tpu.memory_space<vmem>> -> memref<1x80xi32, #tpu.memory_space<vmem>>
        %dma_start3A_16 = tpu.memref_squeeze %dma_start3A_15 : memref<1x80xi32, #tpu.memory_space<vmem>> -> memref<80xi32, #tpu.memory_space<vmem>>
        %dma_start3A_17 = arith.constant 0 : i32
        %dma_start3A_18 = arith.constant 0 : i32
        %dma_start3A_19 = tpu.memref_slice %arg3[%dma_start3A_17, %dma_start3A_18] : memref<10000x128xf32, #tpu.memory_space<hbm>> -> memref<10000x128xf32, #tpu.memory_space<hbm>>
        tpu.enqueue_indirect_dma source(%dma_start3A_19 : memref<10000x128xf32, #tpu.memory_space<hbm>>) target(%arg11 : memref<80x128xf32, #tpu.memory_space<vmem>>) offsets(%dma_start3A_16 : memref<80xi32, #tpu.memory_space<vmem>>) semaphore(%arg13 : memref<!tpu.dma_semaphore, #tpu.memory_space<semaphore_mem>>)
        %dma_wait3A = arith.constant 0 : i32
        %dma_wait3A_20 = tpu.memref_slice %arg9[%scan3A_14, %dma_wait3A] : memref<125x80xi32, #tpu.memory_space<vmem>> -> memref<1x80xi32, #tpu.memory_space<vmem>>
        %dma_wait3A_21 = tpu.memref_squeeze %dma_wait3A_20 : memref<1x80xi32, #tpu.memory_space<vmem>> -> memref<80xi32, #tpu.memory_space<vmem>>
        %dma_wait3A_22 = arith.constant 0 : i32
        %dma_wait3A_23 = arith.constant 0 : i32
        %dma_wait3A_24 = tpu.memref_slice %arg3[%dma_wait3A_22, %dma_wait3A_23] : memref<10000x128xf32, #tpu.memory_space<hbm>> -> memref<10000x128xf32, #tpu.memory_space<hbm>>
        tpu.wait_indirect_dma semaphore(%arg13 : memref<!tpu.dma_semaphore, #tpu.memory_space<semaphore_mem>>) src(%dma_wait3A_24 : memref<10000x128xf32, #tpu.memory_space<hbm>>) dst(%arg11 : memref<80x128xf32, #tpu.memory_space<vmem>>)
        "tpu.region"() ({
          %run_scoped3A = tpu.sem_alloc : memref<!tpu.dma_semaphore, #tpu.memory_space<semaphore_mem>>
          %dma_start3A_25 = arith.constant 0 : i32
          %dma_start3A_26 = tpu.memref_slice %arg10[%scan3A_14, %dma_start3A_25] : memref<125x80xi32, #tpu.memory_space<vmem>> -> memref<1x80xi32, #tpu.memory_space<vmem>>
          %dma_start3A_27 = tpu.memref_squeeze %dma_start3A_26 : memref<1x80xi32, #tpu.memory_space<vmem>> -> memref<80xi32, #tpu.memory_space<vmem>>
          %dma_start3A_28 = arith.constant 0 : i32
          %dma_start3A_29 = arith.constant 0 : i32
          %dma_start3A_30 = tpu.memref_slice %arg12[%dma_start3A_28, %dma_start3A_29] : memref<10240x128xf32, #tpu.memory_space<vmem_shared>> -> memref<10240x128xf32, #tpu.memory_space<vmem_shared>>
          tpu.enqueue_indirect_dma source(%arg11 : memref<80x128xf32, #tpu.memory_space<vmem>>) target(%dma_start3A_30 : memref<10240x128xf32, #tpu.memory_space<vmem_shared>>) offsets(%dma_start3A_27 : memref<80xi32, #tpu.memory_space<vmem>>) semaphore(%run_scoped3A : memref<!tpu.dma_semaphore, #tpu.memory_space<semaphore_mem>>) {add = true}
          %dma_wait3A_31 = arith.constant 0 : i32
          %dma_wait3A_32 = tpu.memref_slice %arg10[%scan3A_14, %dma_wait3A_31] : memref<125x80xi32, #tpu.memory_space<vmem>> -> memref<1x80xi32, #tpu.memory_space<vmem>>
          %dma_wait3A_33 = tpu.memref_squeeze %dma_wait3A_32 : memref<1x80xi32, #tpu.memory_space<vmem>> -> memref<80xi32, #tpu.memory_space<vmem>>
          %dma_wait3A_34 = arith.constant 0 : i32
          %dma_wait3A_35 = arith.constant 0 : i32
          %dma_wait3A_36 = tpu.memref_slice %arg12[%dma_wait3A_34, %dma_wait3A_35] : memref<10240x128xf32, #tpu.memory_space<vmem_shared>> -> memref<10240x128xf32, #tpu.memory_space<vmem_shared>>
          tpu.wait_indirect_dma semaphore(%run_scoped3A : memref<!tpu.dma_semaphore, #tpu.memory_space<semaphore_mem>>) src(%arg11 : memref<80x128xf32, #tpu.memory_space<vmem>>) dst(%dma_wait3A_36 : memref<10240x128xf32, #tpu.memory_space<vmem_shared>>)
          tpu.yield
        }) : () -> ()
      }
      %scan3A_12 = arith.constant 125 : i32
      %barrier3A_13 = arith.constant 0 : index
      tpu.barrier barrier_id(%barrier3A_13)
      "tpu.region"() ({
        %run_scoped3A = tpu.sem_alloc : memref<!tpu.dma_semaphore, #tpu.memory_space<semaphore_mem>>
        %dma_start3A = arith.constant 0 : i32
        %dma_start3A_14 = tpu.memref_slice %arg7[%mul3A_0, %dma_start3A] : memref<10240x128xf32, #tpu.memory_space<hbm>> -> memref<640x128xf32, #tpu.memory_space<hbm>>
        %dma_start3A_15 = arith.constant 0 : i32
        %dma_start3A_16 = tpu.memref_slice %arg12[%mul3A_0, %dma_start3A_15] : memref<10240x128xf32, #tpu.memory_space<vmem_shared>> -> memref<640x128xf32, #tpu.memory_space<vmem_shared>>
        tpu.enqueue_dma source(%dma_start3A_16 : memref<640x128xf32, #tpu.memory_space<vmem_shared>>) target(%dma_start3A_14 : memref<640x128xf32, #tpu.memory_space<hbm>>) target_semaphore(%run_scoped3A : memref<!tpu.dma_semaphore, #tpu.memory_space<semaphore_mem>>)
        %dma_wait3A = arith.constant 0 : i32
        %dma_wait3A_17 = tpu.memref_slice %arg7[%mul3A_0, %dma_wait3A] : memref<10240x128xf32, #tpu.memory_space<hbm>> -> memref<640x128xf32, #tpu.memory_space<hbm>>
        %dma_wait3A_18 = arith.constant 0 : i32
        %dma_wait3A_19 = tpu.memref_slice %arg12[%mul3A_0, %dma_wait3A_18] : memref<10240x128xf32, #tpu.memory_space<vmem_shared>> -> memref<640x128xf32, #tpu.memory_space<vmem_shared>>
        tpu.wait_dma2 semaphore(%run_scoped3A : memref<!tpu.dma_semaphore, #tpu.memory_space<semaphore_mem>>) src(%dma_wait3A_19 : memref<640x128xf32, #tpu.memory_space<vmem_shared>>) dst(%dma_wait3A_17 : memref<640x128xf32, #tpu.memory_space<hbm>>)
        tpu.yield
      }) : () -> ()
    } else {
    }
    %eq3A_3 = arith.constant 1 : i32
    %eq3A_4 = arith.cmpi eq, %arg0, %eq3A_3 : i32
    %convert_element_type3A_5 = arith.extui %eq3A_4 : i1 to i32
    %cond3A_6 = arith.constant 0 : i32
    %cond3A_7 = arith.cmpi ne, %convert_element_type3A_5, %cond3A_6 : i32
    scf.if %cond3A_7 {
      %scan3A = arith.constant 0 : i32
      %scan3A_8 = arith.constant 0 : i32
      %scan3A_9 = arith.constant 125 : i32
      %scan3A_10 = arith.addi %scan3A_8, %scan3A_9 : i32
      %scan3A_11 = arith.constant 1 : i32
      scf.for %scan3A_14 = %scan3A_8 to %scan3A_10 step %scan3A_11  : i32 {
        %dma_start3A = arith.constant 0 : i32
        %dma_start3A_15 = tpu.memref_slice %arg9[%scan3A_14, %dma_start3A] : memref<125x80xi32, #tpu.memory_space<vmem>> -> memref<1x80xi32, #tpu.memory_space<vmem>>
        %dma_start3A_16 = tpu.memref_squeeze %dma_start3A_15 : memref<1x80xi32, #tpu.memory_space<vmem>> -> memref<80xi32, #tpu.memory_space<vmem>>
        %dma_start3A_17 = arith.constant 0 : i32
        %dma_start3A_18 = arith.constant 0 : i32
        %dma_start3A_19 = tpu.memref_slice %arg4[%dma_start3A_17, %dma_start3A_18] : memref<10000x128xf32, #tpu.memory_space<hbm>> -> memref<10000x128xf32, #tpu.memory_space<hbm>>
        tpu.enqueue_indirect_dma source(%dma_start3A_19 : memref<10000x128xf32, #tpu.memory_space<hbm>>) target(%arg11 : memref<80x128xf32, #tpu.memory_space<vmem>>) offsets(%dma_start3A_16 : memref<80xi32, #tpu.memory_space<vmem>>) semaphore(%arg13 : memref<!tpu.dma_semaphore, #tpu.memory_space<semaphore_mem>>)
        %dma_wait3A = arith.constant 0 : i32
        %dma_wait3A_20 = tpu.memref_slice %arg9[%scan3A_14, %dma_wait3A] : memref<125x80xi32, #tpu.memory_space<vmem>> -> memref<1x80xi32, #tpu.memory_space<vmem>>
        %dma_wait3A_21 = tpu.memref_squeeze %dma_wait3A_20 : memref<1x80xi32, #tpu.memory_space<vmem>> -> memref<80xi32, #tpu.memory_space<vmem>>
        %dma_wait3A_22 = arith.constant 0 : i32
        %dma_wait3A_23 = arith.constant 0 : i32
        %dma_wait3A_24 = tpu.memref_slice %arg4[%dma_wait3A_22, %dma_wait3A_23] : memref<10000x128xf32, #tpu.memory_space<hbm>> -> memref<10000x128xf32, #tpu.memory_space<hbm>>
        tpu.wait_indirect_dma semaphore(%arg13 : memref<!tpu.dma_semaphore, #tpu.memory_space<semaphore_mem>>) src(%dma_wait3A_24 : memref<10000x128xf32, #tpu.memory_space<hbm>>) dst(%arg11 : memref<80x128xf32, #tpu.memory_space<vmem>>)
        "tpu.region"() ({
          %run_scoped3A = tpu.sem_alloc : memref<!tpu.dma_semaphore, #tpu.memory_space<semaphore_mem>>
          %dma_start3A_25 = arith.constant 0 : i32
          %dma_start3A_26 = tpu.memref_slice %arg10[%scan3A_14, %dma_start3A_25] : memref<125x80xi32, #tpu.memory_space<vmem>> -> memref<1x80xi32, #tpu.memory_space<vmem>>
          %dma_start3A_27 = tpu.memref_squeeze %dma_start3A_26 : memref<1x80xi32, #tpu.memory_space<vmem>> -> memref<80xi32, #tpu.memory_space<vmem>>
          %dma_start3A_28 = arith.constant 0 : i32
          %dma_start3A_29 = arith.constant 0 : i32
          %dma_start3A_30 = tpu.memref_slice %arg12[%dma_start3A_28, %dma_start3A_29] : memref<10240x128xf32, #tpu.memory_space<vmem_shared>> -> memref<10240x128xf32, #tpu.memory_space<vmem_shared>>
          tpu.enqueue_indirect_dma source(%arg11 : memref<80x128xf32, #tpu.memory_space<vmem>>) target(%dma_start3A_30 : memref<10240x128xf32, #tpu.memory_space<vmem_shared>>) offsets(%dma_start3A_27 : memref<80xi32, #tpu.memory_space<vmem>>) semaphore(%run_scoped3A : memref<!tpu.dma_semaphore, #tpu.memory_space<semaphore_mem>>) {add = true}
          %dma_wait3A_31 = arith.constant 0 : i32
          %dma_wait3A_32 = tpu.memref_slice %arg10[%scan3A_14, %dma_wait3A_31] : memref<125x80xi32, #tpu.memory_space<vmem>> -> memref<1x80xi32, #tpu.memory_space<vmem>>
          %dma_wait3A_33 = tpu.memref_squeeze %dma_wait3A_32 : memref<1x80xi32, #tpu.memory_space<vmem>> -> memref<80xi32, #tpu.memory_space<vmem>>
          %dma_wait3A_34 = arith.constant 0 : i32
          %dma_wait3A_35 = arith.constant 0 : i32
          %dma_wait3A_36 = tpu.memref_slice %arg12[%dma_wait3A_34, %dma_wait3A_35] : memref<10240x128xf32, #tpu.memory_space<vmem_shared>> -> memref<10240x128xf32, #tpu.memory_space<vmem_shared>>
          tpu.wait_indirect_dma semaphore(%run_scoped3A : memref<!tpu.dma_semaphore, #tpu.memory_space<semaphore_mem>>) src(%arg11 : memref<80x128xf32, #tpu.memory_space<vmem>>) dst(%dma_wait3A_36 : memref<10240x128xf32, #tpu.memory_space<vmem_shared>>)
          tpu.yield
        }) : () -> ()
      }
      %scan3A_12 = arith.constant 125 : i32
      %barrier3A_13 = arith.constant 0 : index
      tpu.barrier barrier_id(%barrier3A_13)
      "tpu.region"() ({
        %run_scoped3A = tpu.sem_alloc : memref<!tpu.dma_semaphore, #tpu.memory_space<semaphore_mem>>
        %dma_start3A = arith.constant 0 : i32
        %dma_start3A_14 = tpu.memref_slice %arg8[%mul3A_0, %dma_start3A] : memref<10240x128xf32, #tpu.memory_space<hbm>> -> memref<640x128xf32, #tpu.memory_space<hbm>>
        %dma_start3A_15 = arith.constant 0 : i32
        %dma_start3A_16 = tpu.memref_slice %arg12[%mul3A_0, %dma_start3A_15] : memref<10240x128xf32, #tpu.memory_space<vmem_shared>> -> memref<640x128xf32, #tpu.memory_space<vmem_shared>>
        tpu.enqueue_dma source(%dma_start3A_16 : memref<640x128xf32, #tpu.memory_space<vmem_shared>>) target(%dma_start3A_14 : memref<640x128xf32, #tpu.memory_space<hbm>>) target_semaphore(%run_scoped3A : memref<!tpu.dma_semaphore, #tpu.memory_space<semaphore_mem>>)
        %dma_wait3A = arith.constant 0 : i32
        %dma_wait3A_17 = tpu.memref_slice %arg8[%mul3A_0, %dma_wait3A] : memref<10240x128xf32, #tpu.memory_space<hbm>> -> memref<640x128xf32, #tpu.memory_space<hbm>>
        %dma_wait3A_18 = arith.constant 0 : i32
        %dma_wait3A_19 = tpu.memref_slice %arg12[%mul3A_0, %dma_wait3A_18] : memref<10240x128xf32, #tpu.memory_space<vmem_shared>> -> memref<640x128xf32, #tpu.memory_space<vmem_shared>>
        tpu.wait_dma2 semaphore(%run_scoped3A : memref<!tpu.dma_semaphore, #tpu.memory_space<semaphore_mem>>) src(%dma_wait3A_19 : memref<640x128xf32, #tpu.memory_space<vmem_shared>>) dst(%dma_wait3A_17 : memref<640x128xf32, #tpu.memory_space<hbm>>)
        tpu.yield
      }) : () -> ()
    } else {
    }
    return
  }
}

#map = affine_map<(d0, d1) -> (0, 0)>
#map1 = affine_map<(d0, d1) -> (0, 0, 0)>
module attributes {stable_mosaic.version = 14 : i64} {
  func.func @k(%arg0: i32, %arg1: i32, %arg2: memref<640x128xf32, #tpu.memory_space<hbm>>, %arg3: memref<10000x128xf32, #tpu.memory_space<hbm>>, %arg4: memref<10000x128xf32, #tpu.memory_space<hbm>>, %arg5: memref<16x125x80xi32, #tpu.memory_space<hbm>>, %arg6: memref<16x125x80xi32, #tpu.memory_space<hbm>>, %arg7: memref<10240x128xf32, #tpu.memory_space<hbm>>, %arg8: memref<10240x128xf32, #tpu.memory_space<hbm>>, %arg9: memref<125x80xi32, #tpu.memory_space<vmem>>, %arg10: memref<125x80xi32, #tpu.memory_space<vmem>>, %arg11: memref<80x128xf32, #tpu.memory_space<vmem>>, %arg12: memref<10240x128xf32, #tpu.memory_space<vmem_shared>>, %arg13: memref<!tpu.dma_semaphore, #tpu.memory_space<semaphore_mem>>) attributes {dimension_semantics = [#tpu.dimension_semantics<core_parallel>, #tpu.dimension_semantics<subcore_parallel>], iteration_bounds = array<i64: 2, 16>, scalar_prefetch = 0 : i64, scratch_operands = 5 : i64, tpu.core_type = #tpu.core_type<sc_vector_subcore>, window_params = [{transform_indices = #map}, {transform_indices = #map}, {transform_indices = #map}, {transform_indices = #map1}, {transform_indices = #map1}, {transform_indices = #map}, {transform_indices = #map}]} {
    %mul3A = arith.constant 640 : i32
    %mul3A_0 = arith.muli %arg1, %mul3A : i32
    "tpu.region"() ({
      %run_scoped3A = tpu.sem_alloc : memref<!tpu.dma_semaphore, #tpu.memory_space<semaphore_mem>>
      %dma_start3A = arith.constant 0 : i32
      %dma_start3A_8 = tpu.memref_slice %arg12[%mul3A_0, %dma_start3A] : memref<10240x128xf32, #tpu.memory_space<vmem_shared>> -> memref<640x128xf32, #tpu.memory_space<vmem_shared>>
      tpu.enqueue_dma source(%arg2 : memref<640x128xf32, #tpu.memory_space<hbm>>) target(%dma_start3A_8 : memref<640x128xf32, #tpu.memory_space<vmem_shared>>) target_semaphore(%run_scoped3A : memref<!tpu.dma_semaphore, #tpu.memory_space<semaphore_mem>>)
      %dma_wait3A = arith.constant 0 : i32
      %dma_wait3A_9 = tpu.memref_slice %arg12[%mul3A_0, %dma_wait3A] : memref<10240x128xf32, #tpu.memory_space<vmem_shared>> -> memref<640x128xf32, #tpu.memory_space<vmem_shared>>
      tpu.wait_dma2 semaphore(%run_scoped3A : memref<!tpu.dma_semaphore, #tpu.memory_space<semaphore_mem>>) src(%arg2 : memref<640x128xf32, #tpu.memory_space<hbm>>) dst(%dma_wait3A_9 : memref<640x128xf32, #tpu.memory_space<vmem_shared>>)
      tpu.yield
    }) : () -> ()
    "tpu.region"() ({
      %run_scoped3A = tpu.sem_alloc : memref<!tpu.dma_semaphore, #tpu.memory_space<semaphore_mem>>
      %dma_start3A = arith.constant 0 : i32
      %dma_start3A_8 = arith.constant 0 : i32
      %dma_start3A_9 = tpu.memref_slice %arg5[%arg1, %dma_start3A, %dma_start3A_8] : memref<16x125x80xi32, #tpu.memory_space<hbm>> -> memref<1x125x80xi32, #tpu.memory_space<hbm>>
      %dma_start3A_10 = tpu.memref_squeeze %dma_start3A_9 : memref<1x125x80xi32, #tpu.memory_space<hbm>> -> memref<125x80xi32, #tpu.memory_space<hbm>>
      %dma_start3A_11 = arith.constant 0 : i32
      %dma_start3A_12 = arith.constant 0 : i32
      %dma_start3A_13 = tpu.memref_slice %arg5[%arg1, %dma_start3A_11, %dma_start3A_12] : memref<16x125x80xi32, #tpu.memory_space<hbm>> -> memref<1x125x80xi32, #tpu.memory_space<hbm>>
      %dma_start3A_14 = tpu.memref_squeeze %dma_start3A_13 : memref<1x125x80xi32, #tpu.memory_space<hbm>> -> memref<125x80xi32, #tpu.memory_space<hbm>>
      tpu.enqueue_dma source(%dma_start3A_14 : memref<125x80xi32, #tpu.memory_space<hbm>>) target(%arg9 : memref<125x80xi32, #tpu.memory_space<vmem>>) target_semaphore(%run_scoped3A : memref<!tpu.dma_semaphore, #tpu.memory_space<semaphore_mem>>)
      %dma_wait3A = arith.constant 0 : i32
      %dma_wait3A_15 = arith.constant 0 : i32
      %dma_wait3A_16 = tpu.memref_slice %arg5[%arg1, %dma_wait3A, %dma_wait3A_15] : memref<16x125x80xi32, #tpu.memory_space<hbm>> -> memref<1x125x80xi32, #tpu.memory_space<hbm>>
      %dma_wait3A_17 = tpu.memref_squeeze %dma_wait3A_16 : memref<1x125x80xi32, #tpu.memory_space<hbm>> -> memref<125x80xi32, #tpu.memory_space<hbm>>
      %dma_wait3A_18 = arith.constant 0 : i32
      %dma_wait3A_19 = arith.constant 0 : i32
      %dma_wait3A_20 = tpu.memref_slice %arg5[%arg1, %dma_wait3A_18, %dma_wait3A_19] : memref<16x125x80xi32, #tpu.memory_space<hbm>> -> memref<1x125x80xi32, #tpu.memory_space<hbm>>
      %dma_wait3A_21 = tpu.memref_squeeze %dma_wait3A_20 : memref<1x125x80xi32, #tpu.memory_space<hbm>> -> memref<125x80xi32, #tpu.memory_space<hbm>>
      tpu.wait_dma2 semaphore(%run_scoped3A : memref<!tpu.dma_semaphore, #tpu.memory_space<semaphore_mem>>) src(%dma_wait3A_21 : memref<125x80xi32, #tpu.memory_space<hbm>>) dst(%arg9 : memref<125x80xi32, #tpu.memory_space<vmem>>)
      tpu.yield
    }) : () -> ()
    "tpu.region"() ({
      %run_scoped3A = tpu.sem_alloc : memref<!tpu.dma_semaphore, #tpu.memory_space<semaphore_mem>>
      %dma_start3A = arith.constant 0 : i32
      %dma_start3A_8 = arith.constant 0 : i32
      %dma_start3A_9 = tpu.memref_slice %arg6[%arg1, %dma_start3A, %dma_start3A_8] : memref<16x125x80xi32, #tpu.memory_space<hbm>> -> memref<1x125x80xi32, #tpu.memory_space<hbm>>
      %dma_start3A_10 = tpu.memref_squeeze %dma_start3A_9 : memref<1x125x80xi32, #tpu.memory_space<hbm>> -> memref<125x80xi32, #tpu.memory_space<hbm>>
      %dma_start3A_11 = arith.constant 0 : i32
      %dma_start3A_12 = arith.constant 0 : i32
      %dma_start3A_13 = tpu.memref_slice %arg6[%arg1, %dma_start3A_11, %dma_start3A_12] : memref<16x125x80xi32, #tpu.memory_space<hbm>> -> memref<1x125x80xi32, #tpu.memory_space<hbm>>
      %dma_start3A_14 = tpu.memref_squeeze %dma_start3A_13 : memref<1x125x80xi32, #tpu.memory_space<hbm>> -> memref<125x80xi32, #tpu.memory_space<hbm>>
      tpu.enqueue_dma source(%dma_start3A_14 : memref<125x80xi32, #tpu.memory_space<hbm>>) target(%arg10 : memref<125x80xi32, #tpu.memory_space<vmem>>) target_semaphore(%run_scoped3A : memref<!tpu.dma_semaphore, #tpu.memory_space<semaphore_mem>>)
      %dma_wait3A = arith.constant 0 : i32
      %dma_wait3A_15 = arith.constant 0 : i32
      %dma_wait3A_16 = tpu.memref_slice %arg6[%arg1, %dma_wait3A, %dma_wait3A_15] : memref<16x125x80xi32, #tpu.memory_space<hbm>> -> memref<1x125x80xi32, #tpu.memory_space<hbm>>
      %dma_wait3A_17 = tpu.memref_squeeze %dma_wait3A_16 : memref<1x125x80xi32, #tpu.memory_space<hbm>> -> memref<125x80xi32, #tpu.memory_space<hbm>>
      %dma_wait3A_18 = arith.constant 0 : i32
      %dma_wait3A_19 = arith.constant 0 : i32
      %dma_wait3A_20 = tpu.memref_slice %arg6[%arg1, %dma_wait3A_18, %dma_wait3A_19] : memref<16x125x80xi32, #tpu.memory_space<hbm>> -> memref<1x125x80xi32, #tpu.memory_space<hbm>>
      %dma_wait3A_21 = tpu.memref_squeeze %dma_wait3A_20 : memref<1x125x80xi32, #tpu.memory_space<hbm>> -> memref<125x80xi32, #tpu.memory_space<hbm>>
      tpu.wait_dma2 semaphore(%run_scoped3A : memref<!tpu.dma_semaphore, #tpu.memory_space<semaphore_mem>>) src(%dma_wait3A_21 : memref<125x80xi32, #tpu.memory_space<hbm>>) dst(%arg10 : memref<125x80xi32, #tpu.memory_space<vmem>>)
      tpu.yield
    }) : () -> ()
    %barrier3A = arith.constant 0 : index
    tpu.barrier barrier_id(%barrier3A)
    %eq3A = arith.constant 0 : i32
    %eq3A_1 = arith.cmpi eq, %arg0, %eq3A : i32
    %convert_element_type3A = arith.extui %eq3A_1 : i1 to i32
    %cond3A = arith.constant 0 : i32
    %cond3A_2 = arith.cmpi ne, %convert_element_type3A, %cond3A : i32
    scf.if %cond3A_2 {
      %scan3A = arith.constant 0 : i32
      %scan3A_8 = arith.constant 0 : i32
      %scan3A_9 = arith.constant 125 : i32
      %scan3A_10 = arith.addi %scan3A_8, %scan3A_9 : i32
      %scan3A_11 = arith.constant 1 : i32
      scf.for %scan3A_14 = %scan3A_8 to %scan3A_10 step %scan3A_11  : i32 {
        %dma_start3A = arith.constant 0 : i32
        %dma_start3A_15 = tpu.memref_slice %arg9[%scan3A_14, %dma_start3A] : memref<125x80xi32, #tpu.memory_space<vmem>> -> memref<1x80xi32, #tpu.memory_space<vmem>>
        %dma_start3A_16 = tpu.memref_squeeze %dma_start3A_15 : memref<1x80xi32, #tpu.memory_space<vmem>> -> memref<80xi32, #tpu.memory_space<vmem>>
        %dma_start3A_17 = arith.constant 0 : i32
        %dma_start3A_18 = arith.constant 0 : i32
        %dma_start3A_19 = tpu.memref_slice %arg3[%dma_start3A_17, %dma_start3A_18] : memref<10000x128xf32, #tpu.memory_space<hbm>> -> memref<10000x128xf32, #tpu.memory_space<hbm>>
        tpu.enqueue_indirect_dma source(%dma_start3A_19 : memref<10000x128xf32, #tpu.memory_space<hbm>>) target(%arg11 : memref<80x128xf32, #tpu.memory_space<vmem>>) offsets(%dma_start3A_16 : memref<80xi32, #tpu.memory_space<vmem>>) semaphore(%arg13 : memref<!tpu.dma_semaphore, #tpu.memory_space<semaphore_mem>>)
        %dma_wait3A = arith.constant 0 : i32
        %dma_wait3A_20 = tpu.memref_slice %arg9[%scan3A_14, %dma_wait3A] : memref<125x80xi32, #tpu.memory_space<vmem>> -> memref<1x80xi32, #tpu.memory_space<vmem>>
        %dma_wait3A_21 = tpu.memref_squeeze %dma_wait3A_20 : memref<1x80xi32, #tpu.memory_space<vmem>> -> memref<80xi32, #tpu.memory_space<vmem>>
        %dma_wait3A_22 = arith.constant 0 : i32
        %dma_wait3A_23 = arith.constant 0 : i32
        %dma_wait3A_24 = tpu.memref_slice %arg3[%dma_wait3A_22, %dma_wait3A_23] : memref<10000x128xf32, #tpu.memory_space<hbm>> -> memref<10000x128xf32, #tpu.memory_space<hbm>>
        tpu.wait_indirect_dma semaphore(%arg13 : memref<!tpu.dma_semaphore, #tpu.memory_space<semaphore_mem>>) src(%dma_wait3A_24 : memref<10000x128xf32, #tpu.memory_space<hbm>>) dst(%arg11 : memref<80x128xf32, #tpu.memory_space<vmem>>)
        "tpu.region"() ({
          %run_scoped3A = tpu.sem_alloc : memref<!tpu.dma_semaphore, #tpu.memory_space<semaphore_mem>>
          %dma_start3A_25 = arith.constant 0 : i32
          %dma_start3A_26 = tpu.memref_slice %arg10[%scan3A_14, %dma_start3A_25] : memref<125x80xi32, #tpu.memory_space<vmem>> -> memref<1x80xi32, #tpu.memory_space<vmem>>
          %dma_start3A_27 = tpu.memref_squeeze %dma_start3A_26 : memref<1x80xi32, #tpu.memory_space<vmem>> -> memref<80xi32, #tpu.memory_space<vmem>>
          %dma_start3A_28 = arith.constant 0 : i32
          %dma_start3A_29 = arith.constant 0 : i32
          %dma_start3A_30 = tpu.memref_slice %arg12[%dma_start3A_28, %dma_start3A_29] : memref<10240x128xf32, #tpu.memory_space<vmem_shared>> -> memref<10240x128xf32, #tpu.memory_space<vmem_shared>>
          tpu.enqueue_indirect_dma source(%arg11 : memref<80x128xf32, #tpu.memory_space<vmem>>) target(%dma_start3A_30 : memref<10240x128xf32, #tpu.memory_space<vmem_shared>>) offsets(%dma_start3A_27 : memref<80xi32, #tpu.memory_space<vmem>>) semaphore(%run_scoped3A : memref<!tpu.dma_semaphore, #tpu.memory_space<semaphore_mem>>) {add = true}
          %dma_wait3A_31 = arith.constant 0 : i32
          %dma_wait3A_32 = tpu.memref_slice %arg10[%scan3A_14, %dma_wait3A_31] : memref<125x80xi32, #tpu.memory_space<vmem>> -> memref<1x80xi32, #tpu.memory_space<vmem>>
          %dma_wait3A_33 = tpu.memref_squeeze %dma_wait3A_32 : memref<1x80xi32, #tpu.memory_space<vmem>> -> memref<80xi32, #tpu.memory_space<vmem>>
          %dma_wait3A_34 = arith.constant 0 : i32
          %dma_wait3A_35 = arith.constant 0 : i32
          %dma_wait3A_36 = tpu.memref_slice %arg12[%dma_wait3A_34, %dma_wait3A_35] : memref<10240x128xf32, #tpu.memory_space<vmem_shared>> -> memref<10240x128xf32, #tpu.memory_space<vmem_shared>>
          tpu.wait_indirect_dma semaphore(%run_scoped3A : memref<!tpu.dma_semaphore, #tpu.memory_space<semaphore_mem>>) src(%arg11 : memref<80x128xf32, #tpu.memory_space<vmem>>) dst(%dma_wait3A_36 : memref<10240x128xf32, #tpu.memory_space<vmem_shared>>)
          tpu.yield
        }) : () -> ()
      }
      %scan3A_12 = arith.constant 125 : i32
      %barrier3A_13 = arith.constant 0 : index
      tpu.barrier barrier_id(%barrier3A_13)
      "tpu.region"() ({
        %run_scoped3A = tpu.sem_alloc : memref<!tpu.dma_semaphore, #tpu.memory_space<semaphore_mem>>
        %dma_start3A = arith.constant 0 : i32
        %dma_start3A_14 = tpu.memref_slice %arg7[%mul3A_0, %dma_start3A] : memref<10240x128xf32, #tpu.memory_space<hbm>> -> memref<640x128xf32, #tpu.memory_space<hbm>>
        %dma_start3A_15 = arith.constant 0 : i32
        %dma_start3A_16 = tpu.memref_slice %arg12[%mul3A_0, %dma_start3A_15] : memref<10240x128xf32, #tpu.memory_space<vmem_shared>> -> memref<640x128xf32, #tpu.memory_space<vmem_shared>>
        tpu.enqueue_dma source(%dma_start3A_16 : memref<640x128xf32, #tpu.memory_space<vmem_shared>>) target(%dma_start3A_14 : memref<640x128xf32, #tpu.memory_space<hbm>>) target_semaphore(%run_scoped3A : memref<!tpu.dma_semaphore, #tpu.memory_space<semaphore_mem>>)
        %dma_wait3A = arith.constant 0 : i32
        %dma_wait3A_17 = tpu.memref_slice %arg7[%mul3A_0, %dma_wait3A] : memref<10240x128xf32, #tpu.memory_space<hbm>> -> memref<640x128xf32, #tpu.memory_space<hbm>>
        %dma_wait3A_18 = arith.constant 0 : i32
        %dma_wait3A_19 = tpu.memref_slice %arg12[%mul3A_0, %dma_wait3A_18] : memref<10240x128xf32, #tpu.memory_space<vmem_shared>> -> memref<640x128xf32, #tpu.memory_space<vmem_shared>>
        tpu.wait_dma2 semaphore(%run_scoped3A : memref<!tpu.dma_semaphore, #tpu.memory_space<semaphore_mem>>) src(%dma_wait3A_19 : memref<640x128xf32, #tpu.memory_space<vmem_shared>>) dst(%dma_wait3A_17 : memref<640x128xf32, #tpu.memory_space<hbm>>)
        tpu.yield
      }) : () -> ()
    } else {
    }
    %eq3A_3 = arith.constant 1 : i32
    %eq3A_4 = arith.cmpi eq, %arg0, %eq3A_3 : i32
    %convert_element_type3A_5 = arith.extui %eq3A_4 : i1 to i32
    %cond3A_6 = arith.constant 0 : i32
    %cond3A_7 = arith.cmpi ne, %convert_element_type3A_5, %cond3A_6 : i32
    scf.if %cond3A_7 {
      %scan3A = arith.constant 0 : i32
      %scan3A_8 = arith.constant 0 : i32
      %scan3A_9 = arith.constant 125 : i32
      %scan3A_10 = arith.addi %scan3A_8, %scan3A_9 : i32
      %scan3A_11 = arith.constant 1 : i32
      scf.for %scan3A_14 = %scan3A_8 to %scan3A_10 step %scan3A_11  : i32 {
        %dma_start3A = arith.constant 0 : i32
        %dma_start3A_15 = tpu.memref_slice %arg9[%scan3A_14, %dma_start3A] : memref<125x80xi32, #tpu.memory_space<vmem>> -> memref<1x80xi32, #tpu.memory_space<vmem>>
        %dma_start3A_16 = tpu.memref_squeeze %dma_start3A_15 : memref<1x80xi32, #tpu.memory_space<vmem>> -> memref<80xi32, #tpu.memory_space<vmem>>
        %dma_start3A_17 = arith.constant 0 : i32
        %dma_start3A_18 = arith.constant 0 : i32
        %dma_start3A_19 = tpu.memref_slice %arg4[%dma_start3A_17, %dma_start3A_18] : memref<10000x128xf32, #tpu.memory_space<hbm>> -> memref<10000x128xf32, #tpu.memory_space<hbm>>
        tpu.enqueue_indirect_dma source(%dma_start3A_19 : memref<10000x128xf32, #tpu.memory_space<hbm>>) target(%arg11 : memref<80x128xf32, #tpu.memory_space<vmem>>) offsets(%dma_start3A_16 : memref<80xi32, #tpu.memory_space<vmem>>) semaphore(%arg13 : memref<!tpu.dma_semaphore, #tpu.memory_space<semaphore_mem>>)
        %dma_wait3A = arith.constant 0 : i32
        %dma_wait3A_20 = tpu.memref_slice %arg9[%scan3A_14, %dma_wait3A] : memref<125x80xi32, #tpu.memory_space<vmem>> -> memref<1x80xi32, #tpu.memory_space<vmem>>
        %dma_wait3A_21 = tpu.memref_squeeze %dma_wait3A_20 : memref<1x80xi32, #tpu.memory_space<vmem>> -> memref<80xi32, #tpu.memory_space<vmem>>
        %dma_wait3A_22 = arith.constant 0 : i32
        %dma_wait3A_23 = arith.constant 0 : i32
        %dma_wait3A_24 = tpu.memref_slice %arg4[%dma_wait3A_22, %dma_wait3A_23] : memref<10000x128xf32, #tpu.memory_space<hbm>> -> memref<10000x128xf32, #tpu.memory_space<hbm>>
        tpu.wait_indirect_dma semaphore(%arg13 : memref<!tpu.dma_semaphore, #tpu.memory_space<semaphore_mem>>) src(%dma_wait3A_24 : memref<10000x128xf32, #tpu.memory_space<hbm>>) dst(%arg11 : memref<80x128xf32, #tpu.memory_space<vmem>>)
        "tpu.region"() ({
          %run_scoped3A = tpu.sem_alloc : memref<!tpu.dma_semaphore, #tpu.memory_space<semaphore_mem>>
          %dma_start3A_25 = arith.constant 0 : i32
          %dma_start3A_26 = tpu.memref_slice %arg10[%scan3A_14, %dma_start3A_25] : memref<125x80xi32, #tpu.memory_space<vmem>> -> memref<1x80xi32, #tpu.memory_space<vmem>>
          %dma_start3A_27 = tpu.memref_squeeze %dma_start3A_26 : memref<1x80xi32, #tpu.memory_space<vmem>> -> memref<80xi32, #tpu.memory_space<vmem>>
          %dma_start3A_28 = arith.constant 0 : i32
          %dma_start3A_29 = arith.constant 0 : i32
          %dma_start3A_30 = tpu.memref_slice %arg12[%dma_start3A_28, %dma_start3A_29] : memref<10240x128xf32, #tpu.memory_space<vmem_shared>> -> memref<10240x128xf32, #tpu.memory_space<vmem_shared>>
          tpu.enqueue_indirect_dma source(%arg11 : memref<80x128xf32, #tpu.memory_space<vmem>>) target(%dma_start3A_30 : memref<10240x128xf32, #tpu.memory_space<vmem_shared>>) offsets(%dma_start3A_27 : memref<80xi32, #tpu.memory_space<vmem>>) semaphore(%run_scoped3A : memref<!tpu.dma_semaphore, #tpu.memory_space<semaphore_mem>>) {add = true}
          %dma_wait3A_31 = arith.constant 0 : i32
          %dma_wait3A_32 = tpu.memref_slice %arg10[%scan3A_14, %dma_wait3A_31] : memref<125x80xi32, #tpu.memory_space<vmem>> -> memref<1x80xi32, #tpu.memory_space<vmem>>
          %dma_wait3A_33 = tpu.memref_squeeze %dma_wait3A_32 : memref<1x80xi32, #tpu.memory_space<vmem>> -> memref<80xi32, #tpu.memory_space<vmem>>
          %dma_wait3A_34 = arith.constant 0 : i32
          %dma_wait3A_35 = arith.constant 0 : i32
          %dma_wait3A_36 = tpu.memref_slice %arg12[%dma_wait3A_34, %dma_wait3A_35] : memref<10240x128xf32, #tpu.memory_space<vmem_shared>> -> memref<10240x128xf32, #tpu.memory_space<vmem_shared>>
          tpu.wait_indirect_dma semaphore(%run_scoped3A : memref<!tpu.dma_semaphore, #tpu.memory_space<semaphore_mem>>) src(%arg11 : memref<80x128xf32, #tpu.memory_space<vmem>>) dst(%dma_wait3A_36 : memref<10240x128xf32, #tpu.memory_space<vmem_shared>>)
          tpu.yield
        }) : () -> ()
      }
      %scan3A_12 = arith.constant 125 : i32
      %barrier3A_13 = arith.constant 0 : index
      tpu.barrier barrier_id(%barrier3A_13)
      "tpu.region"() ({
        %run_scoped3A = tpu.sem_alloc : memref<!tpu.dma_semaphore, #tpu.memory_space<semaphore_mem>>
        %dma_start3A = arith.constant 0 : i32
        %dma_start3A_14 = tpu.memref_slice %arg8[%mul3A_0, %dma_start3A] : memref<10240x128xf32, #tpu.memory_space<hbm>> -> memref<640x128xf32, #tpu.memory_space<hbm>>
        %dma_start3A_15 = arith.constant 0 : i32
        %dma_start3A_16 = tpu.memref_slice %arg12[%mul3A_0, %dma_start3A_15] : memref<10240x128xf32, #tpu.memory_space<vmem_shared>> -> memref<640x128xf32, #tpu.memory_space<vmem_shared>>
        tpu.enqueue_dma source(%dma_start3A_16 : memref<640x128xf32, #tpu.memory_space<vmem_shared>>) target(%dma_start3A_14 : memref<640x128xf32, #tpu.memory_space<hbm>>) target_semaphore(%run_scoped3A : memref<!tpu.dma_semaphore, #tpu.memory_space<semaphore_mem>>)
        %dma_wait3A = arith.constant 0 : i32
        %dma_wait3A_17 = tpu.memref_slice %arg8[%mul3A_0, %dma_wait3A] : memref<10240x128xf32, #tpu.memory_space<hbm>> -> memref<640x128xf32, #tpu.memory_space<hbm>>
        %dma_wait3A_18 = arith.constant 0 : i32
        %dma_wait3A_19 = tpu.memref_slice %arg12[%mul3A_0, %dma_wait3A_18] : memref<10240x128xf32, #tpu.memory_space<vmem_shared>> -> memref<640x128xf32, #tpu.memory_space<vmem_shared>>
        tpu.wait_dma2 semaphore(%run_scoped3A : memref<!tpu.dma_semaphore, #tpu.memory_space<semaphore_mem>>) src(%dma_wait3A_19 : memref<640x128xf32, #tpu.memory_space<vmem_shared>>) dst(%dma_wait3A_17 : memref<640x128xf32, #tpu.memory_space<hbm>>)
        tpu.yield
      }) : () -> ()
    } else {
    }
    return
  }
}

#map = affine_map<(d0, d1) -> (0, 0)>
#map1 = affine_map<(d0, d1) -> (0, 0, 0)>
module attributes {stable_mosaic.version = 14 : i64} {
  func.func @k(%arg0: i32, %arg1: i32, %arg2: memref<640x128xf32, #tpu.memory_space<hbm>>, %arg3: memref<10000x128xf32, #tpu.memory_space<hbm>>, %arg4: memref<10000x128xf32, #tpu.memory_space<hbm>>, %arg5: memref<16x125x80xi32, #tpu.memory_space<hbm>>, %arg6: memref<16x125x80xi32, #tpu.memory_space<hbm>>, %arg7: memref<10240x128xf32, #tpu.memory_space<hbm>>, %arg8: memref<10240x128xf32, #tpu.memory_space<hbm>>, %arg9: memref<125x80xi32, #tpu.memory_space<vmem>>, %arg10: memref<125x80xi32, #tpu.memory_space<vmem>>, %arg11: memref<80x128xf32, #tpu.memory_space<vmem>>, %arg12: memref<10240x128xf32, #tpu.memory_space<vmem_shared>>, %arg13: memref<!tpu.dma_semaphore, #tpu.memory_space<semaphore_mem>>) attributes {dimension_semantics = [#tpu.dimension_semantics<core_parallel>, #tpu.dimension_semantics<subcore_parallel>], iteration_bounds = array<i64: 2, 16>, scalar_prefetch = 0 : i64, scratch_operands = 5 : i64, tpu.core_type = #tpu.core_type<sc_vector_subcore>, window_params = [{transform_indices = #map}, {transform_indices = #map}, {transform_indices = #map}, {transform_indices = #map1}, {transform_indices = #map1}, {transform_indices = #map}, {transform_indices = #map}]} {
    %mul3A = arith.constant 640 : i32
    %mul3A_0 = arith.muli %arg1, %mul3A : i32
    "tpu.region"() ({
      %run_scoped3A = tpu.sem_alloc : memref<!tpu.dma_semaphore, #tpu.memory_space<semaphore_mem>>
      %dma_start3A = arith.constant 0 : i32
      %dma_start3A_8 = tpu.memref_slice %arg12[%mul3A_0, %dma_start3A] : memref<10240x128xf32, #tpu.memory_space<vmem_shared>> -> memref<640x128xf32, #tpu.memory_space<vmem_shared>>
      tpu.enqueue_dma source(%arg2 : memref<640x128xf32, #tpu.memory_space<hbm>>) target(%dma_start3A_8 : memref<640x128xf32, #tpu.memory_space<vmem_shared>>) target_semaphore(%run_scoped3A : memref<!tpu.dma_semaphore, #tpu.memory_space<semaphore_mem>>)
      %dma_wait3A = arith.constant 0 : i32
      %dma_wait3A_9 = tpu.memref_slice %arg12[%mul3A_0, %dma_wait3A] : memref<10240x128xf32, #tpu.memory_space<vmem_shared>> -> memref<640x128xf32, #tpu.memory_space<vmem_shared>>
      tpu.wait_dma2 semaphore(%run_scoped3A : memref<!tpu.dma_semaphore, #tpu.memory_space<semaphore_mem>>) src(%arg2 : memref<640x128xf32, #tpu.memory_space<hbm>>) dst(%dma_wait3A_9 : memref<640x128xf32, #tpu.memory_space<vmem_shared>>)
      tpu.yield
    }) : () -> ()
    "tpu.region"() ({
      %run_scoped3A = tpu.sem_alloc : memref<!tpu.dma_semaphore, #tpu.memory_space<semaphore_mem>>
      %dma_start3A = arith.constant 0 : i32
      %dma_start3A_8 = arith.constant 0 : i32
      %dma_start3A_9 = tpu.memref_slice %arg5[%arg1, %dma_start3A, %dma_start3A_8] : memref<16x125x80xi32, #tpu.memory_space<hbm>> -> memref<1x125x80xi32, #tpu.memory_space<hbm>>
      %dma_start3A_10 = tpu.memref_squeeze %dma_start3A_9 : memref<1x125x80xi32, #tpu.memory_space<hbm>> -> memref<125x80xi32, #tpu.memory_space<hbm>>
      %dma_start3A_11 = arith.constant 0 : i32
      %dma_start3A_12 = arith.constant 0 : i32
      %dma_start3A_13 = tpu.memref_slice %arg5[%arg1, %dma_start3A_11, %dma_start3A_12] : memref<16x125x80xi32, #tpu.memory_space<hbm>> -> memref<1x125x80xi32, #tpu.memory_space<hbm>>
      %dma_start3A_14 = tpu.memref_squeeze %dma_start3A_13 : memref<1x125x80xi32, #tpu.memory_space<hbm>> -> memref<125x80xi32, #tpu.memory_space<hbm>>
      tpu.enqueue_dma source(%dma_start3A_14 : memref<125x80xi32, #tpu.memory_space<hbm>>) target(%arg9 : memref<125x80xi32, #tpu.memory_space<vmem>>) target_semaphore(%run_scoped3A : memref<!tpu.dma_semaphore, #tpu.memory_space<semaphore_mem>>)
      %dma_wait3A = arith.constant 0 : i32
      %dma_wait3A_15 = arith.constant 0 : i32
      %dma_wait3A_16 = tpu.memref_slice %arg5[%arg1, %dma_wait3A, %dma_wait3A_15] : memref<16x125x80xi32, #tpu.memory_space<hbm>> -> memref<1x125x80xi32, #tpu.memory_space<hbm>>
      %dma_wait3A_17 = tpu.memref_squeeze %dma_wait3A_16 : memref<1x125x80xi32, #tpu.memory_space<hbm>> -> memref<125x80xi32, #tpu.memory_space<hbm>>
      %dma_wait3A_18 = arith.constant 0 : i32
      %dma_wait3A_19 = arith.constant 0 : i32
      %dma_wait3A_20 = tpu.memref_slice %arg5[%arg1, %dma_wait3A_18, %dma_wait3A_19] : memref<16x125x80xi32, #tpu.memory_space<hbm>> -> memref<1x125x80xi32, #tpu.memory_space<hbm>>
      %dma_wait3A_21 = tpu.memref_squeeze %dma_wait3A_20 : memref<1x125x80xi32, #tpu.memory_space<hbm>> -> memref<125x80xi32, #tpu.memory_space<hbm>>
      tpu.wait_dma2 semaphore(%run_scoped3A : memref<!tpu.dma_semaphore, #tpu.memory_space<semaphore_mem>>) src(%dma_wait3A_21 : memref<125x80xi32, #tpu.memory_space<hbm>>) dst(%arg9 : memref<125x80xi32, #tpu.memory_space<vmem>>)
      tpu.yield
    }) : () -> ()
    "tpu.region"() ({
      %run_scoped3A = tpu.sem_alloc : memref<!tpu.dma_semaphore, #tpu.memory_space<semaphore_mem>>
      %dma_start3A = arith.constant 0 : i32
      %dma_start3A_8 = arith.constant 0 : i32
      %dma_start3A_9 = tpu.memref_slice %arg6[%arg1, %dma_start3A, %dma_start3A_8] : memref<16x125x80xi32, #tpu.memory_space<hbm>> -> memref<1x125x80xi32, #tpu.memory_space<hbm>>
      %dma_start3A_10 = tpu.memref_squeeze %dma_start3A_9 : memref<1x125x80xi32, #tpu.memory_space<hbm>> -> memref<125x80xi32, #tpu.memory_space<hbm>>
      %dma_start3A_11 = arith.constant 0 : i32
      %dma_start3A_12 = arith.constant 0 : i32
      %dma_start3A_13 = tpu.memref_slice %arg6[%arg1, %dma_start3A_11, %dma_start3A_12] : memref<16x125x80xi32, #tpu.memory_space<hbm>> -> memref<1x125x80xi32, #tpu.memory_space<hbm>>
      %dma_start3A_14 = tpu.memref_squeeze %dma_start3A_13 : memref<1x125x80xi32, #tpu.memory_space<hbm>> -> memref<125x80xi32, #tpu.memory_space<hbm>>
      tpu.enqueue_dma source(%dma_start3A_14 : memref<125x80xi32, #tpu.memory_space<hbm>>) target(%arg10 : memref<125x80xi32, #tpu.memory_space<vmem>>) target_semaphore(%run_scoped3A : memref<!tpu.dma_semaphore, #tpu.memory_space<semaphore_mem>>)
      %dma_wait3A = arith.constant 0 : i32
      %dma_wait3A_15 = arith.constant 0 : i32
      %dma_wait3A_16 = tpu.memref_slice %arg6[%arg1, %dma_wait3A, %dma_wait3A_15] : memref<16x125x80xi32, #tpu.memory_space<hbm>> -> memref<1x125x80xi32, #tpu.memory_space<hbm>>
      %dma_wait3A_17 = tpu.memref_squeeze %dma_wait3A_16 : memref<1x125x80xi32, #tpu.memory_space<hbm>> -> memref<125x80xi32, #tpu.memory_space<hbm>>
      %dma_wait3A_18 = arith.constant 0 : i32
      %dma_wait3A_19 = arith.constant 0 : i32
      %dma_wait3A_20 = tpu.memref_slice %arg6[%arg1, %dma_wait3A_18, %dma_wait3A_19] : memref<16x125x80xi32, #tpu.memory_space<hbm>> -> memref<1x125x80xi32, #tpu.memory_space<hbm>>
      %dma_wait3A_21 = tpu.memref_squeeze %dma_wait3A_20 : memref<1x125x80xi32, #tpu.memory_space<hbm>> -> memref<125x80xi32, #tpu.memory_space<hbm>>
      tpu.wait_dma2 semaphore(%run_scoped3A : memref<!tpu.dma_semaphore, #tpu.memory_space<semaphore_mem>>) src(%dma_wait3A_21 : memref<125x80xi32, #tpu.memory_space<hbm>>) dst(%arg10 : memref<125x80xi32, #tpu.memory_space<vmem>>)
      tpu.yield
    }) : () -> ()
    %barrier3A = arith.constant 0 : index
    tpu.barrier barrier_id(%barrier3A)
    %eq3A = arith.constant 0 : i32
    %eq3A_1 = arith.cmpi eq, %arg0, %eq3A : i32
    %convert_element_type3A = arith.extui %eq3A_1 : i1 to i32
    %cond3A = arith.constant 0 : i32
    %cond3A_2 = arith.cmpi ne, %convert_element_type3A, %cond3A : i32
    scf.if %cond3A_2 {
      %scan3A = arith.constant 0 : i32
      %scan3A_8 = arith.constant 0 : i32
      %scan3A_9 = arith.constant 125 : i32
      %scan3A_10 = arith.addi %scan3A_8, %scan3A_9 : i32
      %scan3A_11 = arith.constant 1 : i32
      scf.for %scan3A_14 = %scan3A_8 to %scan3A_10 step %scan3A_11  : i32 {
        %dma_start3A = arith.constant 0 : i32
        %dma_start3A_15 = tpu.memref_slice %arg9[%scan3A_14, %dma_start3A] : memref<125x80xi32, #tpu.memory_space<vmem>> -> memref<1x80xi32, #tpu.memory_space<vmem>>
        %dma_start3A_16 = tpu.memref_squeeze %dma_start3A_15 : memref<1x80xi32, #tpu.memory_space<vmem>> -> memref<80xi32, #tpu.memory_space<vmem>>
        %dma_start3A_17 = arith.constant 0 : i32
        %dma_start3A_18 = arith.constant 0 : i32
        %dma_start3A_19 = tpu.memref_slice %arg3[%dma_start3A_17, %dma_start3A_18] : memref<10000x128xf32, #tpu.memory_space<hbm>> -> memref<10000x128xf32, #tpu.memory_space<hbm>>
        tpu.enqueue_indirect_dma source(%dma_start3A_19 : memref<10000x128xf32, #tpu.memory_space<hbm>>) target(%arg11 : memref<80x128xf32, #tpu.memory_space<vmem>>) offsets(%dma_start3A_16 : memref<80xi32, #tpu.memory_space<vmem>>) semaphore(%arg13 : memref<!tpu.dma_semaphore, #tpu.memory_space<semaphore_mem>>)
        %dma_wait3A = arith.constant 0 : i32
        %dma_wait3A_20 = tpu.memref_slice %arg9[%scan3A_14, %dma_wait3A] : memref<125x80xi32, #tpu.memory_space<vmem>> -> memref<1x80xi32, #tpu.memory_space<vmem>>
        %dma_wait3A_21 = tpu.memref_squeeze %dma_wait3A_20 : memref<1x80xi32, #tpu.memory_space<vmem>> -> memref<80xi32, #tpu.memory_space<vmem>>
        %dma_wait3A_22 = arith.constant 0 : i32
        %dma_wait3A_23 = arith.constant 0 : i32
        %dma_wait3A_24 = tpu.memref_slice %arg3[%dma_wait3A_22, %dma_wait3A_23] : memref<10000x128xf32, #tpu.memory_space<hbm>> -> memref<10000x128xf32, #tpu.memory_space<hbm>>
        tpu.wait_indirect_dma semaphore(%arg13 : memref<!tpu.dma_semaphore, #tpu.memory_space<semaphore_mem>>) src(%dma_wait3A_24 : memref<10000x128xf32, #tpu.memory_space<hbm>>) dst(%arg11 : memref<80x128xf32, #tpu.memory_space<vmem>>)
        "tpu.region"() ({
          %run_scoped3A = tpu.sem_alloc : memref<!tpu.dma_semaphore, #tpu.memory_space<semaphore_mem>>
          %dma_start3A_25 = arith.constant 0 : i32
          %dma_start3A_26 = tpu.memref_slice %arg10[%scan3A_14, %dma_start3A_25] : memref<125x80xi32, #tpu.memory_space<vmem>> -> memref<1x80xi32, #tpu.memory_space<vmem>>
          %dma_start3A_27 = tpu.memref_squeeze %dma_start3A_26 : memref<1x80xi32, #tpu.memory_space<vmem>> -> memref<80xi32, #tpu.memory_space<vmem>>
          %dma_start3A_28 = arith.constant 0 : i32
          %dma_start3A_29 = arith.constant 0 : i32
          %dma_start3A_30 = tpu.memref_slice %arg12[%dma_start3A_28, %dma_start3A_29] : memref<10240x128xf32, #tpu.memory_space<vmem_shared>> -> memref<10240x128xf32, #tpu.memory_space<vmem_shared>>
          tpu.enqueue_indirect_dma source(%arg11 : memref<80x128xf32, #tpu.memory_space<vmem>>) target(%dma_start3A_30 : memref<10240x128xf32, #tpu.memory_space<vmem_shared>>) offsets(%dma_start3A_27 : memref<80xi32, #tpu.memory_space<vmem>>) semaphore(%run_scoped3A : memref<!tpu.dma_semaphore, #tpu.memory_space<semaphore_mem>>) {add = true}
          %dma_wait3A_31 = arith.constant 0 : i32
          %dma_wait3A_32 = tpu.memref_slice %arg10[%scan3A_14, %dma_wait3A_31] : memref<125x80xi32, #tpu.memory_space<vmem>> -> memref<1x80xi32, #tpu.memory_space<vmem>>
          %dma_wait3A_33 = tpu.memref_squeeze %dma_wait3A_32 : memref<1x80xi32, #tpu.memory_space<vmem>> -> memref<80xi32, #tpu.memory_space<vmem>>
          %dma_wait3A_34 = arith.constant 0 : i32
          %dma_wait3A_35 = arith.constant 0 : i32
          %dma_wait3A_36 = tpu.memref_slice %arg12[%dma_wait3A_34, %dma_wait3A_35] : memref<10240x128xf32, #tpu.memory_space<vmem_shared>> -> memref<10240x128xf32, #tpu.memory_space<vmem_shared>>
          tpu.wait_indirect_dma semaphore(%run_scoped3A : memref<!tpu.dma_semaphore, #tpu.memory_space<semaphore_mem>>) src(%arg11 : memref<80x128xf32, #tpu.memory_space<vmem>>) dst(%dma_wait3A_36 : memref<10240x128xf32, #tpu.memory_space<vmem_shared>>)
          tpu.yield
        }) : () -> ()
      }
      %scan3A_12 = arith.constant 125 : i32
      %barrier3A_13 = arith.constant 0 : index
      tpu.barrier barrier_id(%barrier3A_13)
      "tpu.region"() ({
        %run_scoped3A = tpu.sem_alloc : memref<!tpu.dma_semaphore, #tpu.memory_space<semaphore_mem>>
        %dma_start3A = arith.constant 0 : i32
        %dma_start3A_14 = tpu.memref_slice %arg7[%mul3A_0, %dma_start3A] : memref<10240x128xf32, #tpu.memory_space<hbm>> -> memref<640x128xf32, #tpu.memory_space<hbm>>
        %dma_start3A_15 = arith.constant 0 : i32
        %dma_start3A_16 = tpu.memref_slice %arg12[%mul3A_0, %dma_start3A_15] : memref<10240x128xf32, #tpu.memory_space<vmem_shared>> -> memref<640x128xf32, #tpu.memory_space<vmem_shared>>
        tpu.enqueue_dma source(%dma_start3A_16 : memref<640x128xf32, #tpu.memory_space<vmem_shared>>) target(%dma_start3A_14 : memref<640x128xf32, #tpu.memory_space<hbm>>) target_semaphore(%run_scoped3A : memref<!tpu.dma_semaphore, #tpu.memory_space<semaphore_mem>>)
        %dma_wait3A = arith.constant 0 : i32
        %dma_wait3A_17 = tpu.memref_slice %arg7[%mul3A_0, %dma_wait3A] : memref<10240x128xf32, #tpu.memory_space<hbm>> -> memref<640x128xf32, #tpu.memory_space<hbm>>
        %dma_wait3A_18 = arith.constant 0 : i32
        %dma_wait3A_19 = tpu.memref_slice %arg12[%mul3A_0, %dma_wait3A_18] : memref<10240x128xf32, #tpu.memory_space<vmem_shared>> -> memref<640x128xf32, #tpu.memory_space<vmem_shared>>
        tpu.wait_dma2 semaphore(%run_scoped3A : memref<!tpu.dma_semaphore, #tpu.memory_space<semaphore_mem>>) src(%dma_wait3A_19 : memref<640x128xf32, #tpu.memory_space<vmem_shared>>) dst(%dma_wait3A_17 : memref<640x128xf32, #tpu.memory_space<hbm>>)
        tpu.yield
      }) : () -> ()
    } else {
    }
    %eq3A_3 = arith.constant 1 : i32
    %eq3A_4 = arith.cmpi eq, %arg0, %eq3A_3 : i32
    %convert_element_type3A_5 = arith.extui %eq3A_4 : i1 to i32
    %cond3A_6 = arith.constant 0 : i32
    %cond3A_7 = arith.cmpi ne, %convert_element_type3A_5, %cond3A_6 : i32
    scf.if %cond3A_7 {
      %scan3A = arith.constant 0 : i32
      %scan3A_8 = arith.constant 0 : i32
      %scan3A_9 = arith.constant 125 : i32
      %scan3A_10 = arith.addi %scan3A_8, %scan3A_9 : i32
      %scan3A_11 = arith.constant 1 : i32
      scf.for %scan3A_14 = %scan3A_8 to %scan3A_10 step %scan3A_11  : i32 {
        %dma_start3A = arith.constant 0 : i32
        %dma_start3A_15 = tpu.memref_slice %arg9[%scan3A_14, %dma_start3A] : memref<125x80xi32, #tpu.memory_space<vmem>> -> memref<1x80xi32, #tpu.memory_space<vmem>>
        %dma_start3A_16 = tpu.memref_squeeze %dma_start3A_15 : memref<1x80xi32, #tpu.memory_space<vmem>> -> memref<80xi32, #tpu.memory_space<vmem>>
        %dma_start3A_17 = arith.constant 0 : i32
        %dma_start3A_18 = arith.constant 0 : i32
        %dma_start3A_19 = tpu.memref_slice %arg4[%dma_start3A_17, %dma_start3A_18] : memref<10000x128xf32, #tpu.memory_space<hbm>> -> memref<10000x128xf32, #tpu.memory_space<hbm>>
        tpu.enqueue_indirect_dma source(%dma_start3A_19 : memref<10000x128xf32, #tpu.memory_space<hbm>>) target(%arg11 : memref<80x128xf32, #tpu.memory_space<vmem>>) offsets(%dma_start3A_16 : memref<80xi32, #tpu.memory_space<vmem>>) semaphore(%arg13 : memref<!tpu.dma_semaphore, #tpu.memory_space<semaphore_mem>>)
        %dma_wait3A = arith.constant 0 : i32
        %dma_wait3A_20 = tpu.memref_slice %arg9[%scan3A_14, %dma_wait3A] : memref<125x80xi32, #tpu.memory_space<vmem>> -> memref<1x80xi32, #tpu.memory_space<vmem>>
        %dma_wait3A_21 = tpu.memref_squeeze %dma_wait3A_20 : memref<1x80xi32, #tpu.memory_space<vmem>> -> memref<80xi32, #tpu.memory_space<vmem>>
        %dma_wait3A_22 = arith.constant 0 : i32
        %dma_wait3A_23 = arith.constant 0 : i32
        %dma_wait3A_24 = tpu.memref_slice %arg4[%dma_wait3A_22, %dma_wait3A_23] : memref<10000x128xf32, #tpu.memory_space<hbm>> -> memref<10000x128xf32, #tpu.memory_space<hbm>>
        tpu.wait_indirect_dma semaphore(%arg13 : memref<!tpu.dma_semaphore, #tpu.memory_space<semaphore_mem>>) src(%dma_wait3A_24 : memref<10000x128xf32, #tpu.memory_space<hbm>>) dst(%arg11 : memref<80x128xf32, #tpu.memory_space<vmem>>)
        "tpu.region"() ({
          %run_scoped3A = tpu.sem_alloc : memref<!tpu.dma_semaphore, #tpu.memory_space<semaphore_mem>>
          %dma_start3A_25 = arith.constant 0 : i32
          %dma_start3A_26 = tpu.memref_slice %arg10[%scan3A_14, %dma_start3A_25] : memref<125x80xi32, #tpu.memory_space<vmem>> -> memref<1x80xi32, #tpu.memory_space<vmem>>
          %dma_start3A_27 = tpu.memref_squeeze %dma_start3A_26 : memref<1x80xi32, #tpu.memory_space<vmem>> -> memref<80xi32, #tpu.memory_space<vmem>>
          %dma_start3A_28 = arith.constant 0 : i32
          %dma_start3A_29 = arith.constant 0 : i32
          %dma_start3A_30 = tpu.memref_slice %arg12[%dma_start3A_28, %dma_start3A_29] : memref<10240x128xf32, #tpu.memory_space<vmem_shared>> -> memref<10240x128xf32, #tpu.memory_space<vmem_shared>>
          tpu.enqueue_indirect_dma source(%arg11 : memref<80x128xf32, #tpu.memory_space<vmem>>) target(%dma_start3A_30 : memref<10240x128xf32, #tpu.memory_space<vmem_shared>>) offsets(%dma_start3A_27 : memref<80xi32, #tpu.memory_space<vmem>>) semaphore(%run_scoped3A : memref<!tpu.dma_semaphore, #tpu.memory_space<semaphore_mem>>) {add = true}
          %dma_wait3A_31 = arith.constant 0 : i32
          %dma_wait3A_32 = tpu.memref_slice %arg10[%scan3A_14, %dma_wait3A_31] : memref<125x80xi32, #tpu.memory_space<vmem>> -> memref<1x80xi32, #tpu.memory_space<vmem>>
          %dma_wait3A_33 = tpu.memref_squeeze %dma_wait3A_32 : memref<1x80xi32, #tpu.memory_space<vmem>> -> memref<80xi32, #tpu.memory_space<vmem>>
          %dma_wait3A_34 = arith.constant 0 : i32
          %dma_wait3A_35 = arith.constant 0 : i32
          %dma_wait3A_36 = tpu.memref_slice %arg12[%dma_wait3A_34, %dma_wait3A_35] : memref<10240x128xf32, #tpu.memory_space<vmem_shared>> -> memref<10240x128xf32, #tpu.memory_space<vmem_shared>>
          tpu.wait_indirect_dma semaphore(%run_scoped3A : memref<!tpu.dma_semaphore, #tpu.memory_space<semaphore_mem>>) src(%arg11 : memref<80x128xf32, #tpu.memory_space<vmem>>) dst(%dma_wait3A_36 : memref<10240x128xf32, #tpu.memory_space<vmem_shared>>)
          tpu.yield
        }) : () -> ()
      }
      %scan3A_12 = arith.constant 125 : i32
      %barrier3A_13 = arith.constant 0 : index
      tpu.barrier barrier_id(%barrier3A_13)
      "tpu.region"() ({
        %run_scoped3A = tpu.sem_alloc : memref<!tpu.dma_semaphore, #tpu.memory_space<semaphore_mem>>
        %dma_start3A = arith.constant 0 : i32
        %dma_start3A_14 = tpu.memref_slice %arg8[%mul3A_0, %dma_start3A] : memref<10240x128xf32, #tpu.memory_space<hbm>> -> memref<640x128xf32, #tpu.memory_space<hbm>>
        %dma_start3A_15 = arith.constant 0 : i32
        %dma_start3A_16 = tpu.memref_slice %arg12[%mul3A_0, %dma_start3A_15] : memref<10240x128xf32, #tpu.memory_space<vmem_shared>> -> memref<640x128xf32, #tpu.memory_space<vmem_shared>>
        tpu.enqueue_dma source(%dma_start3A_16 : memref<640x128xf32, #tpu.memory_space<vmem_shared>>) target(%dma_start3A_14 : memref<640x128xf32, #tpu.memory_space<hbm>>) target_semaphore(%run_scoped3A : memref<!tpu.dma_semaphore, #tpu.memory_space<semaphore_mem>>)
        %dma_wait3A = arith.constant 0 : i32
        %dma_wait3A_17 = tpu.memref_slice %arg8[%mul3A_0, %dma_wait3A] : memref<10240x128xf32, #tpu.memory_space<hbm>> -> memref<640x128xf32, #tpu.memory_space<hbm>>
        %dma_wait3A_18 = arith.constant 0 : i32
        %dma_wait3A_19 = tpu.memref_slice %arg12[%mul3A_0, %dma_wait3A_18] : memref<10240x128xf32, #tpu.memory_space<vmem_shared>> -> memref<640x128xf32, #tpu.memory_space<vmem_shared>>
        tpu.wait_dma2 semaphore(%run_scoped3A : memref<!tpu.dma_semaphore, #tpu.memory_space<semaphore_mem>>) src(%dma_wait3A_19 : memref<640x128xf32, #tpu.memory_space<vmem_shared>>) dst(%dma_wait3A_17 : memref<640x128xf32, #tpu.memory_space<hbm>>)
        tpu.yield
      }) : () -> ()
    } else {
    }
    return
  }
}

#map = affine_map<(d0, d1) -> (0, 0)>
#map1 = affine_map<(d0, d1) -> (0, 0, 0)>
module attributes {stable_mosaic.version = 14 : i64} {
  func.func @k(%arg0: i32, %arg1: i32, %arg2: memref<640x128xf32, #tpu.memory_space<hbm>>, %arg3: memref<10000x128xf32, #tpu.memory_space<hbm>>, %arg4: memref<10000x128xf32, #tpu.memory_space<hbm>>, %arg5: memref<16x125x80xi32, #tpu.memory_space<hbm>>, %arg6: memref<16x125x80xi32, #tpu.memory_space<hbm>>, %arg7: memref<10240x128xf32, #tpu.memory_space<hbm>>, %arg8: memref<10240x128xf32, #tpu.memory_space<hbm>>, %arg9: memref<125x80xi32, #tpu.memory_space<vmem>>, %arg10: memref<125x80xi32, #tpu.memory_space<vmem>>, %arg11: memref<80x128xf32, #tpu.memory_space<vmem>>, %arg12: memref<10240x128xf32, #tpu.memory_space<vmem_shared>>, %arg13: memref<!tpu.dma_semaphore, #tpu.memory_space<semaphore_mem>>) attributes {dimension_semantics = [#tpu.dimension_semantics<core_parallel>, #tpu.dimension_semantics<subcore_parallel>], iteration_bounds = array<i64: 2, 16>, scalar_prefetch = 0 : i64, scratch_operands = 5 : i64, tpu.core_type = #tpu.core_type<sc_vector_subcore>, window_params = [{transform_indices = #map}, {transform_indices = #map}, {transform_indices = #map}, {transform_indices = #map1}, {transform_indices = #map1}, {transform_indices = #map}, {transform_indices = #map}]} {
    %mul3A = arith.constant 640 : i32
    %mul3A_0 = arith.muli %arg1, %mul3A : i32
    "tpu.region"() ({
      %run_scoped3A = tpu.sem_alloc : memref<!tpu.dma_semaphore, #tpu.memory_space<semaphore_mem>>
      %dma_start3A = arith.constant 0 : i32
      %dma_start3A_8 = tpu.memref_slice %arg12[%mul3A_0, %dma_start3A] : memref<10240x128xf32, #tpu.memory_space<vmem_shared>> -> memref<640x128xf32, #tpu.memory_space<vmem_shared>>
      tpu.enqueue_dma source(%arg2 : memref<640x128xf32, #tpu.memory_space<hbm>>) target(%dma_start3A_8 : memref<640x128xf32, #tpu.memory_space<vmem_shared>>) target_semaphore(%run_scoped3A : memref<!tpu.dma_semaphore, #tpu.memory_space<semaphore_mem>>)
      %dma_wait3A = arith.constant 0 : i32
      %dma_wait3A_9 = tpu.memref_slice %arg12[%mul3A_0, %dma_wait3A] : memref<10240x128xf32, #tpu.memory_space<vmem_shared>> -> memref<640x128xf32, #tpu.memory_space<vmem_shared>>
      tpu.wait_dma2 semaphore(%run_scoped3A : memref<!tpu.dma_semaphore, #tpu.memory_space<semaphore_mem>>) src(%arg2 : memref<640x128xf32, #tpu.memory_space<hbm>>) dst(%dma_wait3A_9 : memref<640x128xf32, #tpu.memory_space<vmem_shared>>)
      tpu.yield
    }) : () -> ()
    "tpu.region"() ({
      %run_scoped3A = tpu.sem_alloc : memref<!tpu.dma_semaphore, #tpu.memory_space<semaphore_mem>>
      %dma_start3A = arith.constant 0 : i32
      %dma_start3A_8 = arith.constant 0 : i32
      %dma_start3A_9 = tpu.memref_slice %arg5[%arg1, %dma_start3A, %dma_start3A_8] : memref<16x125x80xi32, #tpu.memory_space<hbm>> -> memref<1x125x80xi32, #tpu.memory_space<hbm>>
      %dma_start3A_10 = tpu.memref_squeeze %dma_start3A_9 : memref<1x125x80xi32, #tpu.memory_space<hbm>> -> memref<125x80xi32, #tpu.memory_space<hbm>>
      %dma_start3A_11 = arith.constant 0 : i32
      %dma_start3A_12 = arith.constant 0 : i32
      %dma_start3A_13 = tpu.memref_slice %arg5[%arg1, %dma_start3A_11, %dma_start3A_12] : memref<16x125x80xi32, #tpu.memory_space<hbm>> -> memref<1x125x80xi32, #tpu.memory_space<hbm>>
      %dma_start3A_14 = tpu.memref_squeeze %dma_start3A_13 : memref<1x125x80xi32, #tpu.memory_space<hbm>> -> memref<125x80xi32, #tpu.memory_space<hbm>>
      tpu.enqueue_dma source(%dma_start3A_14 : memref<125x80xi32, #tpu.memory_space<hbm>>) target(%arg9 : memref<125x80xi32, #tpu.memory_space<vmem>>) target_semaphore(%run_scoped3A : memref<!tpu.dma_semaphore, #tpu.memory_space<semaphore_mem>>)
      %dma_wait3A = arith.constant 0 : i32
      %dma_wait3A_15 = arith.constant 0 : i32
      %dma_wait3A_16 = tpu.memref_slice %arg5[%arg1, %dma_wait3A, %dma_wait3A_15] : memref<16x125x80xi32, #tpu.memory_space<hbm>> -> memref<1x125x80xi32, #tpu.memory_space<hbm>>
      %dma_wait3A_17 = tpu.memref_squeeze %dma_wait3A_16 : memref<1x125x80xi32, #tpu.memory_space<hbm>> -> memref<125x80xi32, #tpu.memory_space<hbm>>
      %dma_wait3A_18 = arith.constant 0 : i32
      %dma_wait3A_19 = arith.constant 0 : i32
      %dma_wait3A_20 = tpu.memref_slice %arg5[%arg1, %dma_wait3A_18, %dma_wait3A_19] : memref<16x125x80xi32, #tpu.memory_space<hbm>> -> memref<1x125x80xi32, #tpu.memory_space<hbm>>
      %dma_wait3A_21 = tpu.memref_squeeze %dma_wait3A_20 : memref<1x125x80xi32, #tpu.memory_space<hbm>> -> memref<125x80xi32, #tpu.memory_space<hbm>>
      tpu.wait_dma2 semaphore(%run_scoped3A : memref<!tpu.dma_semaphore, #tpu.memory_space<semaphore_mem>>) src(%dma_wait3A_21 : memref<125x80xi32, #tpu.memory_space<hbm>>) dst(%arg9 : memref<125x80xi32, #tpu.memory_space<vmem>>)
      tpu.yield
    }) : () -> ()
    "tpu.region"() ({
      %run_scoped3A = tpu.sem_alloc : memref<!tpu.dma_semaphore, #tpu.memory_space<semaphore_mem>>
      %dma_start3A = arith.constant 0 : i32
      %dma_start3A_8 = arith.constant 0 : i32
      %dma_start3A_9 = tpu.memref_slice %arg6[%arg1, %dma_start3A, %dma_start3A_8] : memref<16x125x80xi32, #tpu.memory_space<hbm>> -> memref<1x125x80xi32, #tpu.memory_space<hbm>>
      %dma_start3A_10 = tpu.memref_squeeze %dma_start3A_9 : memref<1x125x80xi32, #tpu.memory_space<hbm>> -> memref<125x80xi32, #tpu.memory_space<hbm>>
      %dma_start3A_11 = arith.constant 0 : i32
      %dma_start3A_12 = arith.constant 0 : i32
      %dma_start3A_13 = tpu.memref_slice %arg6[%arg1, %dma_start3A_11, %dma_start3A_12] : memref<16x125x80xi32, #tpu.memory_space<hbm>> -> memref<1x125x80xi32, #tpu.memory_space<hbm>>
      %dma_start3A_14 = tpu.memref_squeeze %dma_start3A_13 : memref<1x125x80xi32, #tpu.memory_space<hbm>> -> memref<125x80xi32, #tpu.memory_space<hbm>>
      tpu.enqueue_dma source(%dma_start3A_14 : memref<125x80xi32, #tpu.memory_space<hbm>>) target(%arg10 : memref<125x80xi32, #tpu.memory_space<vmem>>) target_semaphore(%run_scoped3A : memref<!tpu.dma_semaphore, #tpu.memory_space<semaphore_mem>>)
      %dma_wait3A = arith.constant 0 : i32
      %dma_wait3A_15 = arith.constant 0 : i32
      %dma_wait3A_16 = tpu.memref_slice %arg6[%arg1, %dma_wait3A, %dma_wait3A_15] : memref<16x125x80xi32, #tpu.memory_space<hbm>> -> memref<1x125x80xi32, #tpu.memory_space<hbm>>
      %dma_wait3A_17 = tpu.memref_squeeze %dma_wait3A_16 : memref<1x125x80xi32, #tpu.memory_space<hbm>> -> memref<125x80xi32, #tpu.memory_space<hbm>>
      %dma_wait3A_18 = arith.constant 0 : i32
      %dma_wait3A_19 = arith.constant 0 : i32
      %dma_wait3A_20 = tpu.memref_slice %arg6[%arg1, %dma_wait3A_18, %dma_wait3A_19] : memref<16x125x80xi32, #tpu.memory_space<hbm>> -> memref<1x125x80xi32, #tpu.memory_space<hbm>>
      %dma_wait3A_21 = tpu.memref_squeeze %dma_wait3A_20 : memref<1x125x80xi32, #tpu.memory_space<hbm>> -> memref<125x80xi32, #tpu.memory_space<hbm>>
      tpu.wait_dma2 semaphore(%run_scoped3A : memref<!tpu.dma_semaphore, #tpu.memory_space<semaphore_mem>>) src(%dma_wait3A_21 : memref<125x80xi32, #tpu.memory_space<hbm>>) dst(%arg10 : memref<125x80xi32, #tpu.memory_space<vmem>>)
      tpu.yield
    }) : () -> ()
    %barrier3A = arith.constant 0 : index
    tpu.barrier barrier_id(%barrier3A)
    %eq3A = arith.constant 0 : i32
    %eq3A_1 = arith.cmpi eq, %arg0, %eq3A : i32
    %convert_element_type3A = arith.extui %eq3A_1 : i1 to i32
    %cond3A = arith.constant 0 : i32
    %cond3A_2 = arith.cmpi ne, %convert_element_type3A, %cond3A : i32
    scf.if %cond3A_2 {
      %scan3A = arith.constant 0 : i32
      %scan3A_8 = arith.constant 0 : i32
      %scan3A_9 = arith.constant 125 : i32
      %scan3A_10 = arith.addi %scan3A_8, %scan3A_9 : i32
      %scan3A_11 = arith.constant 1 : i32
      scf.for %scan3A_14 = %scan3A_8 to %scan3A_10 step %scan3A_11  : i32 {
        %dma_start3A = arith.constant 0 : i32
        %dma_start3A_15 = tpu.memref_slice %arg9[%scan3A_14, %dma_start3A] : memref<125x80xi32, #tpu.memory_space<vmem>> -> memref<1x80xi32, #tpu.memory_space<vmem>>
        %dma_start3A_16 = tpu.memref_squeeze %dma_start3A_15 : memref<1x80xi32, #tpu.memory_space<vmem>> -> memref<80xi32, #tpu.memory_space<vmem>>
        %dma_start3A_17 = arith.constant 0 : i32
        %dma_start3A_18 = arith.constant 0 : i32
        %dma_start3A_19 = tpu.memref_slice %arg3[%dma_start3A_17, %dma_start3A_18] : memref<10000x128xf32, #tpu.memory_space<hbm>> -> memref<10000x128xf32, #tpu.memory_space<hbm>>
        tpu.enqueue_indirect_dma source(%dma_start3A_19 : memref<10000x128xf32, #tpu.memory_space<hbm>>) target(%arg11 : memref<80x128xf32, #tpu.memory_space<vmem>>) offsets(%dma_start3A_16 : memref<80xi32, #tpu.memory_space<vmem>>) semaphore(%arg13 : memref<!tpu.dma_semaphore, #tpu.memory_space<semaphore_mem>>)
        %dma_wait3A = arith.constant 0 : i32
        %dma_wait3A_20 = tpu.memref_slice %arg9[%scan3A_14, %dma_wait3A] : memref<125x80xi32, #tpu.memory_space<vmem>> -> memref<1x80xi32, #tpu.memory_space<vmem>>
        %dma_wait3A_21 = tpu.memref_squeeze %dma_wait3A_20 : memref<1x80xi32, #tpu.memory_space<vmem>> -> memref<80xi32, #tpu.memory_space<vmem>>
        %dma_wait3A_22 = arith.constant 0 : i32
        %dma_wait3A_23 = arith.constant 0 : i32
        %dma_wait3A_24 = tpu.memref_slice %arg3[%dma_wait3A_22, %dma_wait3A_23] : memref<10000x128xf32, #tpu.memory_space<hbm>> -> memref<10000x128xf32, #tpu.memory_space<hbm>>
        tpu.wait_indirect_dma semaphore(%arg13 : memref<!tpu.dma_semaphore, #tpu.memory_space<semaphore_mem>>) src(%dma_wait3A_24 : memref<10000x128xf32, #tpu.memory_space<hbm>>) dst(%arg11 : memref<80x128xf32, #tpu.memory_space<vmem>>)
        "tpu.region"() ({
          %run_scoped3A = tpu.sem_alloc : memref<!tpu.dma_semaphore, #tpu.memory_space<semaphore_mem>>
          %dma_start3A_25 = arith.constant 0 : i32
          %dma_start3A_26 = tpu.memref_slice %arg10[%scan3A_14, %dma_start3A_25] : memref<125x80xi32, #tpu.memory_space<vmem>> -> memref<1x80xi32, #tpu.memory_space<vmem>>
          %dma_start3A_27 = tpu.memref_squeeze %dma_start3A_26 : memref<1x80xi32, #tpu.memory_space<vmem>> -> memref<80xi32, #tpu.memory_space<vmem>>
          %dma_start3A_28 = arith.constant 0 : i32
          %dma_start3A_29 = arith.constant 0 : i32
          %dma_start3A_30 = tpu.memref_slice %arg12[%dma_start3A_28, %dma_start3A_29] : memref<10240x128xf32, #tpu.memory_space<vmem_shared>> -> memref<10240x128xf32, #tpu.memory_space<vmem_shared>>
          tpu.enqueue_indirect_dma source(%arg11 : memref<80x128xf32, #tpu.memory_space<vmem>>) target(%dma_start3A_30 : memref<10240x128xf32, #tpu.memory_space<vmem_shared>>) offsets(%dma_start3A_27 : memref<80xi32, #tpu.memory_space<vmem>>) semaphore(%run_scoped3A : memref<!tpu.dma_semaphore, #tpu.memory_space<semaphore_mem>>) {add = true}
          %dma_wait3A_31 = arith.constant 0 : i32
          %dma_wait3A_32 = tpu.memref_slice %arg10[%scan3A_14, %dma_wait3A_31] : memref<125x80xi32, #tpu.memory_space<vmem>> -> memref<1x80xi32, #tpu.memory_space<vmem>>
          %dma_wait3A_33 = tpu.memref_squeeze %dma_wait3A_32 : memref<1x80xi32, #tpu.memory_space<vmem>> -> memref<80xi32, #tpu.memory_space<vmem>>
          %dma_wait3A_34 = arith.constant 0 : i32
          %dma_wait3A_35 = arith.constant 0 : i32
          %dma_wait3A_36 = tpu.memref_slice %arg12[%dma_wait3A_34, %dma_wait3A_35] : memref<10240x128xf32, #tpu.memory_space<vmem_shared>> -> memref<10240x128xf32, #tpu.memory_space<vmem_shared>>
          tpu.wait_indirect_dma semaphore(%run_scoped3A : memref<!tpu.dma_semaphore, #tpu.memory_space<semaphore_mem>>) src(%arg11 : memref<80x128xf32, #tpu.memory_space<vmem>>) dst(%dma_wait3A_36 : memref<10240x128xf32, #tpu.memory_space<vmem_shared>>)
          tpu.yield
        }) : () -> ()
      }
      %scan3A_12 = arith.constant 125 : i32
      %barrier3A_13 = arith.constant 0 : index
      tpu.barrier barrier_id(%barrier3A_13)
      "tpu.region"() ({
        %run_scoped3A = tpu.sem_alloc : memref<!tpu.dma_semaphore, #tpu.memory_space<semaphore_mem>>
        %dma_start3A = arith.constant 0 : i32
        %dma_start3A_14 = tpu.memref_slice %arg7[%mul3A_0, %dma_start3A] : memref<10240x128xf32, #tpu.memory_space<hbm>> -> memref<640x128xf32, #tpu.memory_space<hbm>>
        %dma_start3A_15 = arith.constant 0 : i32
        %dma_start3A_16 = tpu.memref_slice %arg12[%mul3A_0, %dma_start3A_15] : memref<10240x128xf32, #tpu.memory_space<vmem_shared>> -> memref<640x128xf32, #tpu.memory_space<vmem_shared>>
        tpu.enqueue_dma source(%dma_start3A_16 : memref<640x128xf32, #tpu.memory_space<vmem_shared>>) target(%dma_start3A_14 : memref<640x128xf32, #tpu.memory_space<hbm>>) target_semaphore(%run_scoped3A : memref<!tpu.dma_semaphore, #tpu.memory_space<semaphore_mem>>)
        %dma_wait3A = arith.constant 0 : i32
        %dma_wait3A_17 = tpu.memref_slice %arg7[%mul3A_0, %dma_wait3A] : memref<10240x128xf32, #tpu.memory_space<hbm>> -> memref<640x128xf32, #tpu.memory_space<hbm>>
        %dma_wait3A_18 = arith.constant 0 : i32
        %dma_wait3A_19 = tpu.memref_slice %arg12[%mul3A_0, %dma_wait3A_18] : memref<10240x128xf32, #tpu.memory_space<vmem_shared>> -> memref<640x128xf32, #tpu.memory_space<vmem_shared>>
        tpu.wait_dma2 semaphore(%run_scoped3A : memref<!tpu.dma_semaphore, #tpu.memory_space<semaphore_mem>>) src(%dma_wait3A_19 : memref<640x128xf32, #tpu.memory_space<vmem_shared>>) dst(%dma_wait3A_17 : memref<640x128xf32, #tpu.memory_space<hbm>>)
        tpu.yield
      }) : () -> ()
    } else {
    }
    %eq3A_3 = arith.constant 1 : i32
    %eq3A_4 = arith.cmpi eq, %arg0, %eq3A_3 : i32
    %convert_element_type3A_5 = arith.extui %eq3A_4 : i1 to i32
    %cond3A_6 = arith.constant 0 : i32
    %cond3A_7 = arith.cmpi ne, %convert_element_type3A_5, %cond3A_6 : i32
    scf.if %cond3A_7 {
      %scan3A = arith.constant 0 : i32
      %scan3A_8 = arith.constant 0 : i32
      %scan3A_9 = arith.constant 125 : i32
      %scan3A_10 = arith.addi %scan3A_8, %scan3A_9 : i32
      %scan3A_11 = arith.constant 1 : i32
      scf.for %scan3A_14 = %scan3A_8 to %scan3A_10 step %scan3A_11  : i32 {
        %dma_start3A = arith.constant 0 : i32
        %dma_start3A_15 = tpu.memref_slice %arg9[%scan3A_14, %dma_start3A] : memref<125x80xi32, #tpu.memory_space<vmem>> -> memref<1x80xi32, #tpu.memory_space<vmem>>
        %dma_start3A_16 = tpu.memref_squeeze %dma_start3A_15 : memref<1x80xi32, #tpu.memory_space<vmem>> -> memref<80xi32, #tpu.memory_space<vmem>>
        %dma_start3A_17 = arith.constant 0 : i32
        %dma_start3A_18 = arith.constant 0 : i32
        %dma_start3A_19 = tpu.memref_slice %arg4[%dma_start3A_17, %dma_start3A_18] : memref<10000x128xf32, #tpu.memory_space<hbm>> -> memref<10000x128xf32, #tpu.memory_space<hbm>>
        tpu.enqueue_indirect_dma source(%dma_start3A_19 : memref<10000x128xf32, #tpu.memory_space<hbm>>) target(%arg11 : memref<80x128xf32, #tpu.memory_space<vmem>>) offsets(%dma_start3A_16 : memref<80xi32, #tpu.memory_space<vmem>>) semaphore(%arg13 : memref<!tpu.dma_semaphore, #tpu.memory_space<semaphore_mem>>)
        %dma_wait3A = arith.constant 0 : i32
        %dma_wait3A_20 = tpu.memref_slice %arg9[%scan3A_14, %dma_wait3A] : memref<125x80xi32, #tpu.memory_space<vmem>> -> memref<1x80xi32, #tpu.memory_space<vmem>>
        %dma_wait3A_21 = tpu.memref_squeeze %dma_wait3A_20 : memref<1x80xi32, #tpu.memory_space<vmem>> -> memref<80xi32, #tpu.memory_space<vmem>>
        %dma_wait3A_22 = arith.constant 0 : i32
        %dma_wait3A_23 = arith.constant 0 : i32
        %dma_wait3A_24 = tpu.memref_slice %arg4[%dma_wait3A_22, %dma_wait3A_23] : memref<10000x128xf32, #tpu.memory_space<hbm>> -> memref<10000x128xf32, #tpu.memory_space<hbm>>
        tpu.wait_indirect_dma semaphore(%arg13 : memref<!tpu.dma_semaphore, #tpu.memory_space<semaphore_mem>>) src(%dma_wait3A_24 : memref<10000x128xf32, #tpu.memory_space<hbm>>) dst(%arg11 : memref<80x128xf32, #tpu.memory_space<vmem>>)
        "tpu.region"() ({
          %run_scoped3A = tpu.sem_alloc : memref<!tpu.dma_semaphore, #tpu.memory_space<semaphore_mem>>
          %dma_start3A_25 = arith.constant 0 : i32
          %dma_start3A_26 = tpu.memref_slice %arg10[%scan3A_14, %dma_start3A_25] : memref<125x80xi32, #tpu.memory_space<vmem>> -> memref<1x80xi32, #tpu.memory_space<vmem>>
          %dma_start3A_27 = tpu.memref_squeeze %dma_start3A_26 : memref<1x80xi32, #tpu.memory_space<vmem>> -> memref<80xi32, #tpu.memory_space<vmem>>
          %dma_start3A_28 = arith.constant 0 : i32
          %dma_start3A_29 = arith.constant 0 : i32
          %dma_start3A_30 = tpu.memref_slice %arg12[%dma_start3A_28, %dma_start3A_29] : memref<10240x128xf32, #tpu.memory_space<vmem_shared>> -> memref<10240x128xf32, #tpu.memory_space<vmem_shared>>
          tpu.enqueue_indirect_dma source(%arg11 : memref<80x128xf32, #tpu.memory_space<vmem>>) target(%dma_start3A_30 : memref<10240x128xf32, #tpu.memory_space<vmem_shared>>) offsets(%dma_start3A_27 : memref<80xi32, #tpu.memory_space<vmem>>) semaphore(%run_scoped3A : memref<!tpu.dma_semaphore, #tpu.memory_space<semaphore_mem>>) {add = true}
          %dma_wait3A_31 = arith.constant 0 : i32
          %dma_wait3A_32 = tpu.memref_slice %arg10[%scan3A_14, %dma_wait3A_31] : memref<125x80xi32, #tpu.memory_space<vmem>> -> memref<1x80xi32, #tpu.memory_space<vmem>>
          %dma_wait3A_33 = tpu.memref_squeeze %dma_wait3A_32 : memref<1x80xi32, #tpu.memory_space<vmem>> -> memref<80xi32, #tpu.memory_space<vmem>>
          %dma_wait3A_34 = arith.constant 0 : i32
          %dma_wait3A_35 = arith.constant 0 : i32
          %dma_wait3A_36 = tpu.memref_slice %arg12[%dma_wait3A_34, %dma_wait3A_35] : memref<10240x128xf32, #tpu.memory_space<vmem_shared>> -> memref<10240x128xf32, #tpu.memory_space<vmem_shared>>
          tpu.wait_indirect_dma semaphore(%run_scoped3A : memref<!tpu.dma_semaphore, #tpu.memory_space<semaphore_mem>>) src(%arg11 : memref<80x128xf32, #tpu.memory_space<vmem>>) dst(%dma_wait3A_36 : memref<10240x128xf32, #tpu.memory_space<vmem_shared>>)
          tpu.yield
        }) : () -> ()
      }
      %scan3A_12 = arith.constant 125 : i32
      %barrier3A_13 = arith.constant 0 : index
      tpu.barrier barrier_id(%barrier3A_13)
      "tpu.region"() ({
        %run_scoped3A = tpu.sem_alloc : memref<!tpu.dma_semaphore, #tpu.memory_space<semaphore_mem>>
        %dma_start3A = arith.constant 0 : i32
        %dma_start3A_14 = tpu.memref_slice %arg8[%mul3A_0, %dma_start3A] : memref<10240x128xf32, #tpu.memory_space<hbm>> -> memref<640x128xf32, #tpu.memory_space<hbm>>
        %dma_start3A_15 = arith.constant 0 : i32
        %dma_start3A_16 = tpu.memref_slice %arg12[%mul3A_0, %dma_start3A_15] : memref<10240x128xf32, #tpu.memory_space<vmem_shared>> -> memref<640x128xf32, #tpu.memory_space<vmem_shared>>
        tpu.enqueue_dma source(%dma_start3A_16 : memref<640x128xf32, #tpu.memory_space<vmem_shared>>) target(%dma_start3A_14 : memref<640x128xf32, #tpu.memory_space<hbm>>) target_semaphore(%run_scoped3A : memref<!tpu.dma_semaphore, #tpu.memory_space<semaphore_mem>>)
        %dma_wait3A = arith.constant 0 : i32
        %dma_wait3A_17 = tpu.memref_slice %arg8[%mul3A_0, %dma_wait3A] : memref<10240x128xf32, #tpu.memory_space<hbm>> -> memref<640x128xf32, #tpu.memory_space<hbm>>
        %dma_wait3A_18 = arith.constant 0 : i32
        %dma_wait3A_19 = tpu.memref_slice %arg12[%mul3A_0, %dma_wait3A_18] : memref<10240x128xf32, #tpu.memory_space<vmem_shared>> -> memref<640x128xf32, #tpu.memory_space<vmem_shared>>
        tpu.wait_dma2 semaphore(%run_scoped3A : memref<!tpu.dma_semaphore, #tpu.memory_space<semaphore_mem>>) src(%dma_wait3A_19 : memref<640x128xf32, #tpu.memory_space<vmem_shared>>) dst(%dma_wait3A_17 : memref<640x128xf32, #tpu.memory_space<hbm>>)
        tpu.yield
      }) : () -> ()
    } else {
    }
    return
  }
}

#map = affine_map<(d0, d1) -> (0, 0)>
#map1 = affine_map<(d0, d1) -> (0, 0, 0)>
module attributes {stable_mosaic.version = 14 : i64} {
  func.func @k(%arg0: i32, %arg1: i32, %arg2: memref<640x128xf32, #tpu.memory_space<hbm>>, %arg3: memref<10000x128xf32, #tpu.memory_space<hbm>>, %arg4: memref<10000x128xf32, #tpu.memory_space<hbm>>, %arg5: memref<16x125x80xi32, #tpu.memory_space<hbm>>, %arg6: memref<16x125x80xi32, #tpu.memory_space<hbm>>, %arg7: memref<10240x128xf32, #tpu.memory_space<hbm>>, %arg8: memref<10240x128xf32, #tpu.memory_space<hbm>>, %arg9: memref<125x80xi32, #tpu.memory_space<vmem>>, %arg10: memref<125x80xi32, #tpu.memory_space<vmem>>, %arg11: memref<80x128xf32, #tpu.memory_space<vmem>>, %arg12: memref<10240x128xf32, #tpu.memory_space<vmem_shared>>, %arg13: memref<!tpu.dma_semaphore, #tpu.memory_space<semaphore_mem>>) attributes {dimension_semantics = [#tpu.dimension_semantics<core_parallel>, #tpu.dimension_semantics<subcore_parallel>], iteration_bounds = array<i64: 2, 16>, scalar_prefetch = 0 : i64, scratch_operands = 5 : i64, tpu.core_type = #tpu.core_type<sc_vector_subcore>, window_params = [{transform_indices = #map}, {transform_indices = #map}, {transform_indices = #map}, {transform_indices = #map1}, {transform_indices = #map1}, {transform_indices = #map}, {transform_indices = #map}]} {
    %mul3A = arith.constant 640 : i32
    %mul3A_0 = arith.muli %arg1, %mul3A : i32
    "tpu.region"() ({
      %run_scoped3A = tpu.sem_alloc : memref<!tpu.dma_semaphore, #tpu.memory_space<semaphore_mem>>
      %dma_start3A = arith.constant 0 : i32
      %dma_start3A_8 = tpu.memref_slice %arg12[%mul3A_0, %dma_start3A] : memref<10240x128xf32, #tpu.memory_space<vmem_shared>> -> memref<640x128xf32, #tpu.memory_space<vmem_shared>>
      tpu.enqueue_dma source(%arg2 : memref<640x128xf32, #tpu.memory_space<hbm>>) target(%dma_start3A_8 : memref<640x128xf32, #tpu.memory_space<vmem_shared>>) target_semaphore(%run_scoped3A : memref<!tpu.dma_semaphore, #tpu.memory_space<semaphore_mem>>)
      %dma_wait3A = arith.constant 0 : i32
      %dma_wait3A_9 = tpu.memref_slice %arg12[%mul3A_0, %dma_wait3A] : memref<10240x128xf32, #tpu.memory_space<vmem_shared>> -> memref<640x128xf32, #tpu.memory_space<vmem_shared>>
      tpu.wait_dma2 semaphore(%run_scoped3A : memref<!tpu.dma_semaphore, #tpu.memory_space<semaphore_mem>>) src(%arg2 : memref<640x128xf32, #tpu.memory_space<hbm>>) dst(%dma_wait3A_9 : memref<640x128xf32, #tpu.memory_space<vmem_shared>>)
      tpu.yield
    }) : () -> ()
    "tpu.region"() ({
      %run_scoped3A = tpu.sem_alloc : memref<!tpu.dma_semaphore, #tpu.memory_space<semaphore_mem>>
      %dma_start3A = arith.constant 0 : i32
      %dma_start3A_8 = arith.constant 0 : i32
      %dma_start3A_9 = tpu.memref_slice %arg5[%arg1, %dma_start3A, %dma_start3A_8] : memref<16x125x80xi32, #tpu.memory_space<hbm>> -> memref<1x125x80xi32, #tpu.memory_space<hbm>>
      %dma_start3A_10 = tpu.memref_squeeze %dma_start3A_9 : memref<1x125x80xi32, #tpu.memory_space<hbm>> -> memref<125x80xi32, #tpu.memory_space<hbm>>
      %dma_start3A_11 = arith.constant 0 : i32
      %dma_start3A_12 = arith.constant 0 : i32
      %dma_start3A_13 = tpu.memref_slice %arg5[%arg1, %dma_start3A_11, %dma_start3A_12] : memref<16x125x80xi32, #tpu.memory_space<hbm>> -> memref<1x125x80xi32, #tpu.memory_space<hbm>>
      %dma_start3A_14 = tpu.memref_squeeze %dma_start3A_13 : memref<1x125x80xi32, #tpu.memory_space<hbm>> -> memref<125x80xi32, #tpu.memory_space<hbm>>
      tpu.enqueue_dma source(%dma_start3A_14 : memref<125x80xi32, #tpu.memory_space<hbm>>) target(%arg9 : memref<125x80xi32, #tpu.memory_space<vmem>>) target_semaphore(%run_scoped3A : memref<!tpu.dma_semaphore, #tpu.memory_space<semaphore_mem>>)
      %dma_wait3A = arith.constant 0 : i32
      %dma_wait3A_15 = arith.constant 0 : i32
      %dma_wait3A_16 = tpu.memref_slice %arg5[%arg1, %dma_wait3A, %dma_wait3A_15] : memref<16x125x80xi32, #tpu.memory_space<hbm>> -> memref<1x125x80xi32, #tpu.memory_space<hbm>>
      %dma_wait3A_17 = tpu.memref_squeeze %dma_wait3A_16 : memref<1x125x80xi32, #tpu.memory_space<hbm>> -> memref<125x80xi32, #tpu.memory_space<hbm>>
      %dma_wait3A_18 = arith.constant 0 : i32
      %dma_wait3A_19 = arith.constant 0 : i32
      %dma_wait3A_20 = tpu.memref_slice %arg5[%arg1, %dma_wait3A_18, %dma_wait3A_19] : memref<16x125x80xi32, #tpu.memory_space<hbm>> -> memref<1x125x80xi32, #tpu.memory_space<hbm>>
      %dma_wait3A_21 = tpu.memref_squeeze %dma_wait3A_20 : memref<1x125x80xi32, #tpu.memory_space<hbm>> -> memref<125x80xi32, #tpu.memory_space<hbm>>
      tpu.wait_dma2 semaphore(%run_scoped3A : memref<!tpu.dma_semaphore, #tpu.memory_space<semaphore_mem>>) src(%dma_wait3A_21 : memref<125x80xi32, #tpu.memory_space<hbm>>) dst(%arg9 : memref<125x80xi32, #tpu.memory_space<vmem>>)
      tpu.yield
    }) : () -> ()
    "tpu.region"() ({
      %run_scoped3A = tpu.sem_alloc : memref<!tpu.dma_semaphore, #tpu.memory_space<semaphore_mem>>
      %dma_start3A = arith.constant 0 : i32
      %dma_start3A_8 = arith.constant 0 : i32
      %dma_start3A_9 = tpu.memref_slice %arg6[%arg1, %dma_start3A, %dma_start3A_8] : memref<16x125x80xi32, #tpu.memory_space<hbm>> -> memref<1x125x80xi32, #tpu.memory_space<hbm>>
      %dma_start3A_10 = tpu.memref_squeeze %dma_start3A_9 : memref<1x125x80xi32, #tpu.memory_space<hbm>> -> memref<125x80xi32, #tpu.memory_space<hbm>>
      %dma_start3A_11 = arith.constant 0 : i32
      %dma_start3A_12 = arith.constant 0 : i32
      %dma_start3A_13 = tpu.memref_slice %arg6[%arg1, %dma_start3A_11, %dma_start3A_12] : memref<16x125x80xi32, #tpu.memory_space<hbm>> -> memref<1x125x80xi32, #tpu.memory_space<hbm>>
      %dma_start3A_14 = tpu.memref_squeeze %dma_start3A_13 : memref<1x125x80xi32, #tpu.memory_space<hbm>> -> memref<125x80xi32, #tpu.memory_space<hbm>>
      tpu.enqueue_dma source(%dma_start3A_14 : memref<125x80xi32, #tpu.memory_space<hbm>>) target(%arg10 : memref<125x80xi32, #tpu.memory_space<vmem>>) target_semaphore(%run_scoped3A : memref<!tpu.dma_semaphore, #tpu.memory_space<semaphore_mem>>)
      %dma_wait3A = arith.constant 0 : i32
      %dma_wait3A_15 = arith.constant 0 : i32
      %dma_wait3A_16 = tpu.memref_slice %arg6[%arg1, %dma_wait3A, %dma_wait3A_15] : memref<16x125x80xi32, #tpu.memory_space<hbm>> -> memref<1x125x80xi32, #tpu.memory_space<hbm>>
      %dma_wait3A_17 = tpu.memref_squeeze %dma_wait3A_16 : memref<1x125x80xi32, #tpu.memory_space<hbm>> -> memref<125x80xi32, #tpu.memory_space<hbm>>
      %dma_wait3A_18 = arith.constant 0 : i32
      %dma_wait3A_19 = arith.constant 0 : i32
      %dma_wait3A_20 = tpu.memref_slice %arg6[%arg1, %dma_wait3A_18, %dma_wait3A_19] : memref<16x125x80xi32, #tpu.memory_space<hbm>> -> memref<1x125x80xi32, #tpu.memory_space<hbm>>
      %dma_wait3A_21 = tpu.memref_squeeze %dma_wait3A_20 : memref<1x125x80xi32, #tpu.memory_space<hbm>> -> memref<125x80xi32, #tpu.memory_space<hbm>>
      tpu.wait_dma2 semaphore(%run_scoped3A : memref<!tpu.dma_semaphore, #tpu.memory_space<semaphore_mem>>) src(%dma_wait3A_21 : memref<125x80xi32, #tpu.memory_space<hbm>>) dst(%arg10 : memref<125x80xi32, #tpu.memory_space<vmem>>)
      tpu.yield
    }) : () -> ()
    %barrier3A = arith.constant 0 : index
    tpu.barrier barrier_id(%barrier3A)
    %eq3A = arith.constant 0 : i32
    %eq3A_1 = arith.cmpi eq, %arg0, %eq3A : i32
    %convert_element_type3A = arith.extui %eq3A_1 : i1 to i32
    %cond3A = arith.constant 0 : i32
    %cond3A_2 = arith.cmpi ne, %convert_element_type3A, %cond3A : i32
    scf.if %cond3A_2 {
      %scan3A = arith.constant 0 : i32
      %scan3A_8 = arith.constant 0 : i32
      %scan3A_9 = arith.constant 125 : i32
      %scan3A_10 = arith.addi %scan3A_8, %scan3A_9 : i32
      %scan3A_11 = arith.constant 1 : i32
      scf.for %scan3A_14 = %scan3A_8 to %scan3A_10 step %scan3A_11  : i32 {
        %dma_start3A = arith.constant 0 : i32
        %dma_start3A_15 = tpu.memref_slice %arg9[%scan3A_14, %dma_start3A] : memref<125x80xi32, #tpu.memory_space<vmem>> -> memref<1x80xi32, #tpu.memory_space<vmem>>
        %dma_start3A_16 = tpu.memref_squeeze %dma_start3A_15 : memref<1x80xi32, #tpu.memory_space<vmem>> -> memref<80xi32, #tpu.memory_space<vmem>>
        %dma_start3A_17 = arith.constant 0 : i32
        %dma_start3A_18 = arith.constant 0 : i32
        %dma_start3A_19 = tpu.memref_slice %arg3[%dma_start3A_17, %dma_start3A_18] : memref<10000x128xf32, #tpu.memory_space<hbm>> -> memref<10000x128xf32, #tpu.memory_space<hbm>>
        tpu.enqueue_indirect_dma source(%dma_start3A_19 : memref<10000x128xf32, #tpu.memory_space<hbm>>) target(%arg11 : memref<80x128xf32, #tpu.memory_space<vmem>>) offsets(%dma_start3A_16 : memref<80xi32, #tpu.memory_space<vmem>>) semaphore(%arg13 : memref<!tpu.dma_semaphore, #tpu.memory_space<semaphore_mem>>)
        %dma_wait3A = arith.constant 0 : i32
        %dma_wait3A_20 = tpu.memref_slice %arg9[%scan3A_14, %dma_wait3A] : memref<125x80xi32, #tpu.memory_space<vmem>> -> memref<1x80xi32, #tpu.memory_space<vmem>>
        %dma_wait3A_21 = tpu.memref_squeeze %dma_wait3A_20 : memref<1x80xi32, #tpu.memory_space<vmem>> -> memref<80xi32, #tpu.memory_space<vmem>>
        %dma_wait3A_22 = arith.constant 0 : i32
        %dma_wait3A_23 = arith.constant 0 : i32
        %dma_wait3A_24 = tpu.memref_slice %arg3[%dma_wait3A_22, %dma_wait3A_23] : memref<10000x128xf32, #tpu.memory_space<hbm>> -> memref<10000x128xf32, #tpu.memory_space<hbm>>
        tpu.wait_indirect_dma semaphore(%arg13 : memref<!tpu.dma_semaphore, #tpu.memory_space<semaphore_mem>>) src(%dma_wait3A_24 : memref<10000x128xf32, #tpu.memory_space<hbm>>) dst(%arg11 : memref<80x128xf32, #tpu.memory_space<vmem>>)
        "tpu.region"() ({
          %run_scoped3A = tpu.sem_alloc : memref<!tpu.dma_semaphore, #tpu.memory_space<semaphore_mem>>
          %dma_start3A_25 = arith.constant 0 : i32
          %dma_start3A_26 = tpu.memref_slice %arg10[%scan3A_14, %dma_start3A_25] : memref<125x80xi32, #tpu.memory_space<vmem>> -> memref<1x80xi32, #tpu.memory_space<vmem>>
          %dma_start3A_27 = tpu.memref_squeeze %dma_start3A_26 : memref<1x80xi32, #tpu.memory_space<vmem>> -> memref<80xi32, #tpu.memory_space<vmem>>
          %dma_start3A_28 = arith.constant 0 : i32
          %dma_start3A_29 = arith.constant 0 : i32
          %dma_start3A_30 = tpu.memref_slice %arg12[%dma_start3A_28, %dma_start3A_29] : memref<10240x128xf32, #tpu.memory_space<vmem_shared>> -> memref<10240x128xf32, #tpu.memory_space<vmem_shared>>
          tpu.enqueue_indirect_dma source(%arg11 : memref<80x128xf32, #tpu.memory_space<vmem>>) target(%dma_start3A_30 : memref<10240x128xf32, #tpu.memory_space<vmem_shared>>) offsets(%dma_start3A_27 : memref<80xi32, #tpu.memory_space<vmem>>) semaphore(%run_scoped3A : memref<!tpu.dma_semaphore, #tpu.memory_space<semaphore_mem>>) {add = true}
          %dma_wait3A_31 = arith.constant 0 : i32
          %dma_wait3A_32 = tpu.memref_slice %arg10[%scan3A_14, %dma_wait3A_31] : memref<125x80xi32, #tpu.memory_space<vmem>> -> memref<1x80xi32, #tpu.memory_space<vmem>>
          %dma_wait3A_33 = tpu.memref_squeeze %dma_wait3A_32 : memref<1x80xi32, #tpu.memory_space<vmem>> -> memref<80xi32, #tpu.memory_space<vmem>>
          %dma_wait3A_34 = arith.constant 0 : i32
          %dma_wait3A_35 = arith.constant 0 : i32
          %dma_wait3A_36 = tpu.memref_slice %arg12[%dma_wait3A_34, %dma_wait3A_35] : memref<10240x128xf32, #tpu.memory_space<vmem_shared>> -> memref<10240x128xf32, #tpu.memory_space<vmem_shared>>
          tpu.wait_indirect_dma semaphore(%run_scoped3A : memref<!tpu.dma_semaphore, #tpu.memory_space<semaphore_mem>>) src(%arg11 : memref<80x128xf32, #tpu.memory_space<vmem>>) dst(%dma_wait3A_36 : memref<10240x128xf32, #tpu.memory_space<vmem_shared>>)
          tpu.yield
        }) : () -> ()
      }
      %scan3A_12 = arith.constant 125 : i32
      %barrier3A_13 = arith.constant 0 : index
      tpu.barrier barrier_id(%barrier3A_13)
      "tpu.region"() ({
        %run_scoped3A = tpu.sem_alloc : memref<!tpu.dma_semaphore, #tpu.memory_space<semaphore_mem>>
        %dma_start3A = arith.constant 0 : i32
        %dma_start3A_14 = tpu.memref_slice %arg7[%mul3A_0, %dma_start3A] : memref<10240x128xf32, #tpu.memory_space<hbm>> -> memref<640x128xf32, #tpu.memory_space<hbm>>
        %dma_start3A_15 = arith.constant 0 : i32
        %dma_start3A_16 = tpu.memref_slice %arg12[%mul3A_0, %dma_start3A_15] : memref<10240x128xf32, #tpu.memory_space<vmem_shared>> -> memref<640x128xf32, #tpu.memory_space<vmem_shared>>
        tpu.enqueue_dma source(%dma_start3A_16 : memref<640x128xf32, #tpu.memory_space<vmem_shared>>) target(%dma_start3A_14 : memref<640x128xf32, #tpu.memory_space<hbm>>) target_semaphore(%run_scoped3A : memref<!tpu.dma_semaphore, #tpu.memory_space<semaphore_mem>>)
        %dma_wait3A = arith.constant 0 : i32
        %dma_wait3A_17 = tpu.memref_slice %arg7[%mul3A_0, %dma_wait3A] : memref<10240x128xf32, #tpu.memory_space<hbm>> -> memref<640x128xf32, #tpu.memory_space<hbm>>
        %dma_wait3A_18 = arith.constant 0 : i32
        %dma_wait3A_19 = tpu.memref_slice %arg12[%mul3A_0, %dma_wait3A_18] : memref<10240x128xf32, #tpu.memory_space<vmem_shared>> -> memref<640x128xf32, #tpu.memory_space<vmem_shared>>
        tpu.wait_dma2 semaphore(%run_scoped3A : memref<!tpu.dma_semaphore, #tpu.memory_space<semaphore_mem>>) src(%dma_wait3A_19 : memref<640x128xf32, #tpu.memory_space<vmem_shared>>) dst(%dma_wait3A_17 : memref<640x128xf32, #tpu.memory_space<hbm>>)
        tpu.yield
      }) : () -> ()
    } else {
    }
    %eq3A_3 = arith.constant 1 : i32
    %eq3A_4 = arith.cmpi eq, %arg0, %eq3A_3 : i32
    %convert_element_type3A_5 = arith.extui %eq3A_4 : i1 to i32
    %cond3A_6 = arith.constant 0 : i32
    %cond3A_7 = arith.cmpi ne, %convert_element_type3A_5, %cond3A_6 : i32
    scf.if %cond3A_7 {
      %scan3A = arith.constant 0 : i32
      %scan3A_8 = arith.constant 0 : i32
      %scan3A_9 = arith.constant 125 : i32
      %scan3A_10 = arith.addi %scan3A_8, %scan3A_9 : i32
      %scan3A_11 = arith.constant 1 : i32
      scf.for %scan3A_14 = %scan3A_8 to %scan3A_10 step %scan3A_11  : i32 {
        %dma_start3A = arith.constant 0 : i32
        %dma_start3A_15 = tpu.memref_slice %arg9[%scan3A_14, %dma_start3A] : memref<125x80xi32, #tpu.memory_space<vmem>> -> memref<1x80xi32, #tpu.memory_space<vmem>>
        %dma_start3A_16 = tpu.memref_squeeze %dma_start3A_15 : memref<1x80xi32, #tpu.memory_space<vmem>> -> memref<80xi32, #tpu.memory_space<vmem>>
        %dma_start3A_17 = arith.constant 0 : i32
        %dma_start3A_18 = arith.constant 0 : i32
        %dma_start3A_19 = tpu.memref_slice %arg4[%dma_start3A_17, %dma_start3A_18] : memref<10000x128xf32, #tpu.memory_space<hbm>> -> memref<10000x128xf32, #tpu.memory_space<hbm>>
        tpu.enqueue_indirect_dma source(%dma_start3A_19 : memref<10000x128xf32, #tpu.memory_space<hbm>>) target(%arg11 : memref<80x128xf32, #tpu.memory_space<vmem>>) offsets(%dma_start3A_16 : memref<80xi32, #tpu.memory_space<vmem>>) semaphore(%arg13 : memref<!tpu.dma_semaphore, #tpu.memory_space<semaphore_mem>>)
        %dma_wait3A = arith.constant 0 : i32
        %dma_wait3A_20 = tpu.memref_slice %arg9[%scan3A_14, %dma_wait3A] : memref<125x80xi32, #tpu.memory_space<vmem>> -> memref<1x80xi32, #tpu.memory_space<vmem>>
        %dma_wait3A_21 = tpu.memref_squeeze %dma_wait3A_20 : memref<1x80xi32, #tpu.memory_space<vmem>> -> memref<80xi32, #tpu.memory_space<vmem>>
        %dma_wait3A_22 = arith.constant 0 : i32
        %dma_wait3A_23 = arith.constant 0 : i32
        %dma_wait3A_24 = tpu.memref_slice %arg4[%dma_wait3A_22, %dma_wait3A_23] : memref<10000x128xf32, #tpu.memory_space<hbm>> -> memref<10000x128xf32, #tpu.memory_space<hbm>>
        tpu.wait_indirect_dma semaphore(%arg13 : memref<!tpu.dma_semaphore, #tpu.memory_space<semaphore_mem>>) src(%dma_wait3A_24 : memref<10000x128xf32, #tpu.memory_space<hbm>>) dst(%arg11 : memref<80x128xf32, #tpu.memory_space<vmem>>)
        "tpu.region"() ({
          %run_scoped3A = tpu.sem_alloc : memref<!tpu.dma_semaphore, #tpu.memory_space<semaphore_mem>>
          %dma_start3A_25 = arith.constant 0 : i32
          %dma_start3A_26 = tpu.memref_slice %arg10[%scan3A_14, %dma_start3A_25] : memref<125x80xi32, #tpu.memory_space<vmem>> -> memref<1x80xi32, #tpu.memory_space<vmem>>
          %dma_start3A_27 = tpu.memref_squeeze %dma_start3A_26 : memref<1x80xi32, #tpu.memory_space<vmem>> -> memref<80xi32, #tpu.memory_space<vmem>>
          %dma_start3A_28 = arith.constant 0 : i32
          %dma_start3A_29 = arith.constant 0 : i32
          %dma_start3A_30 = tpu.memref_slice %arg12[%dma_start3A_28, %dma_start3A_29] : memref<10240x128xf32, #tpu.memory_space<vmem_shared>> -> memref<10240x128xf32, #tpu.memory_space<vmem_shared>>
          tpu.enqueue_indirect_dma source(%arg11 : memref<80x128xf32, #tpu.memory_space<vmem>>) target(%dma_start3A_30 : memref<10240x128xf32, #tpu.memory_space<vmem_shared>>) offsets(%dma_start3A_27 : memref<80xi32, #tpu.memory_space<vmem>>) semaphore(%run_scoped3A : memref<!tpu.dma_semaphore, #tpu.memory_space<semaphore_mem>>) {add = true}
          %dma_wait3A_31 = arith.constant 0 : i32
          %dma_wait3A_32 = tpu.memref_slice %arg10[%scan3A_14, %dma_wait3A_31] : memref<125x80xi32, #tpu.memory_space<vmem>> -> memref<1x80xi32, #tpu.memory_space<vmem>>
          %dma_wait3A_33 = tpu.memref_squeeze %dma_wait3A_32 : memref<1x80xi32, #tpu.memory_space<vmem>> -> memref<80xi32, #tpu.memory_space<vmem>>
          %dma_wait3A_34 = arith.constant 0 : i32
          %dma_wait3A_35 = arith.constant 0 : i32
          %dma_wait3A_36 = tpu.memref_slice %arg12[%dma_wait3A_34, %dma_wait3A_35] : memref<10240x128xf32, #tpu.memory_space<vmem_shared>> -> memref<10240x128xf32, #tpu.memory_space<vmem_shared>>
          tpu.wait_indirect_dma semaphore(%run_scoped3A : memref<!tpu.dma_semaphore, #tpu.memory_space<semaphore_mem>>) src(%arg11 : memref<80x128xf32, #tpu.memory_space<vmem>>) dst(%dma_wait3A_36 : memref<10240x128xf32, #tpu.memory_space<vmem_shared>>)
          tpu.yield
        }) : () -> ()
      }
      %scan3A_12 = arith.constant 125 : i32
      %barrier3A_13 = arith.constant 0 : index
      tpu.barrier barrier_id(%barrier3A_13)
      "tpu.region"() ({
        %run_scoped3A = tpu.sem_alloc : memref<!tpu.dma_semaphore, #tpu.memory_space<semaphore_mem>>
        %dma_start3A = arith.constant 0 : i32
        %dma_start3A_14 = tpu.memref_slice %arg8[%mul3A_0, %dma_start3A] : memref<10240x128xf32, #tpu.memory_space<hbm>> -> memref<640x128xf32, #tpu.memory_space<hbm>>
        %dma_start3A_15 = arith.constant 0 : i32
        %dma_start3A_16 = tpu.memref_slice %arg12[%mul3A_0, %dma_start3A_15] : memref<10240x128xf32, #tpu.memory_space<vmem_shared>> -> memref<640x128xf32, #tpu.memory_space<vmem_shared>>
        tpu.enqueue_dma source(%dma_start3A_16 : memref<640x128xf32, #tpu.memory_space<vmem_shared>>) target(%dma_start3A_14 : memref<640x128xf32, #tpu.memory_space<hbm>>) target_semaphore(%run_scoped3A : memref<!tpu.dma_semaphore, #tpu.memory_space<semaphore_mem>>)
        %dma_wait3A = arith.constant 0 : i32
        %dma_wait3A_17 = tpu.memref_slice %arg8[%mul3A_0, %dma_wait3A] : memref<10240x128xf32, #tpu.memory_space<hbm>> -> memref<640x128xf32, #tpu.memory_space<hbm>>
        %dma_wait3A_18 = arith.constant 0 : i32
        %dma_wait3A_19 = tpu.memref_slice %arg12[%mul3A_0, %dma_wait3A_18] : memref<10240x128xf32, #tpu.memory_space<vmem_shared>> -> memref<640x128xf32, #tpu.memory_space<vmem_shared>>
        tpu.wait_dma2 semaphore(%run_scoped3A : memref<!tpu.dma_semaphore, #tpu.memory_space<semaphore_mem>>) src(%dma_wait3A_19 : memref<640x128xf32, #tpu.memory_space<vmem_shared>>) dst(%dma_wait3A_17 : memref<640x128xf32, #tpu.memory_space<hbm>>)
        tpu.yield
      }) : () -> ()
    } else {
    }
    return
  }
}

module attributes {stable_mosaic.version = 14 : i64} {
  func.func @_mlp_body(%arg0: i32, %arg1: memref<1x1xf32, #tpu.memory_space<smem>>, %arg2: memref<2000x128xf32, #tpu.memory_space<vmem>>, %arg3: memref<2000x128xf32, #tpu.memory_space<vmem>>, %arg4: memref<2000x128xf32, #tpu.memory_space<vmem>>, %arg5: memref<2000x128xf32, #tpu.memory_space<vmem>>, %arg6: memref<256x256xf32, #tpu.memory_space<vmem>>, %arg7: memref<1x256xf32, #tpu.memory_space<vmem>>, %arg8: memref<256x256xf32, #tpu.memory_space<vmem>>, %arg9: memref<1x256xf32, #tpu.memory_space<vmem>>, %arg10: memref<2000x128xf32, #tpu.memory_space<vmem>>, %arg11: memref<2000x128xf32, #tpu.memory_space<vmem>>) attributes {dimension_semantics = [#tpu.dimension_semantics<arbitrary>], iteration_bounds = array<i64: 5>, scalar_prefetch = 0 : i64, scratch_operands = 0 : i64, tpu.core_type = #tpu.core_type<tc>, window_params = [{transform_indices = @transform_0, window_bounds = array<i64: 1, 1>}, {transform_indices = @transform_1, window_bounds = array<i64: 2000, 128>}, {transform_indices = @transform_2, window_bounds = array<i64: 2000, 128>}, {transform_indices = @transform_3, window_bounds = array<i64: 2000, 128>}, {transform_indices = @transform_4, window_bounds = array<i64: 2000, 128>}, {pipeline_mode = #tpu.pipeline_mode<synchronous>, transform_indices = @transform_5, window_bounds = array<i64: 256, 256>}, {pipeline_mode = #tpu.pipeline_mode<synchronous>, transform_indices = @transform_6, window_bounds = array<i64: 1, 256>}, {pipeline_mode = #tpu.pipeline_mode<synchronous>, transform_indices = @transform_7, window_bounds = array<i64: 256, 256>}, {pipeline_mode = #tpu.pipeline_mode<synchronous>, transform_indices = @transform_8, window_bounds = array<i64: 1, 256>}, {transform_indices = @transform_9, window_bounds = array<i64: 2000, 128>}, {transform_indices = @transform_10, window_bounds = array<i64: 2000, 128>}]} {
    %get3A = arith.constant 0 : index
    %get3A_0 = arith.constant 0 : index
    %get3A_1 = vector.load %arg2[%get3A, %get3A_0] : memref<2000x128xf32, #tpu.memory_space<vmem>>, vector<2000x128xf32>
    %get3A_2 = arith.constant 0 : index
    %get3A_3 = arith.constant 0 : index
    %get3A_4 = vector.load %arg3[%get3A_2, %get3A_3] : memref<2000x128xf32, #tpu.memory_space<vmem>>, vector<2000x128xf32>
    %concatenate3A = tpu.concatenate %get3A_1, %get3A_4 in 1 : vector<2000x128xf32>, vector<2000x128xf32> -> vector<2000x256xf32>
    %get3A_5 = arith.constant 0 : index
    %get3A_6 = arith.constant 0 : index
    %get3A_7 = vector.load %arg4[%get3A_5, %get3A_6] : memref<2000x128xf32, #tpu.memory_space<vmem>>, vector<2000x128xf32>
    %get3A_8 = arith.constant 0 : index
    %get3A_9 = arith.constant 0 : index
    %get3A_10 = vector.load %arg5[%get3A_8, %get3A_9] : memref<2000x128xf32, #tpu.memory_space<vmem>>, vector<2000x128xf32>
    %concatenate3A_11 = tpu.concatenate %get3A_7, %get3A_10 in 1 : vector<2000x128xf32>, vector<2000x128xf32> -> vector<2000x256xf32>
    %get3A_12 = arith.constant 0 : index
    %get3A_13 = arith.constant 0 : index
    %get3A_14 = memref.load %arg1[%get3A_12, %get3A_13] : memref<1x1xf32, #tpu.memory_space<smem>>
    %mul3A = vector.broadcast %get3A_14 : f32 to vector<2000x256xf32>
    %mul3A_15 = arith.mulf %concatenate3A, %mul3A : vector<2000x256xf32>
    %add3A = arith.addf %mul3A_15, %concatenate3A_11 : vector<2000x256xf32>
    %get3A_16 = arith.constant 0 : index
    %get3A_17 = arith.constant 0 : index
    %get3A_18 = vector.load %arg6[%get3A_16, %get3A_17] : memref<256x256xf32, #tpu.memory_space<vmem>>, vector<256x256xf32>
    %dot_general3A = arith.constant dense<0.000000e+00> : vector<2000x256xf32>
    %dot_general3A_19 = tpu.matmul %add3A, %get3A_18, %dot_general3A {dimension_numbers = #tpu.dot_dimension_numbers<[1], [0], [0], [1], [0, 0, 1, 1], [], []>, transpose_lhs_hint = false} : vector<2000x256xf32>, vector<256x256xf32>, vector<2000x256xf32> -> vector<2000x256xf32>
    %get3A_20 = arith.constant 0 : index
    %get3A_21 = arith.constant 0 : index
    %get3A_22 = vector.load %arg7[%get3A_20, %get3A_21] : memref<1x256xf32, #tpu.memory_space<vmem>>, vector<1x256xf32>
    %add3A_23 = vector.broadcast %get3A_22 : vector<1x256xf32> to vector<2000x256xf32>
    %add3A_24 = arith.addf %dot_general3A_19, %add3A_23 : vector<2000x256xf32>
    %max3A = arith.constant 0.000000e+00 : f32
    %max3A_25 = vector.broadcast %max3A : f32 to vector<2000x256xf32>
    %max3A_26 = arith.maximumf %add3A_24, %max3A_25 : vector<2000x256xf32>
    %get3A_27 = arith.constant 0 : index
    %get3A_28 = arith.constant 0 : index
    %get3A_29 = vector.load %arg8[%get3A_27, %get3A_28] : memref<256x256xf32, #tpu.memory_space<vmem>>, vector<256x256xf32>
    %dot_general3A_30 = arith.constant dense<0.000000e+00> : vector<2000x256xf32>
    %dot_general3A_31 = tpu.matmul %max3A_26, %get3A_29, %dot_general3A_30 {dimension_numbers = #tpu.dot_dimension_numbers<[1], [0], [0], [1], [0, 0, 1, 1], [], []>, transpose_lhs_hint = false} : vector<2000x256xf32>, vector<256x256xf32>, vector<2000x256xf32> -> vector<2000x256xf32>
    %get3A_32 = arith.constant 0 : index
    %get3A_33 = arith.constant 0 : index
    %get3A_34 = vector.load %arg9[%get3A_32, %get3A_33] : memref<1x256xf32, #tpu.memory_space<vmem>>, vector<1x256xf32>
    %add3A_35 = vector.broadcast %get3A_34 : vector<1x256xf32> to vector<2000x256xf32>
    %add3A_36 = arith.addf %dot_general3A_31, %add3A_35 : vector<2000x256xf32>
    %max3A_37 = arith.constant 0.000000e+00 : f32
    %max3A_38 = vector.broadcast %max3A_37 : f32 to vector<2000x256xf32>
    %max3A_39 = arith.maximumf %add3A_36, %max3A_38 : vector<2000x256xf32>
    %slice3A = vector.extract_strided_slice %max3A_39 {offsets = [0, 0], sizes = [2000, 128], strides = [1, 1]} : vector<2000x256xf32> to vector<2000x128xf32>
    %swap3A = arith.constant 0 : index
    %swap3A_40 = arith.constant 0 : index
    %swap3A_41 = vector.load %arg10[%swap3A, %swap3A_40] : memref<2000x128xf32, #tpu.memory_space<vmem>>, vector<2000x128xf32>
    tpu.vector_store %arg10[%swap3A, %swap3A_40], %slice3A {strides = array<i32>} : memref<2000x128xf32, #tpu.memory_space<vmem>>, vector<2000x128xf32>,
    %slice3A_42 = vector.extract_strided_slice %max3A_39 {offsets = [0, 128], sizes = [2000, 128], strides = [1, 1]} : vector<2000x256xf32> to vector<2000x128xf32>
    %swap3A_43 = arith.constant 0 : index
    %swap3A_44 = arith.constant 0 : index
    %swap3A_45 = vector.load %arg11[%swap3A_43, %swap3A_44] : memref<2000x128xf32, #tpu.memory_space<vmem>>, vector<2000x128xf32>
    tpu.vector_store %arg11[%swap3A_43, %swap3A_44], %slice3A_42 {strides = array<i32>} : memref<2000x128xf32, #tpu.memory_space<vmem>>, vector<2000x128xf32>,
    return
  }
  func.func @transform_0(%arg0: i32) -> (i32, i32) {
    %c0_i32 = arith.constant 0 : i32
    %c0_i32_0 = arith.constant 0 : i32
    %c0_i32_1 = arith.constant 0 : i32
    return %c0_i32, %c0_i32_0 : i32, i32
  }
  func.func @transform_1(%arg0: i32) -> (i32, i32) {
    %c0_i32 = arith.constant 0 : i32
    %c0_i32_0 = arith.constant 0 : i32
    return %arg0, %c0_i32 : i32, i32
  }
  func.func @transform_2(%arg0: i32) -> (i32, i32) {
    %c0_i32 = arith.constant 0 : i32
    %c0_i32_0 = arith.constant 0 : i32
    return %arg0, %c0_i32 : i32, i32
  }
  func.func @transform_3(%arg0: i32) -> (i32, i32) {
    %c0_i32 = arith.constant 0 : i32
    %c0_i32_0 = arith.constant 0 : i32
    return %arg0, %c0_i32 : i32, i32
  }
  func.func @transform_4(%arg0: i32) -> (i32, i32) {
    %c0_i32 = arith.constant 0 : i32
    %c0_i32_0 = arith.constant 0 : i32
    return %arg0, %c0_i32 : i32, i32
  }
  func.func @transform_5(%arg0: i32) -> (i32, i32) {
    %c0_i32 = arith.constant 0 : i32
    %c0_i32_0 = arith.constant 0 : i32
    %c0_i32_1 = arith.constant 0 : i32
    return %c0_i32, %c0_i32_0 : i32, i32
  }
  func.func @transform_6(%arg0: i32) -> (i32, i32) {
    %c0_i32 = arith.constant 0 : i32
    %c0_i32_0 = arith.constant 0 : i32
    %c0_i32_1 = arith.constant 0 : i32
    return %c0_i32, %c0_i32_0 : i32, i32
  }
  func.func @transform_7(%arg0: i32) -> (i32, i32) {
    %c0_i32 = arith.constant 0 : i32
    %c0_i32_0 = arith.constant 0 : i32
    %c0_i32_1 = arith.constant 0 : i32
    return %c0_i32, %c0_i32_0 : i32, i32
  }
  func.func @transform_8(%arg0: i32) -> (i32, i32) {
    %c0_i32 = arith.constant 0 : i32
    %c0_i32_0 = arith.constant 0 : i32
    %c0_i32_1 = arith.constant 0 : i32
    return %c0_i32, %c0_i32_0 : i32, i32
  }
  func.func @transform_9(%arg0: i32) -> (i32, i32) {
    %c0_i32 = arith.constant 0 : i32
    %c0_i32_0 = arith.constant 0 : i32
    return %arg0, %c0_i32 : i32, i32
  }
  func.func @transform_10(%arg0: i32) -> (i32, i32) {
    %c0_i32 = arith.constant 0 : i32
    %c0_i32_0 = arith.constant 0 : i32
    return %arg0, %c0_i32 : i32, i32
  }
}

module attributes {stable_mosaic.version = 14 : i64} {
  func.func @_pool_body(%arg0: i32, %arg1: memref<1x1x2000xi32, #tpu.memory_space<vmem>>, %arg2: memref<2000x128xf32, #tpu.memory_space<vmem>>, %arg3: memref<2000x128xf32, #tpu.memory_space<vmem>>, %arg4: memref<64x256xf32, #tpu.memory_space<vmem>>, %arg5: memref<64x256xf32, #tpu.memory_space<vmem>>) attributes {dimension_semantics = [#tpu.dimension_semantics<arbitrary>], iteration_bounds = array<i64: 5>, scalar_prefetch = 0 : i64, scratch_operands = 0 : i64, tpu.core_type = #tpu.core_type<tc>, window_params = [{transform_indices = @transform_0, window_bounds = array<i64: 1, 1, 2000>}, {transform_indices = @transform_1, window_bounds = array<i64: 2000, 128>}, {transform_indices = @transform_2, window_bounds = array<i64: 2000, 128>}, {pipeline_mode = #tpu.pipeline_mode<synchronous>, transform_indices = @transform_3, window_bounds = array<i64: 64, 256>}, {pipeline_mode = #tpu.pipeline_mode<synchronous>, transform_indices = @transform_4, window_bounds = array<i64: 64, 256>}]} {
    %eq3A = arith.constant 0 : i32
    %eq3A_0 = arith.cmpi eq, %arg0, %eq3A : i32
    %convert_element_type3A = arith.extui %eq3A_0 : i1 to i32
    %cond3A = arith.constant 0 : i32
    %cond3A_1 = arith.cmpi ne, %convert_element_type3A, %cond3A : i32
    scf.if %cond3A_1 {
      %broadcast_in_dim3A_33 = arith.constant 0.000000e+00 : f32
      %broadcast_in_dim3A_34 = vector.broadcast %broadcast_in_dim3A_33 : f32 to vector<64x256xf32>
      %swap3A_35 = arith.constant 0 : index
      %swap3A_36 = arith.constant 0 : index
      %swap3A_37 = vector.load %arg4[%swap3A_35, %swap3A_36] : memref<64x256xf32, #tpu.memory_space<vmem>>, vector<64x256xf32>
      tpu.vector_store %arg4[%swap3A_35, %swap3A_36], %broadcast_in_dim3A_34 {strides = array<i32>} : memref<64x256xf32, #tpu.memory_space<vmem>>, vector<64x256xf32>,
      %broadcast_in_dim3A_38 = arith.constant 0.000000e+00 : f32
      %broadcast_in_dim3A_39 = vector.broadcast %broadcast_in_dim3A_38 : f32 to vector<64x256xf32>
      %swap3A_40 = arith.constant 0 : index
      %swap3A_41 = arith.constant 0 : index
      %swap3A_42 = vector.load %arg5[%swap3A_40, %swap3A_41] : memref<64x256xf32, #tpu.memory_space<vmem>>, vector<64x256xf32>
      tpu.vector_store %arg5[%swap3A_40, %swap3A_41], %broadcast_in_dim3A_39 {strides = array<i32>} : memref<64x256xf32, #tpu.memory_space<vmem>>, vector<64x256xf32>,
    } else {
    }
    %get3A = arith.constant 0 : index
    %get3A_2 = arith.constant 0 : index
    %get3A_3 = arith.constant 0 : index
    %get3A_4 = vector.load %arg1[%get3A, %get3A_2, %get3A_3] : memref<1x1x2000xi32, #tpu.memory_space<vmem>>, vector<1x1x2000xi32>
    %get3A_5 = vector.shape_cast %get3A_4 : vector<1x1x2000xi32> to vector<2000xi32>
    %broadcast_in_dim3A = vector.shape_cast %get3A_5 : vector<2000xi32> to vector<2000x1xi32>
    %iota3A = tpu.iota {dimensions = array<i32: 1>} : vector<2000x64xi32>
    %eq3A_6 = vector.broadcast %broadcast_in_dim3A : vector<2000x1xi32> to vector<2000x64xi32>
    %eq3A_7 = arith.cmpi eq, %eq3A_6, %iota3A : vector<2000x64xi32>
    %convert_element_type3A_8 = arith.extui %eq3A_7 : vector<2000x64xi1> to vector<2000x64xi32>
    %convert_element_type3A_9 = arith.sitofp %convert_element_type3A_8 : vector<2000x64xi32> to vector<2000x64xf32>
    %get3A_10 = arith.constant 0 : index
    %get3A_11 = arith.constant 0 : index
    %get3A_12 = vector.load %arg2[%get3A_10, %get3A_11] : memref<2000x128xf32, #tpu.memory_space<vmem>>, vector<2000x128xf32>
    %get3A_13 = arith.constant 0 : index
    %get3A_14 = arith.constant 0 : index
    %get3A_15 = vector.load %arg3[%get3A_13, %get3A_14] : memref<2000x128xf32, #tpu.memory_space<vmem>>, vector<2000x128xf32>
    %concatenate3A = tpu.concatenate %get3A_12, %get3A_15 in 1 : vector<2000x128xf32>, vector<2000x128xf32> -> vector<2000x256xf32>
    %get3A_16 = arith.constant 0 : index
    %get3A_17 = arith.constant 0 : index
    %get3A_18 = vector.load %arg4[%get3A_16, %get3A_17] : memref<64x256xf32, #tpu.memory_space<vmem>>, vector<64x256xf32>
    %dot_general3A = arith.constant dense<0.000000e+00> : vector<64x256xf32>
    %dot_general3A_19 = tpu.matmul %convert_element_type3A_9, %concatenate3A, %dot_general3A {dimension_numbers = #tpu.dot_dimension_numbers<[0], [0], [1], [1], [0, 1, 1, 1], [], []>, precision = #tpu.contract_precision<fp32>, transpose_lhs_hint = false} : vector<2000x64xf32>, vector<2000x256xf32>, vector<64x256xf32> -> vector<64x256xf32>
    %add3A = arith.addf %get3A_18, %dot_general3A_19 : vector<64x256xf32>
    %swap3A = arith.constant 0 : index
    %swap3A_20 = arith.constant 0 : index
    %swap3A_21 = vector.load %arg4[%swap3A, %swap3A_20] : memref<64x256xf32, #tpu.memory_space<vmem>>, vector<64x256xf32>
    tpu.vector_store %arg4[%swap3A, %swap3A_20], %add3A {strides = array<i32>} : memref<64x256xf32, #tpu.memory_space<vmem>>, vector<64x256xf32>,
    %get3A_22 = arith.constant 0 : index
    %get3A_23 = arith.constant 0 : index
    %get3A_24 = vector.load %arg5[%get3A_22, %get3A_23] : memref<64x256xf32, #tpu.memory_space<vmem>>, vector<64x256xf32>
    %reduce_sum3A = arith.constant dense<0.000000e+00> : vector<64xf32>
    %reduce_sum3A_25 = vector.multi_reduction <add>, %convert_element_type3A_9, %reduce_sum3A [0] : vector<2000x64xf32> to vector<64xf32>
    %broadcast_in_dim3A_26 = vector.shape_cast %reduce_sum3A_25 : vector<64xf32> to vector<64x1xf32>
    %broadcast_in_dim3A_27 = vector.shape_cast %broadcast_in_dim3A_26 : vector<64x1xf32> to vector<64x1xf32>
    %broadcast_in_dim3A_28 = vector.broadcast %broadcast_in_dim3A_27 : vector<64x1xf32> to vector<64x256xf32>
    %add3A_29 = arith.addf %get3A_24, %broadcast_in_dim3A_28 : vector<64x256xf32>
    %swap3A_30 = arith.constant 0 : index
    %swap3A_31 = arith.constant 0 : index
    %swap3A_32 = vector.load %arg5[%swap3A_30, %swap3A_31] : memref<64x256xf32, #tpu.memory_space<vmem>>, vector<64x256xf32>
    tpu.vector_store %arg5[%swap3A_30, %swap3A_31], %add3A_29 {strides = array<i32>} : memref<64x256xf32, #tpu.memory_space<vmem>>, vector<64x256xf32>,
    return
  }
  func.func @transform_0(%arg0: i32) -> (i32, i32, i32) {
    %c0_i32 = arith.constant 0 : i32
    %c0_i32_0 = arith.constant 0 : i32
    %c0_i32_1 = arith.constant 0 : i32
    return %arg0, %c0_i32, %c0_i32_0 : i32, i32, i32
  }
  func.func @transform_1(%arg0: i32) -> (i32, i32) {
    %c0_i32 = arith.constant 0 : i32
    %c0_i32_0 = arith.constant 0 : i32
    return %arg0, %c0_i32 : i32, i32
  }
  func.func @transform_2(%arg0: i32) -> (i32, i32) {
    %c0_i32 = arith.constant 0 : i32
    %c0_i32_0 = arith.constant 0 : i32
    return %arg0, %c0_i32 : i32, i32
  }
  func.func @transform_3(%arg0: i32) -> (i32, i32) {
    %c0_i32 = arith.constant 0 : i32
    %c0_i32_0 = arith.constant 0 : i32
    %c0_i32_1 = arith.constant 0 : i32
    return %c0_i32, %c0_i32_0 : i32, i32
  }
  func.func @transform_4(%arg0: i32) -> (i32, i32) {
    %c0_i32 = arith.constant 0 : i32
    %c0_i32_0 = arith.constant 0 : i32
    %c0_i32_1 = arith.constant 0 : i32
    return %c0_i32, %c0_i32_0 : i32, i32
  }
}

module attributes {stable_mosaic.version = 14 : i64} {
  func.func @_head_body(%arg0: memref<64x256xf32, #tpu.memory_space<vmem>>, %arg1: memref<64x256xf32, #tpu.memory_space<vmem>>, %arg2: memref<64x256xf32, #tpu.memory_space<vmem>>, %arg3: memref<64x256xf32, #tpu.memory_space<vmem>>, %arg4: memref<256x256xf32, #tpu.memory_space<vmem>>, %arg5: memref<256x256xf32, #tpu.memory_space<vmem>>, %arg6: memref<1x256xf32, #tpu.memory_space<vmem>>, %arg7: memref<256x128xf32, #tpu.memory_space<vmem>>, %arg8: memref<1x128xf32, #tpu.memory_space<vmem>>, %arg9: memref<64x128xf32, #tpu.memory_space<vmem>>) attributes {dimension_semantics = [], scalar_prefetch = 0 : i64, scratch_operands = 0 : i64, tpu.core_type = #tpu.core_type<tc>} {
    %get3A = arith.constant 0 : index
    %get3A_0 = arith.constant 0 : index
    %get3A_1 = vector.load %arg0[%get3A, %get3A_0] : memref<64x256xf32, #tpu.memory_space<vmem>>, vector<64x256xf32>
    %get3A_2 = arith.constant 0 : index
    %get3A_3 = arith.constant 0 : index
    %get3A_4 = vector.load %arg1[%get3A_2, %get3A_3] : memref<64x256xf32, #tpu.memory_space<vmem>>, vector<64x256xf32>
    %max3A = arith.constant 1.000000e+00 : f32
    %max3A_5 = vector.broadcast %max3A : f32 to vector<64x256xf32>
    %max3A_6 = arith.maximumf %get3A_4, %max3A_5 : vector<64x256xf32>
    %div3A = arith.divf %get3A_1, %max3A_6 : vector<64x256xf32>
    %get3A_7 = arith.constant 0 : index
    %get3A_8 = arith.constant 0 : index
    %get3A_9 = vector.load %arg2[%get3A_7, %get3A_8] : memref<64x256xf32, #tpu.memory_space<vmem>>, vector<64x256xf32>
    %get3A_10 = arith.constant 0 : index
    %get3A_11 = arith.constant 0 : index
    %get3A_12 = vector.load %arg3[%get3A_10, %get3A_11] : memref<64x256xf32, #tpu.memory_space<vmem>>, vector<64x256xf32>
    %max3A_13 = arith.constant 1.000000e+00 : f32
    %max3A_14 = vector.broadcast %max3A_13 : f32 to vector<64x256xf32>
    %max3A_15 = arith.maximumf %get3A_12, %max3A_14 : vector<64x256xf32>
    %div3A_16 = arith.divf %get3A_9, %max3A_15 : vector<64x256xf32>
    %get3A_17 = arith.constant 0 : index
    %get3A_18 = arith.constant 0 : index
    %get3A_19 = vector.load %arg4[%get3A_17, %get3A_18] : memref<256x256xf32, #tpu.memory_space<vmem>>, vector<256x256xf32>
    %dot_general3A = arith.constant dense<0.000000e+00> : vector<64x256xf32>
    %dot_general3A_20 = tpu.matmul %div3A, %get3A_19, %dot_general3A {dimension_numbers = #tpu.dot_dimension_numbers<[1], [0], [0], [1], [0, 0, 1, 1], [], []>, transpose_lhs_hint = false} : vector<64x256xf32>, vector<256x256xf32>, vector<64x256xf32> -> vector<64x256xf32>
    %get3A_21 = arith.constant 0 : index
    %get3A_22 = arith.constant 0 : index
    %get3A_23 = vector.load %arg5[%get3A_21, %get3A_22] : memref<256x256xf32, #tpu.memory_space<vmem>>, vector<256x256xf32>
    %dot_general3A_24 = arith.constant dense<0.000000e+00> : vector<64x256xf32>
    %dot_general3A_25 = tpu.matmul %div3A_16, %get3A_23, %dot_general3A_24 {dimension_numbers = #tpu.dot_dimension_numbers<[1], [0], [0], [1], [0, 0, 1, 1], [], []>, transpose_lhs_hint = false} : vector<64x256xf32>, vector<256x256xf32>, vector<64x256xf32> -> vector<64x256xf32>
    %add3A = arith.addf %dot_general3A_20, %dot_general3A_25 : vector<64x256xf32>
    %get3A_26 = arith.constant 0 : index
    %get3A_27 = arith.constant 0 : index
    %get3A_28 = vector.load %arg6[%get3A_26, %get3A_27] : memref<1x256xf32, #tpu.memory_space<vmem>>, vector<1x256xf32>
    %add3A_29 = vector.broadcast %get3A_28 : vector<1x256xf32> to vector<64x256xf32>
    %add3A_30 = arith.addf %add3A, %add3A_29 : vector<64x256xf32>
    %max3A_31 = arith.constant 0.000000e+00 : f32
    %max3A_32 = vector.broadcast %max3A_31 : f32 to vector<64x256xf32>
    %max3A_33 = arith.maximumf %add3A_30, %max3A_32 : vector<64x256xf32>
    %get3A_34 = arith.constant 0 : index
    %get3A_35 = arith.constant 0 : index
    %get3A_36 = vector.load %arg7[%get3A_34, %get3A_35] : memref<256x128xf32, #tpu.memory_space<vmem>>, vector<256x128xf32>
    %dot_general3A_37 = arith.constant dense<0.000000e+00> : vector<64x128xf32>
    %dot_general3A_38 = tpu.matmul %max3A_33, %get3A_36, %dot_general3A_37 {dimension_numbers = #tpu.dot_dimension_numbers<[1], [0], [0], [1], [0, 0, 1, 1], [], []>, transpose_lhs_hint = false} : vector<64x256xf32>, vector<256x128xf32>, vector<64x128xf32> -> vector<64x128xf32>
    %get3A_39 = arith.constant 0 : index
    %get3A_40 = arith.constant 0 : index
    %get3A_41 = vector.load %arg8[%get3A_39, %get3A_40] : memref<1x128xf32, #tpu.memory_space<vmem>>, vector<1x128xf32>
    %add3A_42 = vector.broadcast %get3A_41 : vector<1x128xf32> to vector<64x128xf32>
    %add3A_43 = arith.addf %dot_general3A_38, %add3A_42 : vector<64x128xf32>
    %swap3A = arith.constant 0 : index
    %swap3A_44 = arith.constant 0 : index
    %swap3A_45 = vector.load %arg9[%swap3A, %swap3A_44] : memref<64x128xf32, #tpu.memory_space<vmem>>, vector<64x128xf32>
    tpu.vector_store %arg9[%swap3A, %swap3A_44], %add3A_43 {strides = array<i32>} : memref<64x128xf32, #tpu.memory_space<vmem>>, vector<64x128xf32>,
    return
  }
}

</mosaic_0001>

<sc_bundles>
// kernel: kernel.17.cloned.1.call-start
scs
__scs_entry_jumppad:
0x0: {  	(pc) =	sbr.rel $0x88, $3  }
0x1: {  	(tag) =	ssettag $0x0;
	lr =	simm.s32 $0x1  }
0x2: {  	[smem:$0x3F88] =	sst lr;
	_ =	strace $0xD0000000  }
0x3: {  	_ = 	snop  }
0x4: {  	_ = 	snop  }
0x5: {  	_ = 	snop  }
0x6: {  	_ = 	snop  }
0x7: {  	_ = 	snop  }
__scs_overlays_trampoline_lowered:
0x8: {  	[smem:$0x3F97] =	sst s0  }
0x9: {  	[smem:$0x3F98] =	sst s1  }
0xa: {  	[smem:$0x3F99] =	sst s2  }
0xb: {  	[smem:$0x3F9A] =	sst s3  }
0xc: {  	[smem:$0x3F9B] =	sst s4  }
0xd: {  	[smem:$0x3F9C] =	sst s5  }
0xe: {  	[smem:$0x3F9D] =	sst s6  }
0xf: {  	[smem:$0x3F9E] =	sst s7  }
0x10: {  	[smem:$0x3F9F] =	sst s8  }
0x11: {  	[smem:$0x3FA0] =	sst s9;
	s0 =	simm.s32 @!p0 $0x0  }
0x12: {  	s1 =	sld [smem:$0x3F86];
	s0 =	simm.s32 @p0 $0x1  }
0x13: {  	[smem:$0x3FA1] =	sst s0;
	s0 =	simm.s32 @!p1 $0x0  }
0x14: {  	s2 =	sld [smem:$0x3F85];
	s0 =	simm.s32 @p1 $0x1  }
0x15: {  	[smem:$0x3FA2] =	sst s0;
	s0 =	simm.s32 @!p2 $0x0  }
0x16: {  	s3 =	sld [smem:$0x3FDB];
	s0 =	simm.s32 @p2 $0x1  }
0x17: {  	s4 =	simm.s32 $0x1BF5;
	[smem:$0x3FA4] =	sst s0  }
0x18: {  	s0 =	sld [smem:$0x3F87];
	_ =	swait.ge [sflag:s4], $0x0  }
0x19: {  	s7 =	sld [smem:$0x3F88]  }
0x1a: {  	s8 =	sadd.s32 $0xFFFFE003, lr  }
0x1b: {  	s9 =	sadd.s32 $0xFFFFFEF7, lr;
	s5 =	simm.s32 $0xFFFFFFFF;
	p2 =	slt.u32 s8, $0xFFFFF086  }
0x1c: {  	p1 =	slt.u32 s9, $0xF7A;
	s5 =	simm.s32 @!p2 $0x0  }
0x1d: {  	s5 =	simm.s32 @p1 $0x1;
	p0 =	seq.s32 s7, s2  }
0x1e: {  	s7 =	smul.u32 @!p0 $0xF7A, s2;
	p2 =	seq.s32 @!p0 s5, $0x0  }
0x1f: {  	s9 =	smul.u32 $0xF7A, s1;
	s8 =	simm.s32 @!p0 $0x1BF5;
	p2 =	por !p2, p0  }
0x20: {  	[sflag:s8] =	ssyncset.s32 @!p0 $0xFFFFF086;
	s6 =	sadd.s32 @!p0 s3, s7;
	s7 =	simm.s32 @!p0 $0x108  }
0x21: {  	s3 =	sadd.s32 s3, s9;
	s6 =	sadd.s32 @!p0 $0x88, s6;
	s7 =	simm.s32 @p2 $0x1082  }
0x22: {  	[simem:s7], [sflag:s8] =	dma.local @!p0 [hbm:s6], $0xF7A  }
0x23: {  	s9 =	sor.u32 $0xD0000000, s2;
	s6 =	simm.s32 $0x108;
	_ =	swait.ge @!p0 [sflag:s8], $0x0  }
0x24: {  	s3 =	sadd.s32 $0x88, s3;
	s6 =	simm.s32 @!p1 $0x1082;
	[sflag:s4] =	ssyncset.s32 $0xFFFFF086  }
0x25: {  	[simem:s6], [sflag:s4] =	dma.local [hbm:s3], $0xF7A  }
0x26: {  	[smem:$0x3F88] =	sst s1;
	(tag) =	ssettag s2;
	_ =	strace s9  }
0x27: {  	s1 =	sld [smem:$0x3F98]  }
0x28: {  	s2 =	sld [smem:$0x3F99]  }
0x29: {  	s4 =	sld [smem:$0x3F9B]  }
0x2a: {  	p0 =	seq.s32 s5, $0x0;
	s5 =	sld [smem:$0x3F9C]  }
0x2b: {  	s6 =	sld [smem:$0x3F9D]  }
0x2c: {  	s7 =	sld [smem:$0x3F9E]  }
0x2d: {  	s3 =	simm.s32 $0x108;
	s8 =	sld [smem:$0x3F9F]  }
0x2e: {  	s3 =	simm.s32 @!p0 $0x1082;
	s9 =	sld [smem:$0x3FA0]  }
0x2f: {  	lr =	sadd.s32 s0, s3;
	s0 =	sld [smem:$0x3F97]  }
0x30: {  	s3 =	sld [smem:$0x3F9A]  }
0x31: {  	[smem:$0x3FA3] =	sst s10  }
0x32: {  	s10 =	sld [smem:$0x3FA1];
	_ =	sdelay $0x3  }
0x33: {  	p0 =	seq.s32 s10, $0x1;
	s10 =	sld [smem:$0x3FA3];
	_ =	sdelay $0x3  }
0x34: {  	[smem:$0x3FA3] =	sst s10  }
0x35: {  	s10 =	sld [smem:$0x3FA2];
	_ =	sdelay $0x3  }
0x36: {  	p1 =	seq.s32 s10, $0x1;
	s10 =	sld [smem:$0x3FA3];
	_ =	sdelay $0x3  }
0x37: {  	[smem:$0x3FA3] =	sst s10  }
0x38: {  	s10 =	sld [smem:$0x3FA4]  }
0x39: {  	_ = 	snop;
	(pc) =	sbr.ind lr, $3  }
0x3a: {  	_ = 	snop  }
0x3b: {  	_ = 	snop  }
0x3c: {  	p2 =	seq.s32 s10, $0x1;
	s10 =	sld [smem:$0x3FA3]  }
0x3d: {  	_ =	shalt  }
0x3e: {  	_ =	shalt  }
0x3f: {  	_ =	shalt  }
0x40: {  	_ =	shalt  }
0x41: {  	_ =	shalt  }
0x42: {  	_ =	shalt  }
0x43: {  	_ =	shalt  }
0x44: {  	_ =	shalt  }
0x45: {  	_ =	shalt  }
0x46: {  	_ =	shalt  }
0x47: {  	_ =	shalt  }
0x48: {  	_ =	shalt  }
0x49: {  	_ =	shalt  }
0x4a: {  	_ =	shalt  }
0x4b: {  	_ =	shalt  }
0x4c: {  	_ =	shalt  }
0x4d: {  	_ =	shalt  }
0x4e: {  	_ =	shalt  }
0x4f: {  	_ =	shalt  }
0x50: {  	_ =	shalt  }
0x51: {  	_ =	shalt  }
0x52: {  	_ =	shalt  }
0x53: {  	_ =	shalt  }
0x54: {  	_ =	shalt  }
0x55: {  	_ =	shalt  }
0x56: {  	_ =	shalt  }
0x57: {  	_ =	shalt  }
0x58: {  	_ =	shalt  }
0x59: {  	_ =	shalt  }
0x5a: {  	_ =	shalt  }
0x5b: {  	_ =	shalt  }
0x5c: {  	_ =	shalt  }
0x5d: {  	_ =	shalt  }
0x5e: {  	_ =	shalt  }
0x5f: {  	_ =	shalt  }
0x60: {  	_ =	shalt  }
0x61: {  	_ =	shalt  }
0x62: {  	_ =	shalt  }
0x63: {  	_ =	shalt  }
0x64: {  	_ =	shalt  }
0x65: {  	_ =	shalt  }
0x66: {  	_ =	shalt  }
0x67: {  	_ =	shalt  }
0x68: {  	_ =	shalt  }
0x69: {  	_ =	shalt  }
0x6a: {  	_ =	shalt  }
0x6b: {  	_ =	shalt  }
0x6c: {  	_ =	shalt  }
0x6d: {  	_ =	shalt  }
0x6e: {  	_ =	shalt  }
0x6f: {  	_ =	shalt  }
0x70: {  	_ =	shalt  }
0x71: {  	_ =	shalt  }
0x72: {  	_ =	shalt  }
0x73: {  	_ =	shalt  }
0x74: {  	_ =	shalt  }
0x75: {  	_ =	shalt  }
0x76: {  	_ =	shalt  }
0x77: {  	_ =	shalt  }
0x78: {  	_ =	shalt  }
0x79: {  	_ =	shalt  }
0x7a: {  	_ =	shalt  }
0x7b: {  	_ =	shalt  }
0x7c: {  	_ =	shalt  }
0x7d: {  	_ =	shalt  }
0x7e: {  	_ =	shalt  }
0x7f: {  	_ =	shalt  }
0x80: {  	_ =	shalt  }
0x81: {  	_ =	shalt  }
0x82: {  	_ =	shalt  }
0x83: {  	_ =	shalt  }
0x84: {  	_ =	shalt  }
0x85: {  	_ =	shalt  }
0x86: {  	_ =	shalt  }
0x87: {  	_ =	shalt  }
.Lfunc_end0:
.L_simem_size_0:
called_computation_lowered:
.L_overlay_start_0:
0x88: {  	s2 =	sld [smem:$0x3FD9]  }
0x89: {  	s3 =	sld [smem:$0x3FFE];
	_ =	sdelay $0x1  }
0x8a: {  	s1 =	srdreg.scid  }
0x8b: {  	s0 =	sand.u32 $0x1, s1  }
0x8c: {  	s17 =	sshll.u32 s0, $0xA;
	s2 =	sadd.s32 s3, s2  }
0x8d: {  	s2 =	sadd.s32 s2, s17  }
0x8e: {  	[smem:$0x3FAF] =	sst s2  }
0x8f: {  	_ = 	snop  }
0x90: {  	(tm) =	ssettm $0x1  }
0x91: {  	s18 =	sld [smem:$0x3FFB];
	_ =	sdelay $0x3  }
0x92: {  	_ =	strace s18  }
0x93: {  	s2 =	sld [smem:$0x3FFC];
	_ =	sdelay $0x3  }
0x94: {  	_ =	strace s2  }
0x95: {  	s2 =	sld [smem:$0x3FFD];
	_ =	sdelay $0x3  }
0x96: {  	_ =	strace s2  }
0x97: {  	_ =	strace $0x8FFFFFFF  }
0x98: {  	s19 =	sld [smem:$0x3FDB];
	_ =	sdelay $0x1  }
0x99: {  	s20 =	simm.s32 $_scs_section_size  }
0x9a: {  	s4 =	simm.s32 $_size__tile_overlayer_lowered;
	s5 =	simm.s32 $_tile_overlayer_lowered  }
0x9b: {  	s6 =	simm.s32 $0x1BFF;
	s21 =	sshll.u32 s5, $0x1;
	s3 =	sadd.s32 s20, s19  }
0x9c: {  	s22 =	simm.s32 $0x0;
	s4 =	sshll.u32 s4, $0x1;
	s5 =	sadd.s32 s21, s3  }
0x9d: {  	[timem:s22], [sflag:s6] =	dma.local [hbm:s5], s4  }
0x9e: {  	_ =	swait.ge [sflag:s6], s4  }
0x9f: {  	s4 =	ssub.s32 $0x0, s4;
	[sflag:s6] =	ssyncset.done $0x0  }
0xa0: {  	[sflag:s6] =	ssyncadd.s32 s4;
	_ =	sdelay $0x1  }
0xa1: {  	s23 =	simm.s32 $0x1B8B  }
0xa2: {  	_ =	swait.ge [sflag:s23], $0x1  }
0xa3: {  	[sflag:s23] =	ssyncset.done $0x0  }
0xa4: {  	[sflag:s23] =	ssyncadd.s32 $0xFFFFFFFF  }
0xa5: {  	s4 =	sld [smem:$0x0]  }
0xa6: {  	s5 =	sand.u32 $0xFFFFFFFE, s1  }
0xa7: {  	p0 =	sne.s32 s1, s5  }
0xa8: {  	s5 =	sshll.u32 @p0 s5, $0xE  }
0xa9: {  	s5 =	sadd.s32 @p0 $0x11B8D, s5;
	s6 =	sshll.u32 @p0 s4, $0x11  }
0xaa: {  	s5 =	sor.u32 @p0 s6, s5  }
0xab: {  	[sflag:s5] =	ssyncadd.remote.s32 @p0 $0x1;
	_ =	sdelay $0x1  }
0xac: {  	s5 =	simm.s32 @p0 $0x1B8D  }
0xad: {  	_ =	swait.eq @p0 [sflag:s5], $0x1  }
0xae: {  	[sflag:s5] =	ssyncadd.s32 @p0 $0xFFFFFFFF  }
0xaf: {  	s6 =	sshll.u32 @!p0 s1, $0xE  }
0xb0: {  	s6 =	sor.u32 @!p0 $0x4000, s6;
	s5 =	simm.s32 @!p0 $0x1B8D  }
0xb1: {  	s4 =	sshll.u32 @!p0 s4, $0x11;
	s6 =	sadd.s32 @!p0 $0x11B8D, s6;
	_ =	swait.eq @!p0 [sflag:s5], $0x1  }
0xb2: {  	s4 =	sor.u32 @!p0 s4, s6;
	[sflag:s5] =	ssyncadd.s32 @!p0 $0xFFFFFFFF  }
0xb3: {  	s25 =	simm.s32 $0x1B8E;
	s24 =	sld [smem:$0x3FFE];
	[sflag:s4] =	ssyncadd.remote.s32 @!p0 $0x1  }
0xb4: {  	s26 =	simm.s32 $execute0_lowered;
	[smem:$0x3FD2] =	sst s25  }
0xb5: {  	s5 =	sshll.u32 s26, $0x1;
	_ =	strace $0x80000049;
	[dreg:$0x1] =	wrdreg $0xFFFFFFFF  }
0xb6: {  	s28 =	simm.s32 $_size_execute0_lowered;
	s3 =	sadd.s32 s3, s5;
	[dreg:$0x0] =	wrdreg $0x0  }
0xb7: {  	s5 =	sshll.u32 s28, $0x1;
	[dreg:$0x2] =	wrdreg s3  }
0xb8: {  	[dreg:$0x3] =	wrdreg s5  }
0xb9: {  	[dreg:$0x4] =	wrdreg $0xC0  }
0xba: {  	_ =	task [dreg:s22], $0x5FFFF  }
0xbb: {  	[dreg:$0x1] =	wrdreg $0xFFFFFFFF  }
0xbc: {  	[dreg:$0x0] =	wrdreg $0x60  }
0xbd: {  	[dreg:$0x2] =	wrdreg s24  }
0xbe: {  	[dreg:$0x3] =	wrdreg $0xA8000  }
0xbf: {  	[dreg:$0x4] =	wrdreg $0x9  }
0xc0: {  	_ =	task.clear_ibuf [dreg:s22], $0x5FFFF;
	_ =	strace $0x90000049  }
0xc1: {  	s29 =	simm.s32 $0x9;
	_ =	strace $0x8000004B  }
0xc2: {  	_ =	swait.ge [sflag:s29], $0x1  }
0xc3: {  	[sflag:s29] =	ssyncadd.s32 $0xFFFFFFFF  }
0xc4: {  	_ =	strace $0x9000004B  }
0xc5: {  	_ =	sfence  }
0xc6: {  	s30 =	sld [smem:$0x0];
	_ =	sdelay $0x2  }
0xc7: {  	s31 =	sshll.u32 s1, $0xD;
	s1 =	sshrl.u32 s1, $0x2  }
0xc8: {  	s4 =	sand.u32 $0x4000, s31;
	s1 =	sadd.s32 s1, s30  }
0xc9: {  	s0 =	sor.u32 s4, s0;
	s1 =	sshll.u32 s1, $0x11  }
0xca: {  	s0 =	sor.u32 s1, s0  }
0xcb: {  	s0 =	sadd.s32 $0x8F2B, s0  }
0xcc: {  	[sflag:s0] =	ssyncadd.remote.s32 $0x1  }
0xcd: {  	_ =	sfence.sel $0xFFFF  }
0xce: {  	[dreg:$0x0] =	wrdreg $0xFFFFFFFF;
	(pc) =	sbr.abs _section_cstart, $3  }
0xcf: {  	[dreg:$0x1] =	wrdreg $0xFFFFFFFF  }
0xd0: {  	_ =	task.clear_ibuf [dreg:s22], $0x2FFFF;
	_ =	strace $0x9FFFFFFF  }
0xd1: {  	(tm) =	ssettm $0x7FFFFFFF  }
tec
execute0_lowered:
.L_overlay_start_1:
0x0: {  	(tag) =	ssettag $0x1  }
0x1: {  	s8 =	rddreg [dreg:$0x0]  }
0x2: {  	s1 =	rddreg [dreg:$0x1]  }
0x3: {  	s0 =	rddreg [dreg:$0x2];
	s2 =	simm.s32 $0x0  }
0x4: {  	s3 =	stileid.u32;
	s9 =	srdreg.scid;
	s16 =	simm.s32 $0x4000  }
0x5: {  	s17 =	simm.s32 $0x50;
	s18 =	simm.s32 $0x8000;
	s19 =	simm.s32 $0x1  }
0x6: {  	s20 =	simm.s32 $0x0;
	[smem:$0x7FF] =	sst s2;
	s4 =	sadd.s32 $0x6C200, s8  }
0x7: {  	s5 =	sadd.s32 $0xF5C00, s8;
	s6 =	sadd.s32 $0xCEA00, s8;
	s7 =	sshll.u32 s3, $0xB  }
0x8: {  	s12 =	sand.u32 $0x1, s9;
	s31 =	smul.u32 $0x50000, s3;
	s14 =	sshll.u32 s3, $0x6  }
0x9: {  	_ =	strace $0x8000004A;
	s11 =	sadd.s32 s7, s8;
	s7 =	sadd.s32 $0x11CE00, s8  }
.Ltmp0:
0xa: {  	s8 =	sadd.s32 $0x144E00, s8;
	s10 =	ssub.s32 $0x2, s12;
	(pc) =	sbr.rel .LBB2_1-.Ltmp0, $4  }
0xb: {  	p0 =	seq.s32 s12, $0x1;
	s13 =	sshrl.u32 s10, $0x1;
	s9 =	sshrl.u32 s31, $0x2  }
0xc: {  	s12 =	smul.u32 $0x2800, s3;
	s13 =	ssub.s32 s10, s13;
	s15 =	sadd.s32 s9, s1  }
0xd: {  	s9 =	sor.u32 $0x1C02, s14;
	s10 =	sadd.s32 $0xBEA00, s11;
	s11 =	sadd.s32 $0xC6A00, s11  }
0xe: {  	s13 =	smax.u32 s13, $0x1;
	s14 =	sshrl.u32 s15, $0x3;
	s15 =	simm.s32 $0x2  }
.LBB2_7:
0xf: {  	s21 =	sshra.s32 s21, $0x2;
	[sflag:s15] =	ssyncadd.s32 $0xFFFFD800  }
0x10: {  	[tilespmem:s18], [sflag:$0x1] =	stream.indirect.gather [hbm4b:s6+s17], $0x80, s21, s17, $0xb8;
	[tilespmem:$0x1E800] =	vst v63  }
0x11: {  	_ =	swait.ge [sflag:s19], $0x2800  }
0x12: {  	[sflag:s19] =	ssyncset.done $0x0  }
0x13: {  	s21 =	sadd.s32 $0x4000, s21;
	[sflag:s19] =	ssyncadd.s32 $0xFFFFD800  }
0x14: {  	[spmem:s1] =	stream.indirect.scatter.add.f32 [tilespmem:s18], [sflag:$0x2], $0x80, s21, s17, $0xb8;
	[tilespmem:$0x1E800] =	vst v63  }
0x15: {  	_ =	swait.ge [sflag:s15], $0x2800  }
0x16: {  	[sflag:s15] =	ssyncset.done $0x0  }
0x17: {  	s21 =	smov.u32 s8;
	[sflag:s15] =	ssyncadd.s32 $0xFFFFD800  }
.LBB2_8:
0x18: {  	s20 =	sadd.s32 $0x1, s20  }
0x19: {  	p1 =	sne.s32 s20, s13  }
.Ltmp1:
0x1a: {  	s21 =	sadd.s32 s21, s12;
	[bflag:$0x0] =	sbarrier.arrive $0xFFFF;
	(pc) =	sbr.rel @!p1 .LBB2_9-.Ltmp1, $4  }
0x1b: {  	[hbm:s21], [sflag:s9] =	dma.local [spmem:s14], $0x2800  }
0x1c: {  	_ =	swait.ge [sflag:s15], $0x2800  }
0x1d: {  	[sflag:s15] =	ssyncset.done $0x0  }
0x1e: {  	[sflag:s15] =	ssyncadd.s32 $0xFFFFD800  }
.LBB2_1:
0x1f: {  	[spmem:s14], [sflag:s9] =	dma.local [hbm:s4], $0x2800  }
0x20: {  	_ =	swait.ge [sflag:s15], $0x2800  }
0x21: {  	[sflag:s15] =	ssyncset.done $0x0  }
0x22: {  	[sflag:s15] =	ssyncadd.s32 $0xFFFFD800  }
0x23: {  	[tilespmem:s2], [sflag:$0x2] =	stream.linear.gather [hbm4b:s10+s2], $0x3E80, $0x38;
	[tilespmem:$0x1E800] =	vst v63  }
0x24: {  	_ =	swait.ge [sflag:s15], $0x3E80  }
0x25: {  	[sflag:s15] =	ssyncset.done $0x0  }
0x26: {  	[sflag:s15] =	ssyncadd.s32 $0xFFFFC180  }
0x27: {  	[tilespmem:s16], [sflag:$0x2] =	stream.linear.gather [hbm4b:s11+s2], $0x3E80, $0x38;
	[tilespmem:$0x1E800] =	vst v63  }
.Ltmp2:
0x28: {  	_ =	swait.ge [sflag:s15], $0x3E80;
	(pc) =	sbr.rel @!p0 .LBB2_2-.Ltmp2, $4  }
0x29: {  	[sflag:s15] =	ssyncset.done $0x0  }
0x2a: {  	[sflag:s15] =	ssyncadd.s32 $0xFFFFC180  }
0x2b: {  	[bflag:$0x0] =	sbarrier.arrive $0xFFFF  }
0x2c: {  	s21 =	simm.s32 $0x0  }
0x2d: {  	[tilespmem:s18], [sflag:$0x1] =	stream.indirect.gather [hbm4b:s6+s17], $0x80, s21, s17, $0xb8;
	[tilespmem:$0x1E800] =	vst v63  }
0x2e: {  	_ =	swait.ge [sflag:s19], $0x2800  }
0x2f: {  	[sflag:s19] =	ssyncset.done $0x0  }
0x30: {  	s31 =	simm.s32 $0x4000;
	[sflag:s19] =	ssyncadd.s32 $0xFFFFD800  }
0x31: {  	[spmem:s1] =	stream.indirect.scatter.add.f32 [tilespmem:s18], [sflag:$0x2], $0x80, s31, s17, $0xb8;
	[tilespmem:$0x1E800] =	vst v63  }
0x32: {  	_ =	swait.ge [sflag:s15], $0x2800  }
0x33: {  	s21 =	simm.s32 $0x200;
	s22 =	simm.s32 $0x400;
	[sflag:s15] =	ssyncset.done $0x0  }
.LBB2_6:
0x34: {  	s23 =	sshra.s32 s21, $0x2  }
0x35: {  	[sflag:s15] =	ssyncadd.s32 $0xFFFFD800;
	s21 =	smov.u32 s22;
	s24 =	sadd.s32 $0x200, s22  }
0x36: {  	[tilespmem:s18], [sflag:$0x1] =	stream.indirect.gather [hbm4b:s6+s17], $0x80, s23, s17, $0xb8;
	[tilespmem:$0x1E800] =	vst v63  }
0x37: {  	p1 =	sne.s32 s22, $0xF800;
	_ =	swait.ge [sflag:s19], $0x2800  }
.Ltmp3:
0x38: {  	[sflag:s19] =	ssyncset.done $0x0;
	(pc) =	sbr.rel @p1 .LBB2_6-.Ltmp3, $4  }
0x39: {  	s22 =	sadd.s32 $0x4000, s23;
	[sflag:s19] =	ssyncadd.s32 $0xFFFFD800  }
0x3a: {  	[spmem:s1] =	stream.indirect.scatter.add.f32 [tilespmem:s18], [sflag:$0x2], $0x80, s22, s17, $0xb8;
	[tilespmem:$0x1E800] =	vst v63  }
0x3b: {  	_ =	swait.ge [sflag:s15], $0x2800  }
0x3c: {  	s22 =	smov.u32 s24;
	[sflag:s15] =	ssyncset.done $0x0  }
.Ltmp4:
0x3d: {  	_ = 	snop;
	(pc) =	sbr.rel .LBB2_7-.Ltmp4, $1  }
0x3e: {  	_ =	sdelay $0x3  }
.LBB2_2:
0x3f: {  	[tilespmem:s18], [sflag:$0x1] =	stream.indirect.gather [hbm4b:s5+s17], $0x80, s21, s17, $0xb8;
	[tilespmem:$0x1E800] =	vst v63  }
0x40: {  	_ =	swait.ge [sflag:s19], $0x2800  }
0x41: {  	[sflag:s19] =	ssyncset.done $0x0  }
0x42: {  	s31 =	simm.s32 $0x4000;
	[sflag:s19] =	ssyncadd.s32 $0xFFFFD800  }
0x43: {  	[spmem:s1] =	stream.indirect.scatter.add.f32 [tilespmem:s18], [sflag:$0x2], $0x80, s31, s17, $0xb8;
	[tilespmem:$0x1E800] =	vst v63  }
0x44: {  	_ =	swait.ge [sflag:s15], $0x2800  }
0x45: {  	s21 =	simm.s32 $0x200;
	s22 =	simm.s32 $0x400;
	[sflag:s15] =	ssyncset.done $0x0  }
.LBB2_3:
0x46: {  	s23 =	sshra.s32 s21, $0x2  }
0x47: {  	[sflag:s15] =	ssyncadd.s32 $0xFFFFD800;
	s21 =	smov.u32 s22;
	s24 =	sadd.s32 $0x200, s22  }
0x48: {  	[tilespmem:s18], [sflag:$0x1] =	stream.indirect.gather [hbm4b:s5+s17], $0x80, s23, s17, $0xb8;
	[tilespmem:$0x1E800] =	vst v63  }
0x49: {  	p1 =	seq.s32 s22, $0xF800;
	_ =	swait.ge [sflag:s19], $0x2800  }
.Ltmp5:
0x4a: {  	[sflag:s19] =	ssyncset.done $0x0;
	(pc) =	sbr.rel @!p1 .LBB2_3-.Ltmp5, $4  }
0x4b: {  	s22 =	sadd.s32 $0x4000, s23;
	[sflag:s19] =	ssyncadd.s32 $0xFFFFD800  }
0x4c: {  	[spmem:s1] =	stream.indirect.scatter.add.f32 [tilespmem:s18], [sflag:$0x2], $0x80, s22, s17, $0xb8;
	[tilespmem:$0x1E800] =	vst v63  }
0x4d: {  	_ =	swait.ge [sflag:s15], $0x2800  }
0x4e: {  	s22 =	smov.u32 s24;
	[sflag:s15] =	ssyncset.done $0x0  }
0x4f: {  	s21 =	sshra.s32 s21, $0x2;
	[sflag:s15] =	ssyncadd.s32 $0xFFFFD800  }
0x50: {  	[tilespmem:s18], [sflag:$0x1] =	stream.indirect.gather [hbm4b:s5+s17], $0x80, s21, s17, $0xb8;
	[tilespmem:$0x1E800] =	vst v63  }
0x51: {  	_ =	swait.ge [sflag:s19], $0x2800  }
0x52: {  	[sflag:s19] =	ssyncset.done $0x0  }
.Ltmp6:
0x53: {  	s21 =	sadd.s32 $0x4000, s21;
	[sflag:s19] =	ssyncadd.s32 $0xFFFFD800;
	(pc) =	sbr.rel .LBB2_8-.Ltmp6, $4  }
0x54: {  	[spmem:s1] =	stream.indirect.scatter.add.f32 [tilespmem:s18], [sflag:$0x2], $0x80, s21, s17, $0xb8;
	[tilespmem:$0x1E800] =	vst v63  }
0x55: {  	_ =	swait.ge [sflag:s15], $0x2800  }
0x56: {  	[sflag:s15] =	ssyncset.done $0x0  }
0x57: {  	s21 =	smov.u32 s7;
	[sflag:s15] =	ssyncadd.s32 $0xFFFFD800  }
.LBB2_9:
0x58: {  	_ =	sfence.sel $0x180000  }
0x59: {  	[bflag:$0x0] =	sbarrier.arrive $0xFFFF  }
0x5a: {  	p0 =	sne.s32 s3, $0x0;
	_ =	strace $0x9000004A  }
0x5b: {  	s0 =	sadd.s32 @!p0 $0x100000, s0;
	[bflag:$0x2] =	sbarrier.arrive $0xFFFF  }
0x5c: {  	[sflag:s0] =	ssyncadd.tile.s32 @!p0 $0x1;
	_ =	shalt  }
.Lfunc_end2:
_tile_overlayer_lowered:
.L_overlay_start_2:
0x5d: {  	(tag) =	ssettag $0x2  }
0x5e: {  	s0 =	rddreg [dreg:$0x0];
	s2 =	stileid.u32  }
0x5f: {  	s1 =	rddreg [dreg:$0x1];
	p0 =	sne.s32 s2, $0x0  }
0x60: {  	s3 =	rddreg [dreg:$0x2];
	[bflag:$0x3] =	sbarrier.arrive $0xFFFF;
	s2 =	simm.s32 @!p0 $0x1C02  }
0x61: {  	[timem:s3], [sflag:s2] =	dma.local @!p0 [hbm:s0], s1  }
0x62: {  	s0 =	simm.s32 @!p0 $0x2  }
0x63: {  	_ =	swait.ge @!p0 [sflag:s0], s1  }
0x64: {  	s1 =	ssub.s32 @!p0 $0x0, s1;
	[sflag:s0] =	ssyncset.done @!p0 $0x0  }
0x65: {  	[sflag:s0] =	ssyncadd.s32 @!p0 s1  }
0x66: {  	[bflag:$0x3] =	sbarrier.arrive $0xFFFF  }
0x67: {  	_ =	shalt  }

// kernel: kernel.20.cloned.1.call-start
scs
__scs_entry_jumppad:
0x0: {  	(pc) =	sbr.rel $0x88, $3  }
0x1: {  	(tag) =	ssettag $0x0;
	lr =	simm.s32 $0x1  }
0x2: {  	[smem:$0x3F88] =	sst lr;
	_ =	strace $0xD0000000  }
0x3: {  	_ = 	snop  }
0x4: {  	_ = 	snop  }
0x5: {  	_ = 	snop  }
0x6: {  	_ = 	snop  }
0x7: {  	_ = 	snop  }
__scs_overlays_trampoline_lowered:
0x8: {  	[smem:$0x3F97] =	sst s0  }
0x9: {  	[smem:$0x3F98] =	sst s1  }
0xa: {  	[smem:$0x3F99] =	sst s2  }
0xb: {  	[smem:$0x3F9A] =	sst s3  }
0xc: {  	[smem:$0x3F9B] =	sst s4  }
0xd: {  	[smem:$0x3F9C] =	sst s5  }
0xe: {  	[smem:$0x3F9D] =	sst s6  }
0xf: {  	[smem:$0x3F9E] =	sst s7  }
0x10: {  	[smem:$0x3F9F] =	sst s8  }
0x11: {  	[smem:$0x3FA0] =	sst s9;
	s0 =	simm.s32 @!p0 $0x0  }
0x12: {  	s1 =	sld [smem:$0x3F86];
	s0 =	simm.s32 @p0 $0x1  }
0x13: {  	[smem:$0x3FA1] =	sst s0;
	s0 =	simm.s32 @!p1 $0x0  }
0x14: {  	s2 =	sld [smem:$0x3F85];
	s0 =	simm.s32 @p1 $0x1  }
0x15: {  	[smem:$0x3FA2] =	sst s0;
	s0 =	simm.s32 @!p2 $0x0  }
0x16: {  	s3 =	sld [smem:$0x3FDB];
	s0 =	simm.s32 @p2 $0x1  }
0x17: {  	s4 =	simm.s32 $0x1BF5;
	[smem:$0x3FA4] =	sst s0  }
0x18: {  	s0 =	sld [smem:$0x3F87];
	_ =	swait.ge [sflag:s4], $0x0  }
0x19: {  	s7 =	sld [smem:$0x3F88]  }
0x1a: {  	s8 =	sadd.s32 $0xFFFFE003, lr  }
0x1b: {  	s9 =	sadd.s32 $0xFFFFFEF7, lr;
	s5 =	simm.s32 $0xFFFFFFFF;
	p2 =	slt.u32 s8, $0xFFFFF086  }
0x1c: {  	p1 =	slt.u32 s9, $0xF7A;
	s5 =	simm.s32 @!p2 $0x0  }
0x1d: {  	s5 =	simm.s32 @p1 $0x1;
	p0 =	seq.s32 s7, s2  }
0x1e: {  	s7 =	smul.u32 @!p0 $0xF7A, s2;
	p2 =	seq.s32 @!p0 s5, $0x0  }
0x1f: {  	s9 =	smul.u32 $0xF7A, s1;
	s8 =	simm.s32 @!p0 $0x1BF5;
	p2 =	por !p2, p0  }
0x20: {  	[sflag:s8] =	ssyncset.s32 @!p0 $0xFFFFF086;
	s6 =	sadd.s32 @!p0 s3, s7;
	s7 =	simm.s32 @!p0 $0x108  }
0x21: {  	s3 =	sadd.s32 s3, s9;
	s6 =	sadd.s32 @!p0 $0x88, s6;
	s7 =	simm.s32 @p2 $0x1082  }
0x22: {  	[simem:s7], [sflag:s8] =	dma.local @!p0 [hbm:s6], $0xF7A  }
0x23: {  	s9 =	sor.u32 $0xD0000000, s2;
	s6 =	simm.s32 $0x108;
	_ =	swait.ge @!p0 [sflag:s8], $0x0  }
0x24: {  	s3 =	sadd.s32 $0x88, s3;
	s6 =	simm.s32 @!p1 $0x1082;
	[sflag:s4] =	ssyncset.s32 $0xFFFFF086  }
0x25: {  	[simem:s6], [sflag:s4] =	dma.local [hbm:s3], $0xF7A  }
0x26: {  	[smem:$0x3F88] =	sst s1;
	(tag) =	ssettag s2;
	_ =	strace s9  }
0x27: {  	s1 =	sld [smem:$0x3F98]  }
0x28: {  	s2 =	sld [smem:$0x3F99]  }
0x29: {  	s4 =	sld [smem:$0x3F9B]  }
0x2a: {  	p0 =	seq.s32 s5, $0x0;
	s5 =	sld [smem:$0x3F9C]  }
0x2b: {  	s6 =	sld [smem:$0x3F9D]  }
0x2c: {  	s7 =	sld [smem:$0x3F9E]  }
0x2d: {  	s3 =	simm.s32 $0x108;
	s8 =	sld [smem:$0x3F9F]  }
0x2e: {  	s3 =	simm.s32 @!p0 $0x1082;
	s9 =	sld [smem:$0x3FA0]  }
0x2f: {  	lr =	sadd.s32 s0, s3;
	s0 =	sld [smem:$0x3F97]  }
0x30: {  	s3 =	sld [smem:$0x3F9A]  }
0x31: {  	[smem:$0x3FA3] =	sst s10  }
0x32: {  	s10 =	sld [smem:$0x3FA1];
	_ =	sdelay $0x3  }
0x33: {  	p0 =	seq.s32 s10, $0x1;
	s10 =	sld [smem:$0x3FA3];
	_ =	sdelay $0x3  }
0x34: {  	[smem:$0x3FA3] =	sst s10  }
0x35: {  	s10 =	sld [smem:$0x3FA2];
	_ =	sdelay $0x3  }
0x36: {  	p1 =	seq.s32 s10, $0x1;
	s10 =	sld [smem:$0x3FA3];
	_ =	sdelay $0x3  }
0x37: {  	[smem:$0x3FA3] =	sst s10  }
0x38: {  	s10 =	sld [smem:$0x3FA4]  }
0x39: {  	_ = 	snop;
	(pc) =	sbr.ind lr, $3  }
0x3a: {  	_ = 	snop  }
0x3b: {  	_ = 	snop  }
0x3c: {  	p2 =	seq.s32 s10, $0x1;
	s10 =	sld [smem:$0x3FA3]  }
0x3d: {  	_ =	shalt  }
0x3e: {  	_ =	shalt  }
0x3f: {  	_ =	shalt  }
0x40: {  	_ =	shalt  }
0x41: {  	_ =	shalt  }
0x42: {  	_ =	shalt  }
0x43: {  	_ =	shalt  }
0x44: {  	_ =	shalt  }
0x45: {  	_ =	shalt  }
0x46: {  	_ =	shalt  }
0x47: {  	_ =	shalt  }
0x48: {  	_ =	shalt  }
0x49: {  	_ =	shalt  }
0x4a: {  	_ =	shalt  }
0x4b: {  	_ =	shalt  }
0x4c: {  	_ =	shalt  }
0x4d: {  	_ =	shalt  }
0x4e: {  	_ =	shalt  }
0x4f: {  	_ =	shalt  }
0x50: {  	_ =	shalt  }
0x51: {  	_ =	shalt  }
0x52: {  	_ =	shalt  }
0x53: {  	_ =	shalt  }
0x54: {  	_ =	shalt  }
0x55: {  	_ =	shalt  }
0x56: {  	_ =	shalt  }
0x57: {  	_ =	shalt  }
0x58: {  	_ =	shalt  }
0x59: {  	_ =	shalt  }
0x5a: {  	_ =	shalt  }
0x5b: {  	_ =	shalt  }
0x5c: {  	_ =	shalt  }
0x5d: {  	_ =	shalt  }
0x5e: {  	_ =	shalt  }
0x5f: {  	_ =	shalt  }
0x60: {  	_ =	shalt  }
0x61: {  	_ =	shalt  }
0x62: {  	_ =	shalt  }
0x63: {  	_ =	shalt  }
0x64: {  	_ =	shalt  }
0x65: {  	_ =	shalt  }
0x66: {  	_ =	shalt  }
0x67: {  	_ =	shalt  }
0x68: {  	_ =	shalt  }
0x69: {  	_ =	shalt  }
0x6a: {  	_ =	shalt  }
0x6b: {  	_ =	shalt  }
0x6c: {  	_ =	shalt  }
0x6d: {  	_ =	shalt  }
0x6e: {  	_ =	shalt  }
0x6f: {  	_ =	shalt  }
0x70: {  	_ =	shalt  }
0x71: {  	_ =	shalt  }
0x72: {  	_ =	shalt  }
0x73: {  	_ =	shalt  }
0x74: {  	_ =	shalt  }
0x75: {  	_ =	shalt  }
0x76: {  	_ =	shalt  }
0x77: {  	_ =	shalt  }
0x78: {  	_ =	shalt  }
0x79: {  	_ =	shalt  }
0x7a: {  	_ =	shalt  }
0x7b: {  	_ =	shalt  }
0x7c: {  	_ =	shalt  }
0x7d: {  	_ =	shalt  }
0x7e: {  	_ =	shalt  }
0x7f: {  	_ =	shalt  }
0x80: {  	_ =	shalt  }
0x81: {  	_ =	shalt  }
0x82: {  	_ =	shalt  }
0x83: {  	_ =	shalt  }
0x84: {  	_ =	shalt  }
0x85: {  	_ =	shalt  }
0x86: {  	_ =	shalt  }
0x87: {  	_ =	shalt  }
.Lfunc_end0:
.L_simem_size_0:
called_computation.1_lowered:
.L_overlay_start_0:
0x88: {  	s2 =	sld [smem:$0x3FD9]  }
0x89: {  	s3 =	sld [smem:$0x3FFE];
	_ =	sdelay $0x1  }
0x8a: {  	s1 =	srdreg.scid  }
0x8b: {  	s0 =	sand.u32 $0x1, s1  }
0x8c: {  	s16 =	sshll.u32 s0, $0xA;
	s2 =	sadd.s32 s3, s2  }
0x8d: {  	s2 =	sadd.s32 s2, s16  }
0x8e: {  	[smem:$0x3FAF] =	sst s2  }
0x8f: {  	_ = 	snop  }
0x90: {  	(tm) =	ssettm $0x1  }
0x91: {  	s17 =	sld [smem:$0x3FFB];
	_ =	sdelay $0x3  }
0x92: {  	_ =	strace s17  }
0x93: {  	s2 =	sld [smem:$0x3FFC];
	_ =	sdelay $0x3  }
0x94: {  	_ =	strace s2  }
0x95: {  	s2 =	sld [smem:$0x3FFD];
	_ =	sdelay $0x3  }
0x96: {  	_ =	strace s2  }
0x97: {  	_ =	strace $0x8FFFFFFF  }
0x98: {  	s18 =	sld [smem:$0x3FDB];
	_ =	sdelay $0x1  }
0x99: {  	s19 =	simm.s32 $_scs_section_size  }
0x9a: {  	s4 =	simm.s32 $_size__tile_overlayer_lowered;
	s5 =	simm.s32 $_tile_overlayer_lowered  }
0x9b: {  	s22 =	simm.s32 $0x1BFF;
	s21 =	sshll.u32 s5, $0x1;
	s2 =	sadd.s32 s19, s18  }
0x9c: {  	s6 =	simm.s32 $0x0;
	s20 =	sshll.u32 s4, $0x1;
	s4 =	sadd.s32 s21, s2  }
0x9d: {  	[timem:s6], [sflag:s22] =	dma.local [hbm:s4], s20  }
0x9e: {  	_ =	swait.ge [sflag:s22], s20  }
0x9f: {  	s3 =	ssub.s32 $0x0, s20;
	[sflag:s22] =	ssyncset.done $0x0  }
0xa0: {  	[sflag:s22] =	ssyncadd.s32 s3;
	_ =	sdelay $0x1  }
0xa1: {  	s23 =	simm.s32 $0x1B8B  }
0xa2: {  	_ =	swait.ge [sflag:s23], $0x1  }
0xa3: {  	[sflag:s23] =	ssyncset.done $0x0  }
0xa4: {  	s25 =	simm.s32 $0x1B8E;
	s24 =	sld [smem:$0x3FFE];
	[sflag:s23] =	ssyncadd.s32 $0xFFFFFFFF  }
0xa5: {  	s26 =	simm.s32 $execute0_lowered;
	[smem:$0x3FD2] =	sst s25  }
0xa6: {  	s4 =	sshll.u32 s26, $0x1;
	_ =	strace $0x80000046;
	[dreg:$0x1] =	wrdreg $0xFFFFFFFF  }
0xa7: {  	s28 =	simm.s32 $_size_execute0_lowered;
	s2 =	sadd.s32 s2, s4;
	[dreg:$0x0] =	wrdreg $0x0  }
0xa8: {  	s4 =	sshll.u32 s28, $0x1;
	[dreg:$0x2] =	wrdreg s2  }
0xa9: {  	[dreg:$0x3] =	wrdreg s4  }
0xaa: {  	[dreg:$0x4] =	wrdreg $0xC0  }
0xab: {  	_ =	task [dreg:s6], $0x5FFFF  }
0xac: {  	[dreg:$0x1] =	wrdreg $0xFFFFFFFF  }
0xad: {  	[dreg:$0x0] =	wrdreg $0x60  }
0xae: {  	[dreg:$0x2] =	wrdreg s24  }
0xaf: {  	[dreg:$0x3] =	wrdreg $0xA8000  }
0xb0: {  	[dreg:$0x4] =	wrdreg $0xA  }
0xb1: {  	_ =	task.clear_ibuf [dreg:s6], $0x5FFFF;
	_ =	strace $0x90000046  }
0xb2: {  	s29 =	simm.s32 $0xA;
	_ =	strace $0x80000048  }
0xb3: {  	_ =	swait.ge [sflag:s29], $0x1  }
0xb4: {  	[sflag:s29] =	ssyncadd.s32 $0xFFFFFFFF  }
0xb5: {  	_ =	strace $0x90000048  }
0xb6: {  	_ =	sfence  }
0xb7: {  	s30 =	sld [smem:$0x0];
	_ =	sdelay $0x2  }
0xb8: {  	s31 =	sshll.u32 s1, $0xD;
	s1 =	sshrl.u32 s1, $0x2  }
0xb9: {  	s3 =	sand.u32 $0x4000, s31;
	s1 =	sadd.s32 s1, s30  }
0xba: {  	s0 =	sor.u32 s3, s0;
	s1 =	sshll.u32 s1, $0x11  }
0xbb: {  	s0 =	sor.u32 s1, s0  }
0xbc: {  	s0 =	sadd.s32 $0x8F2B, s0  }
0xbd: {  	[sflag:s0] =	ssyncadd.remote.s32 $0x1  }
0xbe: {  	_ =	sfence.sel $0xFFFF  }
0xbf: {  	[dreg:$0x0] =	wrdreg $0xFFFFFFFF;
	(pc) =	sbr.abs _section_cstart, $3  }
0xc0: {  	[dreg:$0x1] =	wrdreg $0xFFFFFFFF  }
0xc1: {  	_ =	task.clear_ibuf [dreg:s6], $0x2FFFF;
	_ =	strace $0x9FFFFFFF  }
0xc2: {  	(tm) =	ssettm $0x7FFFFFFF  }
0xc3: {  	_ =	shalt  }
tec
execute0_lowered:
.L_overlay_start_1:
0x0: {  	(tag) =	ssettag $0x1  }
0x1: {  	s8 =	rddreg [dreg:$0x0]  }
0x2: {  	s1 =	rddreg [dreg:$0x1]  }
0x3: {  	s0 =	rddreg [dreg:$0x2];
	s2 =	simm.s32 $0x0  }
0x4: {  	s3 =	stileid.u32;
	s9 =	srdreg.scid;
	s16 =	simm.s32 $0x4000  }
0x5: {  	s17 =	simm.s32 $0x50;
	s18 =	simm.s32 $0x8000;
	s19 =	simm.s32 $0x1  }
0x6: {  	s20 =	simm.s32 $0x0;
	[smem:$0x7FF] =	sst s2;
	s4 =	sadd.s32 $0x6C200, s8  }
0x7: {  	s5 =	sadd.s32 $0x45000, s8;
	s6 =	sadd.s32 $0x1DE00, s8;
	s7 =	sshll.u32 s3, $0xB  }
0x8: {  	s12 =	sand.u32 $0x1, s9;
	s31 =	smul.u32 $0x50000, s3;
	s14 =	sshll.u32 s3, $0x6  }
0x9: {  	_ =	strace $0x80000047;
	s11 =	sadd.s32 s7, s8;
	s7 =	sadd.s32 $0x6EA00, s8  }
.Ltmp0:
0xa: {  	s8 =	sadd.s32 $0x96A00, s8;
	s10 =	ssub.s32 $0x2, s12;
	(pc) =	sbr.rel .LBB2_1-.Ltmp0, $4  }
0xb: {  	p0 =	seq.s32 s12, $0x1;
	s13 =	sshrl.u32 s10, $0x1;
	s9 =	sshrl.u32 s31, $0x2  }
0xc: {  	s12 =	smul.u32 $0x2800, s3;
	s13 =	ssub.s32 s10, s13;
	s15 =	sadd.s32 s9, s1  }
0xd: {  	s9 =	sor.u32 $0x1C02, s14;
	s10 =	sadd.s32 $0xDE00, s11;
	s11 =	sadd.s32 $0x15E00, s11  }
0xe: {  	s13 =	smax.u32 s13, $0x1;
	s14 =	sshrl.u32 s15, $0x3;
	s15 =	simm.s32 $0x2  }
.LBB2_7:
0xf: {  	s21 =	sshra.s32 s21, $0x2;
	[sflag:s15] =	ssyncadd.s32 $0xFFFFD800  }
0x10: {  	[tilespmem:s18], [sflag:$0x1] =	stream.indirect.gather [hbm4b:s6+s17], $0x80, s21, s17, $0xb8;
	[tilespmem:$0x1E800] =	vst v63  }
0x11: {  	_ =	swait.ge [sflag:s19], $0x2800  }
0x12: {  	[sflag:s19] =	ssyncset.done $0x0  }
0x13: {  	s21 =	sadd.s32 $0x4000, s21;
	[sflag:s19] =	ssyncadd.s32 $0xFFFFD800  }
0x14: {  	[spmem:s1] =	stream.indirect.scatter.add.f32 [tilespmem:s18], [sflag:$0x2], $0x80, s21, s17, $0xb8;
	[tilespmem:$0x1E800] =	vst v63  }
0x15: {  	_ =	swait.ge [sflag:s15], $0x2800  }
0x16: {  	[sflag:s15] =	ssyncset.done $0x0  }
0x17: {  	s21 =	smov.u32 s8;
	[sflag:s15] =	ssyncadd.s32 $0xFFFFD800  }
.LBB2_8:
0x18: {  	s20 =	sadd.s32 $0x1, s20  }
0x19: {  	p1 =	sne.s32 s20, s13  }
.Ltmp1:
0x1a: {  	s21 =	sadd.s32 s21, s12;
	[bflag:$0x0] =	sbarrier.arrive $0xFFFF;
	(pc) =	sbr.rel @!p1 .LBB2_9-.Ltmp1, $4  }
0x1b: {  	[hbm:s21], [sflag:s9] =	dma.local [spmem:s14], $0x2800  }
0x1c: {  	_ =	swait.ge [sflag:s15], $0x2800  }
0x1d: {  	[sflag:s15] =	ssyncset.done $0x0  }
0x1e: {  	[sflag:s15] =	ssyncadd.s32 $0xFFFFD800  }
.LBB2_1:
0x1f: {  	[spmem:s14], [sflag:s9] =	dma.local [hbm:s4], $0x2800  }
0x20: {  	_ =	swait.ge [sflag:s15], $0x2800  }
0x21: {  	[sflag:s15] =	ssyncset.done $0x0  }
0x22: {  	[sflag:s15] =	ssyncadd.s32 $0xFFFFD800  }
0x23: {  	[tilespmem:s2], [sflag:$0x2] =	stream.linear.gather [hbm4b:s10+s2], $0x3E80, $0x38;
	[tilespmem:$0x1E800] =	vst v63  }
0x24: {  	_ =	swait.ge [sflag:s15], $0x3E80  }
0x25: {  	[sflag:s15] =	ssyncset.done $0x0  }
0x26: {  	[sflag:s15] =	ssyncadd.s32 $0xFFFFC180  }
0x27: {  	[tilespmem:s16], [sflag:$0x2] =	stream.linear.gather [hbm4b:s11+s2], $0x3E80, $0x38;
	[tilespmem:$0x1E800] =	vst v63  }
.Ltmp2:
0x28: {  	_ =	swait.ge [sflag:s15], $0x3E80;
	(pc) =	sbr.rel @!p0 .LBB2_2-.Ltmp2, $4  }
0x29: {  	[sflag:s15] =	ssyncset.done $0x0  }
0x2a: {  	[sflag:s15] =	ssyncadd.s32 $0xFFFFC180  }
0x2b: {  	[bflag:$0x0] =	sbarrier.arrive $0xFFFF  }
0x2c: {  	s21 =	simm.s32 $0x0  }
0x2d: {  	[tilespmem:s18], [sflag:$0x1] =	stream.indirect.gather [hbm4b:s6+s17], $0x80, s21, s17, $0xb8;
	[tilespmem:$0x1E800] =	vst v63  }
0x2e: {  	_ =	swait.ge [sflag:s19], $0x2800  }
0x2f: {  	[sflag:s19] =	ssyncset.done $0x0  }
0x30: {  	s31 =	simm.s32 $0x4000;
	[sflag:s19] =	ssyncadd.s32 $0xFFFFD800  }
0x31: {  	[spmem:s1] =	stream.indirect.scatter.add.f32 [tilespmem:s18], [sflag:$0x2], $0x80, s31, s17, $0xb8;
	[tilespmem:$0x1E800] =	vst v63  }
0x32: {  	_ =	swait.ge [sflag:s15], $0x2800  }
0x33: {  	s21 =	simm.s32 $0x200;
	s22 =	simm.s32 $0x400;
	[sflag:s15] =	ssyncset.done $0x0  }
.LBB2_6:
0x34: {  	s23 =	sshra.s32 s21, $0x2  }
0x35: {  	[sflag:s15] =	ssyncadd.s32 $0xFFFFD800;
	s21 =	smov.u32 s22;
	s24 =	sadd.s32 $0x200, s22  }
0x36: {  	[tilespmem:s18], [sflag:$0x1] =	stream.indirect.gather [hbm4b:s6+s17], $0x80, s23, s17, $0xb8;
	[tilespmem:$0x1E800] =	vst v63  }
0x37: {  	p1 =	sne.s32 s22, $0xF800;
	_ =	swait.ge [sflag:s19], $0x2800  }
.Ltmp3:
0x38: {  	[sflag:s19] =	ssyncset.done $0x0;
	(pc) =	sbr.rel @p1 .LBB2_6-.Ltmp3, $4  }
0x39: {  	s22 =	sadd.s32 $0x4000, s23;
	[sflag:s19] =	ssyncadd.s32 $0xFFFFD800  }
0x3a: {  	[spmem:s1] =	stream.indirect.scatter.add.f32 [tilespmem:s18], [sflag:$0x2], $0x80, s22, s17, $0xb8;
	[tilespmem:$0x1E800] =	vst v63  }
0x3b: {  	_ =	swait.ge [sflag:s15], $0x2800  }
0x3c: {  	s22 =	smov.u32 s24;
	[sflag:s15] =	ssyncset.done $0x0  }
.Ltmp4:
0x3d: {  	_ = 	snop;
	(pc) =	sbr.rel .LBB2_7-.Ltmp4, $1  }
0x3e: {  	_ =	sdelay $0x3  }
.LBB2_2:
0x3f: {  	[tilespmem:s18], [sflag:$0x1] =	stream.indirect.gather [hbm4b:s5+s17], $0x80, s21, s17, $0xb8;
	[tilespmem:$0x1E800] =	vst v63  }
0x40: {  	_ =	swait.ge [sflag:s19], $0x2800  }
0x41: {  	[sflag:s19] =	ssyncset.done $0x0  }
0x42: {  	s31 =	simm.s32 $0x4000;
	[sflag:s19] =	ssyncadd.s32 $0xFFFFD800  }
0x43: {  	[spmem:s1] =	stream.indirect.scatter.add.f32 [tilespmem:s18], [sflag:$0x2], $0x80, s31, s17, $0xb8;
	[tilespmem:$0x1E800] =	vst v63  }
0x44: {  	_ =	swait.ge [sflag:s15], $0x2800  }
0x45: {  	s21 =	simm.s32 $0x200;
	s22 =	simm.s32 $0x400;
	[sflag:s15] =	ssyncset.done $0x0  }
.LBB2_3:
0x46: {  	s23 =	sshra.s32 s21, $0x2  }
0x47: {  	[sflag:s15] =	ssyncadd.s32 $0xFFFFD800;
	s21 =	smov.u32 s22;
	s24 =	sadd.s32 $0x200, s22  }
0x48: {  	[tilespmem:s18], [sflag:$0x1] =	stream.indirect.gather [hbm4b:s5+s17], $0x80, s23, s17, $0xb8;
	[tilespmem:$0x1E800] =	vst v63  }
0x49: {  	p1 =	seq.s32 s22, $0xF800;
	_ =	swait.ge [sflag:s19], $0x2800  }
.Ltmp5:
0x4a: {  	[sflag:s19] =	ssyncset.done $0x0;
	(pc) =	sbr.rel @!p1 .LBB2_3-.Ltmp5, $4  }
0x4b: {  	s22 =	sadd.s32 $0x4000, s23;
	[sflag:s19] =	ssyncadd.s32 $0xFFFFD800  }
0x4c: {  	[spmem:s1] =	stream.indirect.scatter.add.f32 [tilespmem:s18], [sflag:$0x2], $0x80, s22, s17, $0xb8;
	[tilespmem:$0x1E800] =	vst v63  }
0x4d: {  	_ =	swait.ge [sflag:s15], $0x2800  }
0x4e: {  	s22 =	smov.u32 s24;
	[sflag:s15] =	ssyncset.done $0x0  }
0x4f: {  	s21 =	sshra.s32 s21, $0x2;
	[sflag:s15] =	ssyncadd.s32 $0xFFFFD800  }
0x50: {  	[tilespmem:s18], [sflag:$0x1] =	stream.indirect.gather [hbm4b:s5+s17], $0x80, s21, s17, $0xb8;
	[tilespmem:$0x1E800] =	vst v63  }
0x51: {  	_ =	swait.ge [sflag:s19], $0x2800  }
0x52: {  	[sflag:s19] =	ssyncset.done $0x0  }
.Ltmp6:
0x53: {  	s21 =	sadd.s32 $0x4000, s21;
	[sflag:s19] =	ssyncadd.s32 $0xFFFFD800;
	(pc) =	sbr.rel .LBB2_8-.Ltmp6, $4  }
0x54: {  	[spmem:s1] =	stream.indirect.scatter.add.f32 [tilespmem:s18], [sflag:$0x2], $0x80, s21, s17, $0xb8;
	[tilespmem:$0x1E800] =	vst v63  }
0x55: {  	_ =	swait.ge [sflag:s15], $0x2800  }
0x56: {  	[sflag:s15] =	ssyncset.done $0x0  }
0x57: {  	s21 =	smov.u32 s7;
	[sflag:s15] =	ssyncadd.s32 $0xFFFFD800  }
.LBB2_9:
0x58: {  	_ =	sfence.sel $0x180000  }
0x59: {  	[bflag:$0x0] =	sbarrier.arrive $0xFFFF  }
0x5a: {  	p0 =	sne.s32 s3, $0x0;
	_ =	strace $0x90000047  }
0x5b: {  	s0 =	sadd.s32 @!p0 $0x100000, s0;
	[bflag:$0x2] =	sbarrier.arrive $0xFFFF  }
0x5c: {  	[sflag:s0] =	ssyncadd.tile.s32 @!p0 $0x1;
	_ =	shalt  }
.Lfunc_end2:
_tile_overlayer_lowered:
.L_overlay_start_2:
0x5d: {  	(tag) =	ssettag $0x2  }
0x5e: {  	s0 =	rddreg [dreg:$0x0];
	s2 =	stileid.u32  }
0x5f: {  	s1 =	rddreg [dreg:$0x1];
	p0 =	sne.s32 s2, $0x0  }
0x60: {  	s3 =	rddreg [dreg:$0x2];
	[bflag:$0x3] =	sbarrier.arrive $0xFFFF;
	s2 =	simm.s32 @!p0 $0x1C02  }
0x61: {  	[timem:s3], [sflag:s2] =	dma.local @!p0 [hbm:s0], s1  }
0x62: {  	s0 =	simm.s32 @!p0 $0x2  }
0x63: {  	_ =	swait.ge @!p0 [sflag:s0], s1  }
0x64: {  	s1 =	ssub.s32 @!p0 $0x0, s1;
	[sflag:s0] =	ssyncset.done @!p0 $0x0  }
0x65: {  	[sflag:s0] =	ssyncadd.s32 @!p0 s1  }
0x66: {  	[bflag:$0x3] =	sbarrier.arrive $0xFFFF  }
0x67: {  	_ =	shalt  }

// kernel: kernel.23.cloned.1.call-start
scs
__scs_entry_jumppad:
0x0: {  	(pc) =	sbr.rel $0x88, $3  }
0x1: {  	(tag) =	ssettag $0x0;
	lr =	simm.s32 $0x1  }
0x2: {  	[smem:$0x3F88] =	sst lr;
	_ =	strace $0xD0000000  }
0x3: {  	_ = 	snop  }
0x4: {  	_ = 	snop  }
0x5: {  	_ = 	snop  }
0x6: {  	_ = 	snop  }
0x7: {  	_ = 	snop  }
__scs_overlays_trampoline_lowered:
0x8: {  	[smem:$0x3F97] =	sst s0  }
0x9: {  	[smem:$0x3F98] =	sst s1  }
0xa: {  	[smem:$0x3F99] =	sst s2  }
0xb: {  	[smem:$0x3F9A] =	sst s3  }
0xc: {  	[smem:$0x3F9B] =	sst s4  }
0xd: {  	[smem:$0x3F9C] =	sst s5  }
0xe: {  	[smem:$0x3F9D] =	sst s6  }
0xf: {  	[smem:$0x3F9E] =	sst s7  }
0x10: {  	[smem:$0x3F9F] =	sst s8  }
0x11: {  	[smem:$0x3FA0] =	sst s9;
	s0 =	simm.s32 @!p0 $0x0  }
0x12: {  	s1 =	sld [smem:$0x3F86];
	s0 =	simm.s32 @p0 $0x1  }
0x13: {  	[smem:$0x3FA1] =	sst s0;
	s0 =	simm.s32 @!p1 $0x0  }
0x14: {  	s2 =	sld [smem:$0x3F85];
	s0 =	simm.s32 @p1 $0x1  }
0x15: {  	[smem:$0x3FA2] =	sst s0;
	s0 =	simm.s32 @!p2 $0x0  }
0x16: {  	s3 =	sld [smem:$0x3FDB];
	s0 =	simm.s32 @p2 $0x1  }
0x17: {  	s4 =	simm.s32 $0x1BF5;
	[smem:$0x3FA4] =	sst s0  }
0x18: {  	s0 =	sld [smem:$0x3F87];
	_ =	swait.ge [sflag:s4], $0x0  }
0x19: {  	s7 =	sld [smem:$0x3F88]  }
0x1a: {  	s8 =	sadd.s32 $0xFFFFE003, lr  }
0x1b: {  	s9 =	sadd.s32 $0xFFFFFEF7, lr;
	s5 =	simm.s32 $0xFFFFFFFF;
	p2 =	slt.u32 s8, $0xFFFFF086  }
0x1c: {  	p1 =	slt.u32 s9, $0xF7A;
	s5 =	simm.s32 @!p2 $0x0  }
0x1d: {  	s5 =	simm.s32 @p1 $0x1;
	p0 =	seq.s32 s7, s2  }
0x1e: {  	s7 =	smul.u32 @!p0 $0xF7A, s2;
	p2 =	seq.s32 @!p0 s5, $0x0  }
0x1f: {  	s9 =	smul.u32 $0xF7A, s1;
	s8 =	simm.s32 @!p0 $0x1BF5;
	p2 =	por !p2, p0  }
0x20: {  	[sflag:s8] =	ssyncset.s32 @!p0 $0xFFFFF086;
	s6 =	sadd.s32 @!p0 s3, s7;
	s7 =	simm.s32 @!p0 $0x108  }
0x21: {  	s3 =	sadd.s32 s3, s9;
	s6 =	sadd.s32 @!p0 $0x88, s6;
	s7 =	simm.s32 @p2 $0x1082  }
0x22: {  	[simem:s7], [sflag:s8] =	dma.local @!p0 [hbm:s6], $0xF7A  }
0x23: {  	s9 =	sor.u32 $0xD0000000, s2;
	s6 =	simm.s32 $0x108;
	_ =	swait.ge @!p0 [sflag:s8], $0x0  }
0x24: {  	s3 =	sadd.s32 $0x88, s3;
	s6 =	simm.s32 @!p1 $0x1082;
	[sflag:s4] =	ssyncset.s32 $0xFFFFF086  }
0x25: {  	[simem:s6], [sflag:s4] =	dma.local [hbm:s3], $0xF7A  }
0x26: {  	[smem:$0x3F88] =	sst s1;
	(tag) =	ssettag s2;
	_ =	strace s9  }
0x27: {  	s1 =	sld [smem:$0x3F98]  }
0x28: {  	s2 =	sld [smem:$0x3F99]  }
0x29: {  	s4 =	sld [smem:$0x3F9B]  }
0x2a: {  	p0 =	seq.s32 s5, $0x0;
	s5 =	sld [smem:$0x3F9C]  }
0x2b: {  	s6 =	sld [smem:$0x3F9D]  }
0x2c: {  	s7 =	sld [smem:$0x3F9E]  }
0x2d: {  	s3 =	simm.s32 $0x108;
	s8 =	sld [smem:$0x3F9F]  }
0x2e: {  	s3 =	simm.s32 @!p0 $0x1082;
	s9 =	sld [smem:$0x3FA0]  }
0x2f: {  	lr =	sadd.s32 s0, s3;
	s0 =	sld [smem:$0x3F97]  }
0x30: {  	s3 =	sld [smem:$0x3F9A]  }
0x31: {  	[smem:$0x3FA3] =	sst s10  }
0x32: {  	s10 =	sld [smem:$0x3FA1];
	_ =	sdelay $0x3  }
0x33: {  	p0 =	seq.s32 s10, $0x1;
	s10 =	sld [smem:$0x3FA3];
	_ =	sdelay $0x3  }
0x34: {  	[smem:$0x3FA3] =	sst s10  }
0x35: {  	s10 =	sld [smem:$0x3FA2];
	_ =	sdelay $0x3  }
0x36: {  	p1 =	seq.s32 s10, $0x1;
	s10 =	sld [smem:$0x3FA3];
	_ =	sdelay $0x3  }
0x37: {  	[smem:$0x3FA3] =	sst s10  }
0x38: {  	s10 =	sld [smem:$0x3FA4]  }
0x39: {  	_ = 	snop;
	(pc) =	sbr.ind lr, $3  }
0x3a: {  	_ = 	snop  }
0x3b: {  	_ = 	snop  }
0x3c: {  	p2 =	seq.s32 s10, $0x1;
	s10 =	sld [smem:$0x3FA3]  }
0x3d: {  	_ =	shalt  }
0x3e: {  	_ =	shalt  }
0x3f: {  	_ =	shalt  }
0x40: {  	_ =	shalt  }
0x41: {  	_ =	shalt  }
0x42: {  	_ =	shalt  }
0x43: {  	_ =	shalt  }
0x44: {  	_ =	shalt  }
0x45: {  	_ =	shalt  }
0x46: {  	_ =	shalt  }
0x47: {  	_ =	shalt  }
0x48: {  	_ =	shalt  }
0x49: {  	_ =	shalt  }
0x4a: {  	_ =	shalt  }
0x4b: {  	_ =	shalt  }
0x4c: {  	_ =	shalt  }
0x4d: {  	_ =	shalt  }
0x4e: {  	_ =	shalt  }
0x4f: {  	_ =	shalt  }
0x50: {  	_ =	shalt  }
0x51: {  	_ =	shalt  }
0x52: {  	_ =	shalt  }
0x53: {  	_ =	shalt  }
0x54: {  	_ =	shalt  }
0x55: {  	_ =	shalt  }
0x56: {  	_ =	shalt  }
0x57: {  	_ =	shalt  }
0x58: {  	_ =	shalt  }
0x59: {  	_ =	shalt  }
0x5a: {  	_ =	shalt  }
0x5b: {  	_ =	shalt  }
0x5c: {  	_ =	shalt  }
0x5d: {  	_ =	shalt  }
0x5e: {  	_ =	shalt  }
0x5f: {  	_ =	shalt  }
0x60: {  	_ =	shalt  }
0x61: {  	_ =	shalt  }
0x62: {  	_ =	shalt  }
0x63: {  	_ =	shalt  }
0x64: {  	_ =	shalt  }
0x65: {  	_ =	shalt  }
0x66: {  	_ =	shalt  }
0x67: {  	_ =	shalt  }
0x68: {  	_ =	shalt  }
0x69: {  	_ =	shalt  }
0x6a: {  	_ =	shalt  }
0x6b: {  	_ =	shalt  }
0x6c: {  	_ =	shalt  }
0x6d: {  	_ =	shalt  }
0x6e: {  	_ =	shalt  }
0x6f: {  	_ =	shalt  }
0x70: {  	_ =	shalt  }
0x71: {  	_ =	shalt  }
0x72: {  	_ =	shalt  }
0x73: {  	_ =	shalt  }
0x74: {  	_ =	shalt  }
0x75: {  	_ =	shalt  }
0x76: {  	_ =	shalt  }
0x77: {  	_ =	shalt  }
0x78: {  	_ =	shalt  }
0x79: {  	_ =	shalt  }
0x7a: {  	_ =	shalt  }
0x7b: {  	_ =	shalt  }
0x7c: {  	_ =	shalt  }
0x7d: {  	_ =	shalt  }
0x7e: {  	_ =	shalt  }
0x7f: {  	_ =	shalt  }
0x80: {  	_ =	shalt  }
0x81: {  	_ =	shalt  }
0x82: {  	_ =	shalt  }
0x83: {  	_ =	shalt  }
0x84: {  	_ =	shalt  }
0x85: {  	_ =	shalt  }
0x86: {  	_ =	shalt  }
0x87: {  	_ =	shalt  }
.Lfunc_end0:
.L_simem_size_0:
called_computation.2_lowered:
.L_overlay_start_0:
0x88: {  	s2 =	sld [smem:$0x3FD9]  }
0x89: {  	s3 =	sld [smem:$0x3FFE];
	_ =	sdelay $0x1  }
0x8a: {  	s1 =	srdreg.scid  }
0x8b: {  	s0 =	sand.u32 $0x1, s1  }
0x8c: {  	s17 =	sshll.u32 s0, $0xA;
	s2 =	sadd.s32 s3, s2  }
0x8d: {  	s2 =	sadd.s32 s2, s17  }
0x8e: {  	[smem:$0x3FAF] =	sst s2  }
0x8f: {  	_ = 	snop  }
0x90: {  	(tm) =	ssettm $0x1  }
0x91: {  	s18 =	sld [smem:$0x3FFB];
	_ =	sdelay $0x3  }
0x92: {  	_ =	strace s18  }
0x93: {  	s2 =	sld [smem:$0x3FFC];
	_ =	sdelay $0x3  }
0x94: {  	_ =	strace s2  }
0x95: {  	s2 =	sld [smem:$0x3FFD];
	_ =	sdelay $0x3  }
0x96: {  	_ =	strace s2  }
0x97: {  	_ =	strace $0x8FFFFFFF  }
0x98: {  	s19 =	sld [smem:$0x3FDB];
	_ =	sdelay $0x1  }
0x99: {  	s20 =	simm.s32 $_scs_section_size  }
0x9a: {  	s4 =	simm.s32 $_size__tile_overlayer_lowered;
	s5 =	simm.s32 $_tile_overlayer_lowered  }
0x9b: {  	s6 =	simm.s32 $0x1BFF;
	s21 =	sshll.u32 s5, $0x1;
	s3 =	sadd.s32 s20, s19  }
0x9c: {  	s22 =	simm.s32 $0x0;
	s4 =	sshll.u32 s4, $0x1;
	s5 =	sadd.s32 s21, s3  }
0x9d: {  	[timem:s22], [sflag:s6] =	dma.local [hbm:s5], s4  }
0x9e: {  	_ =	swait.ge [sflag:s6], s4  }
0x9f: {  	s4 =	ssub.s32 $0x0, s4;
	[sflag:s6] =	ssyncset.done $0x0  }
0xa0: {  	[sflag:s6] =	ssyncadd.s32 s4;
	_ =	sdelay $0x1  }
0xa1: {  	s23 =	simm.s32 $0x1B8B  }
0xa2: {  	_ =	swait.ge [sflag:s23], $0x1  }
0xa3: {  	[sflag:s23] =	ssyncset.done $0x0  }
0xa4: {  	[sflag:s23] =	ssyncadd.s32 $0xFFFFFFFF  }
0xa5: {  	s4 =	sld [smem:$0x0]  }
0xa6: {  	s5 =	sand.u32 $0xFFFFFFFE, s1  }
0xa7: {  	p0 =	sne.s32 s1, s5  }
0xa8: {  	s5 =	sshll.u32 @p0 s5, $0xE  }
0xa9: {  	s5 =	sadd.s32 @p0 $0x11B8D, s5;
	s6 =	sshll.u32 @p0 s4, $0x11  }
0xaa: {  	s5 =	sor.u32 @p0 s6, s5  }
0xab: {  	[sflag:s5] =	ssyncadd.remote.s32 @p0 $0x1;
	_ =	sdelay $0x1  }
0xac: {  	s5 =	simm.s32 @p0 $0x1B8D  }
0xad: {  	_ =	swait.eq @p0 [sflag:s5], $0x1  }
0xae: {  	[sflag:s5] =	ssyncadd.s32 @p0 $0xFFFFFFFF  }
0xaf: {  	s6 =	sshll.u32 @!p0 s1, $0xE  }
0xb0: {  	s6 =	sor.u32 @!p0 $0x4000, s6;
	s5 =	simm.s32 @!p0 $0x1B8D  }
0xb1: {  	s4 =	sshll.u32 @!p0 s4, $0x11;
	s6 =	sadd.s32 @!p0 $0x11B8D, s6;
	_ =	swait.eq @!p0 [sflag:s5], $0x1  }
0xb2: {  	s4 =	sor.u32 @!p0 s4, s6;
	[sflag:s5] =	ssyncadd.s32 @!p0 $0xFFFFFFFF  }
0xb3: {  	s25 =	simm.s32 $0x1B8E;
	s24 =	sld [smem:$0x3FFE];
	[sflag:s4] =	ssyncadd.remote.s32 @!p0 $0x1  }
0xb4: {  	s26 =	simm.s32 $execute0_lowered;
	[smem:$0x3FD2] =	sst s25  }
0xb5: {  	s5 =	sshll.u32 s26, $0x1;
	_ =	strace $0x8000004F;
	[dreg:$0x1] =	wrdreg $0xFFFFFFFF  }
0xb6: {  	s28 =	simm.s32 $_size_execute0_lowered;
	s3 =	sadd.s32 s3, s5;
	[dreg:$0x0] =	wrdreg $0x0  }
0xb7: {  	s5 =	sshll.u32 s28, $0x1;
	[dreg:$0x2] =	wrdreg s3  }
0xb8: {  	[dreg:$0x3] =	wrdreg s5  }
0xb9: {  	[dreg:$0x4] =	wrdreg $0xC0  }
0xba: {  	_ =	task [dreg:s22], $0x5FFFF  }
0xbb: {  	[dreg:$0x1] =	wrdreg $0xFFFFFFFF  }
0xbc: {  	[dreg:$0x0] =	wrdreg $0x60  }
0xbd: {  	[dreg:$0x2] =	wrdreg s24  }
0xbe: {  	[dreg:$0x3] =	wrdreg $0xA8000  }
0xbf: {  	[dreg:$0x4] =	wrdreg $0x9  }
0xc0: {  	_ =	task.clear_ibuf [dreg:s22], $0x5FFFF;
	_ =	strace $0x9000004F  }
0xc1: {  	s29 =	simm.s32 $0x9;
	_ =	strace $0x80000051  }
0xc2: {  	_ =	swait.ge [sflag:s29], $0x1  }
0xc3: {  	[sflag:s29] =	ssyncadd.s32 $0xFFFFFFFF  }
0xc4: {  	_ =	strace $0x90000051  }
0xc5: {  	_ =	sfence  }
0xc6: {  	s30 =	sld [smem:$0x0];
	_ =	sdelay $0x2  }
0xc7: {  	s31 =	sshll.u32 s1, $0xD;
	s1 =	sshrl.u32 s1, $0x2  }
0xc8: {  	s4 =	sand.u32 $0x4000, s31;
	s1 =	sadd.s32 s1, s30  }
0xc9: {  	s0 =	sor.u32 s4, s0;
	s1 =	sshll.u32 s1, $0x11  }
0xca: {  	s0 =	sor.u32 s1, s0  }
0xcb: {  	s0 =	sadd.s32 $0x8F2B, s0  }
0xcc: {  	[sflag:s0] =	ssyncadd.remote.s32 $0x1  }
0xcd: {  	_ =	sfence.sel $0xFFFF  }
0xce: {  	[dreg:$0x0] =	wrdreg $0xFFFFFFFF;
	(pc) =	sbr.abs _section_cstart, $3  }
0xcf: {  	[dreg:$0x1] =	wrdreg $0xFFFFFFFF  }
0xd0: {  	_ =	task.clear_ibuf [dreg:s22], $0x2FFFF;
	_ =	strace $0x9FFFFFFF  }
0xd1: {  	(tm) =	ssettm $0x7FFFFFFF  }
tec
execute0_lowered:
.L_overlay_start_1:
0x0: {  	(tag) =	ssettag $0x1  }
0x1: {  	s8 =	rddreg [dreg:$0x0]  }
0x2: {  	s1 =	rddreg [dreg:$0x1]  }
0x3: {  	s0 =	rddreg [dreg:$0x2];
	s2 =	simm.s32 $0x0  }
0x4: {  	s3 =	stileid.u32;
	s9 =	srdreg.scid;
	s16 =	simm.s32 $0x4000  }
0x5: {  	s17 =	simm.s32 $0x50;
	s18 =	simm.s32 $0x8000;
	s19 =	simm.s32 $0x1  }
0x6: {  	s20 =	simm.s32 $0x0;
	[smem:$0x7FF] =	sst s2;
	s4 =	sadd.s32 $0x6C200, s8  }
0x7: {  	s5 =	sadd.s32 $0xCEA00, s8;
	s6 =	sadd.s32 $0xF5C00, s8;
	s7 =	sshll.u32 s3, $0xB  }
0x8: {  	s12 =	sand.u32 $0x1, s9;
	s31 =	smul.u32 $0x50000, s3;
	s14 =	sshll.u32 s3, $0x6  }
0x9: {  	_ =	strace $0x80000050;
	s11 =	sadd.s32 s7, s8;
	s7 =	sadd.s32 $0x11CE00, s8  }
.Ltmp0:
0xa: {  	s8 =	sadd.s32 $0x144E00, s8;
	s10 =	ssub.s32 $0x2, s12;
	(pc) =	sbr.rel .LBB2_1-.Ltmp0, $4  }
0xb: {  	p0 =	seq.s32 s12, $0x1;
	s13 =	sshrl.u32 s10, $0x1;
	s9 =	sshrl.u32 s31, $0x2  }
0xc: {  	s12 =	smul.u32 $0x2800, s3;
	s13 =	ssub.s32 s10, s13;
	s15 =	sadd.s32 s9, s1  }
0xd: {  	s9 =	sor.u32 $0x1C02, s14;
	s10 =	sadd.s32 $0xBEA00, s11;
	s11 =	sadd.s32 $0xC6A00, s11  }
0xe: {  	s13 =	smax.u32 s13, $0x1;
	s14 =	sshrl.u32 s15, $0x3;
	s15 =	simm.s32 $0x2  }
.LBB2_7:
0xf: {  	s21 =	sshra.s32 s21, $0x2;
	[sflag:s15] =	ssyncadd.s32 $0xFFFFD800  }
0x10: {  	[tilespmem:s18], [sflag:$0x1] =	stream.indirect.gather [hbm4b:s6+s17], $0x80, s21, s17, $0xb8;
	[tilespmem:$0x1E800] =	vst v63  }
0x11: {  	_ =	swait.ge [sflag:s19], $0x2800  }
0x12: {  	[sflag:s19] =	ssyncset.done $0x0  }
0x13: {  	s21 =	sadd.s32 $0x4000, s21;
	[sflag:s19] =	ssyncadd.s32 $0xFFFFD800  }
0x14: {  	[spmem:s1] =	stream.indirect.scatter.add.f32 [tilespmem:s18], [sflag:$0x2], $0x80, s21, s17, $0xb8;
	[tilespmem:$0x1E800] =	vst v63  }
0x15: {  	_ =	swait.ge [sflag:s15], $0x2800  }
0x16: {  	[sflag:s15] =	ssyncset.done $0x0  }
0x17: {  	s21 =	smov.u32 s8;
	[sflag:s15] =	ssyncadd.s32 $0xFFFFD800  }
.LBB2_8:
0x18: {  	s20 =	sadd.s32 $0x1, s20  }
0x19: {  	p1 =	sne.s32 s20, s13  }
.Ltmp1:
0x1a: {  	s21 =	sadd.s32 s21, s12;
	[bflag:$0x0] =	sbarrier.arrive $0xFFFF;
	(pc) =	sbr.rel @!p1 .LBB2_9-.Ltmp1, $4  }
0x1b: {  	[hbm:s21], [sflag:s9] =	dma.local [spmem:s14], $0x2800  }
0x1c: {  	_ =	swait.ge [sflag:s15], $0x2800  }
0x1d: {  	[sflag:s15] =	ssyncset.done $0x0  }
0x1e: {  	[sflag:s15] =	ssyncadd.s32 $0xFFFFD800  }
.LBB2_1:
0x1f: {  	[spmem:s14], [sflag:s9] =	dma.local [hbm:s4], $0x2800  }
0x20: {  	_ =	swait.ge [sflag:s15], $0x2800  }
0x21: {  	[sflag:s15] =	ssyncset.done $0x0  }
0x22: {  	[sflag:s15] =	ssyncadd.s32 $0xFFFFD800  }
0x23: {  	[tilespmem:s2], [sflag:$0x2] =	stream.linear.gather [hbm4b:s10+s2], $0x3E80, $0x38;
	[tilespmem:$0x1E800] =	vst v63  }
0x24: {  	_ =	swait.ge [sflag:s15], $0x3E80  }
0x25: {  	[sflag:s15] =	ssyncset.done $0x0  }
0x26: {  	[sflag:s15] =	ssyncadd.s32 $0xFFFFC180  }
0x27: {  	[tilespmem:s16], [sflag:$0x2] =	stream.linear.gather [hbm4b:s11+s2], $0x3E80, $0x38;
	[tilespmem:$0x1E800] =	vst v63  }
.Ltmp2:
0x28: {  	_ =	swait.ge [sflag:s15], $0x3E80;
	(pc) =	sbr.rel @!p0 .LBB2_2-.Ltmp2, $4  }
0x29: {  	[sflag:s15] =	ssyncset.done $0x0  }
0x2a: {  	[sflag:s15] =	ssyncadd.s32 $0xFFFFC180  }
0x2b: {  	[bflag:$0x0] =	sbarrier.arrive $0xFFFF  }
0x2c: {  	s21 =	simm.s32 $0x0  }
0x2d: {  	[tilespmem:s18], [sflag:$0x1] =	stream.indirect.gather [hbm4b:s6+s17], $0x80, s21, s17, $0xb8;
	[tilespmem:$0x1E800] =	vst v63  }
0x2e: {  	_ =	swait.ge [sflag:s19], $0x2800  }
0x2f: {  	[sflag:s19] =	ssyncset.done $0x0  }
0x30: {  	s31 =	simm.s32 $0x4000;
	[sflag:s19] =	ssyncadd.s32 $0xFFFFD800  }
0x31: {  	[spmem:s1] =	stream.indirect.scatter.add.f32 [tilespmem:s18], [sflag:$0x2], $0x80, s31, s17, $0xb8;
	[tilespmem:$0x1E800] =	vst v63  }
0x32: {  	_ =	swait.ge [sflag:s15], $0x2800  }
0x33: {  	s21 =	simm.s32 $0x200;
	s22 =	simm.s32 $0x400;
	[sflag:s15] =	ssyncset.done $0x0  }
.LBB2_6:
0x34: {  	s23 =	sshra.s32 s21, $0x2  }
0x35: {  	[sflag:s15] =	ssyncadd.s32 $0xFFFFD800;
	s21 =	smov.u32 s22;
	s24 =	sadd.s32 $0x200, s22  }
0x36: {  	[tilespmem:s18], [sflag:$0x1] =	stream.indirect.gather [hbm4b:s6+s17], $0x80, s23, s17, $0xb8;
	[tilespmem:$0x1E800] =	vst v63  }
0x37: {  	p1 =	sne.s32 s22, $0xF800;
	_ =	swait.ge [sflag:s19], $0x2800  }
.Ltmp3:
0x38: {  	[sflag:s19] =	ssyncset.done $0x0;
	(pc) =	sbr.rel @p1 .LBB2_6-.Ltmp3, $4  }
0x39: {  	s22 =	sadd.s32 $0x4000, s23;
	[sflag:s19] =	ssyncadd.s32 $0xFFFFD800  }
0x3a: {  	[spmem:s1] =	stream.indirect.scatter.add.f32 [tilespmem:s18], [sflag:$0x2], $0x80, s22, s17, $0xb8;
	[tilespmem:$0x1E800] =	vst v63  }
0x3b: {  	_ =	swait.ge [sflag:s15], $0x2800  }
0x3c: {  	s22 =	smov.u32 s24;
	[sflag:s15] =	ssyncset.done $0x0  }
.Ltmp4:
0x3d: {  	_ = 	snop;
	(pc) =	sbr.rel .LBB2_7-.Ltmp4, $1  }
0x3e: {  	_ =	sdelay $0x3  }
.LBB2_2:
0x3f: {  	[tilespmem:s18], [sflag:$0x1] =	stream.indirect.gather [hbm4b:s5+s17], $0x80, s21, s17, $0xb8;
	[tilespmem:$0x1E800] =	vst v63  }
0x40: {  	_ =	swait.ge [sflag:s19], $0x2800  }
0x41: {  	[sflag:s19] =	ssyncset.done $0x0  }
0x42: {  	s31 =	simm.s32 $0x4000;
	[sflag:s19] =	ssyncadd.s32 $0xFFFFD800  }
0x43: {  	[spmem:s1] =	stream.indirect.scatter.add.f32 [tilespmem:s18], [sflag:$0x2], $0x80, s31, s17, $0xb8;
	[tilespmem:$0x1E800] =	vst v63  }
0x44: {  	_ =	swait.ge [sflag:s15], $0x2800  }
0x45: {  	s21 =	simm.s32 $0x200;
	s22 =	simm.s32 $0x400;
	[sflag:s15] =	ssyncset.done $0x0  }
.LBB2_3:
0x46: {  	s23 =	sshra.s32 s21, $0x2  }
0x47: {  	[sflag:s15] =	ssyncadd.s32 $0xFFFFD800;
	s21 =	smov.u32 s22;
	s24 =	sadd.s32 $0x200, s22  }
0x48: {  	[tilespmem:s18], [sflag:$0x1] =	stream.indirect.gather [hbm4b:s5+s17], $0x80, s23, s17, $0xb8;
	[tilespmem:$0x1E800] =	vst v63  }
0x49: {  	p1 =	seq.s32 s22, $0xF800;
	_ =	swait.ge [sflag:s19], $0x2800  }
.Ltmp5:
0x4a: {  	[sflag:s19] =	ssyncset.done $0x0;
	(pc) =	sbr.rel @!p1 .LBB2_3-.Ltmp5, $4  }
0x4b: {  	s22 =	sadd.s32 $0x4000, s23;
	[sflag:s19] =	ssyncadd.s32 $0xFFFFD800  }
0x4c: {  	[spmem:s1] =	stream.indirect.scatter.add.f32 [tilespmem:s18], [sflag:$0x2], $0x80, s22, s17, $0xb8;
	[tilespmem:$0x1E800] =	vst v63  }
0x4d: {  	_ =	swait.ge [sflag:s15], $0x2800  }
0x4e: {  	s22 =	smov.u32 s24;
	[sflag:s15] =	ssyncset.done $0x0  }
0x4f: {  	s21 =	sshra.s32 s21, $0x2;
	[sflag:s15] =	ssyncadd.s32 $0xFFFFD800  }
0x50: {  	[tilespmem:s18], [sflag:$0x1] =	stream.indirect.gather [hbm4b:s5+s17], $0x80, s21, s17, $0xb8;
	[tilespmem:$0x1E800] =	vst v63  }
0x51: {  	_ =	swait.ge [sflag:s19], $0x2800  }
0x52: {  	[sflag:s19] =	ssyncset.done $0x0  }
.Ltmp6:
0x53: {  	s21 =	sadd.s32 $0x4000, s21;
	[sflag:s19] =	ssyncadd.s32 $0xFFFFD800;
	(pc) =	sbr.rel .LBB2_8-.Ltmp6, $4  }
0x54: {  	[spmem:s1] =	stream.indirect.scatter.add.f32 [tilespmem:s18], [sflag:$0x2], $0x80, s21, s17, $0xb8;
	[tilespmem:$0x1E800] =	vst v63  }
0x55: {  	_ =	swait.ge [sflag:s15], $0x2800  }
0x56: {  	[sflag:s15] =	ssyncset.done $0x0  }
0x57: {  	s21 =	smov.u32 s7;
	[sflag:s15] =	ssyncadd.s32 $0xFFFFD800  }
.LBB2_9:
0x58: {  	_ =	sfence.sel $0x180000  }
0x59: {  	[bflag:$0x0] =	sbarrier.arrive $0xFFFF  }
0x5a: {  	p0 =	sne.s32 s3, $0x0;
	_ =	strace $0x90000050  }
0x5b: {  	s0 =	sadd.s32 @!p0 $0x100000, s0;
	[bflag:$0x2] =	sbarrier.arrive $0xFFFF  }
0x5c: {  	[sflag:s0] =	ssyncadd.tile.s32 @!p0 $0x1;
	_ =	shalt  }
.Lfunc_end2:
_tile_overlayer_lowered:
.L_overlay_start_2:
0x5d: {  	(tag) =	ssettag $0x2  }
0x5e: {  	s0 =	rddreg [dreg:$0x0];
	s2 =	stileid.u32  }
0x5f: {  	s1 =	rddreg [dreg:$0x1];
	p0 =	sne.s32 s2, $0x0  }
0x60: {  	s3 =	rddreg [dreg:$0x2];
	[bflag:$0x3] =	sbarrier.arrive $0xFFFF;
	s2 =	simm.s32 @!p0 $0x1C02  }
0x61: {  	[timem:s3], [sflag:s2] =	dma.local @!p0 [hbm:s0], s1  }
0x62: {  	s0 =	simm.s32 @!p0 $0x2  }
0x63: {  	_ =	swait.ge @!p0 [sflag:s0], s1  }
0x64: {  	s1 =	ssub.s32 @!p0 $0x0, s1;
	[sflag:s0] =	ssyncset.done @!p0 $0x0  }
0x65: {  	[sflag:s0] =	ssyncadd.s32 @!p0 s1  }
0x66: {  	[bflag:$0x3] =	sbarrier.arrive $0xFFFF  }
0x67: {  	_ =	shalt  }

// kernel: kernel.26.cloned.1.call-start
scs
__scs_entry_jumppad:
0x0: {  	(pc) =	sbr.rel $0x88, $3  }
0x1: {  	(tag) =	ssettag $0x0;
	lr =	simm.s32 $0x1  }
0x2: {  	[smem:$0x3F88] =	sst lr;
	_ =	strace $0xD0000000  }
0x3: {  	_ = 	snop  }
0x4: {  	_ = 	snop  }
0x5: {  	_ = 	snop  }
0x6: {  	_ = 	snop  }
0x7: {  	_ = 	snop  }
__scs_overlays_trampoline_lowered:
0x8: {  	[smem:$0x3F97] =	sst s0  }
0x9: {  	[smem:$0x3F98] =	sst s1  }
0xa: {  	[smem:$0x3F99] =	sst s2  }
0xb: {  	[smem:$0x3F9A] =	sst s3  }
0xc: {  	[smem:$0x3F9B] =	sst s4  }
0xd: {  	[smem:$0x3F9C] =	sst s5  }
0xe: {  	[smem:$0x3F9D] =	sst s6  }
0xf: {  	[smem:$0x3F9E] =	sst s7  }
0x10: {  	[smem:$0x3F9F] =	sst s8  }
0x11: {  	[smem:$0x3FA0] =	sst s9;
	s0 =	simm.s32 @!p0 $0x0  }
0x12: {  	s1 =	sld [smem:$0x3F86];
	s0 =	simm.s32 @p0 $0x1  }
0x13: {  	[smem:$0x3FA1] =	sst s0;
	s0 =	simm.s32 @!p1 $0x0  }
0x14: {  	s2 =	sld [smem:$0x3F85];
	s0 =	simm.s32 @p1 $0x1  }
0x15: {  	[smem:$0x3FA2] =	sst s0;
	s0 =	simm.s32 @!p2 $0x0  }
0x16: {  	s3 =	sld [smem:$0x3FDB];
	s0 =	simm.s32 @p2 $0x1  }
0x17: {  	s4 =	simm.s32 $0x1BF5;
	[smem:$0x3FA4] =	sst s0  }
0x18: {  	s0 =	sld [smem:$0x3F87];
	_ =	swait.ge [sflag:s4], $0x0  }
0x19: {  	s7 =	sld [smem:$0x3F88]  }
0x1a: {  	s8 =	sadd.s32 $0xFFFFE003, lr  }
0x1b: {  	s9 =	sadd.s32 $0xFFFFFEF7, lr;
	s5 =	simm.s32 $0xFFFFFFFF;
	p2 =	slt.u32 s8, $0xFFFFF086  }
0x1c: {  	p1 =	slt.u32 s9, $0xF7A;
	s5 =	simm.s32 @!p2 $0x0  }
0x1d: {  	s5 =	simm.s32 @p1 $0x1;
	p0 =	seq.s32 s7, s2  }
0x1e: {  	s7 =	smul.u32 @!p0 $0xF7A, s2;
	p2 =	seq.s32 @!p0 s5, $0x0  }
0x1f: {  	s9 =	smul.u32 $0xF7A, s1;
	s8 =	simm.s32 @!p0 $0x1BF5;
	p2 =	por !p2, p0  }
0x20: {  	[sflag:s8] =	ssyncset.s32 @!p0 $0xFFFFF086;
	s6 =	sadd.s32 @!p0 s3, s7;
	s7 =	simm.s32 @!p0 $0x108  }
0x21: {  	s3 =	sadd.s32 s3, s9;
	s6 =	sadd.s32 @!p0 $0x88, s6;
	s7 =	simm.s32 @p2 $0x1082  }
0x22: {  	[simem:s7], [sflag:s8] =	dma.local @!p0 [hbm:s6], $0xF7A  }
0x23: {  	s9 =	sor.u32 $0xD0000000, s2;
	s6 =	simm.s32 $0x108;
	_ =	swait.ge @!p0 [sflag:s8], $0x0  }
0x24: {  	s3 =	sadd.s32 $0x88, s3;
	s6 =	simm.s32 @!p1 $0x1082;
	[sflag:s4] =	ssyncset.s32 $0xFFFFF086  }
0x25: {  	[simem:s6], [sflag:s4] =	dma.local [hbm:s3], $0xF7A  }
0x26: {  	[smem:$0x3F88] =	sst s1;
	(tag) =	ssettag s2;
	_ =	strace s9  }
0x27: {  	s1 =	sld [smem:$0x3F98]  }
0x28: {  	s2 =	sld [smem:$0x3F99]  }
0x29: {  	s4 =	sld [smem:$0x3F9B]  }
0x2a: {  	p0 =	seq.s32 s5, $0x0;
	s5 =	sld [smem:$0x3F9C]  }
0x2b: {  	s6 =	sld [smem:$0x3F9D]  }
0x2c: {  	s7 =	sld [smem:$0x3F9E]  }
0x2d: {  	s3 =	simm.s32 $0x108;
	s8 =	sld [smem:$0x3F9F]  }
0x2e: {  	s3 =	simm.s32 @!p0 $0x1082;
	s9 =	sld [smem:$0x3FA0]  }
0x2f: {  	lr =	sadd.s32 s0, s3;
	s0 =	sld [smem:$0x3F97]  }
0x30: {  	s3 =	sld [smem:$0x3F9A]  }
0x31: {  	[smem:$0x3FA3] =	sst s10  }
0x32: {  	s10 =	sld [smem:$0x3FA1];
	_ =	sdelay $0x3  }
0x33: {  	p0 =	seq.s32 s10, $0x1;
	s10 =	sld [smem:$0x3FA3];
	_ =	sdelay $0x3  }
0x34: {  	[smem:$0x3FA3] =	sst s10  }
0x35: {  	s10 =	sld [smem:$0x3FA2];
	_ =	sdelay $0x3  }
0x36: {  	p1 =	seq.s32 s10, $0x1;
	s10 =	sld [smem:$0x3FA3];
	_ =	sdelay $0x3  }
0x37: {  	[smem:$0x3FA3] =	sst s10  }
0x38: {  	s10 =	sld [smem:$0x3FA4]  }
0x39: {  	_ = 	snop;
	(pc) =	sbr.ind lr, $3  }
0x3a: {  	_ = 	snop  }
0x3b: {  	_ = 	snop  }
0x3c: {  	p2 =	seq.s32 s10, $0x1;
	s10 =	sld [smem:$0x3FA3]  }
0x3d: {  	_ =	shalt  }
0x3e: {  	_ =	shalt  }
0x3f: {  	_ =	shalt  }
0x40: {  	_ =	shalt  }
0x41: {  	_ =	shalt  }
0x42: {  	_ =	shalt  }
0x43: {  	_ =	shalt  }
0x44: {  	_ =	shalt  }
0x45: {  	_ =	shalt  }
0x46: {  	_ =	shalt  }
0x47: {  	_ =	shalt  }
0x48: {  	_ =	shalt  }
0x49: {  	_ =	shalt  }
0x4a: {  	_ =	shalt  }
0x4b: {  	_ =	shalt  }
0x4c: {  	_ =	shalt  }
0x4d: {  	_ =	shalt  }
0x4e: {  	_ =	shalt  }
0x4f: {  	_ =	shalt  }
0x50: {  	_ =	shalt  }
0x51: {  	_ =	shalt  }
0x52: {  	_ =	shalt  }
0x53: {  	_ =	shalt  }
0x54: {  	_ =	shalt  }
0x55: {  	_ =	shalt  }
0x56: {  	_ =	shalt  }
0x57: {  	_ =	shalt  }
0x58: {  	_ =	shalt  }
0x59: {  	_ =	shalt  }
0x5a: {  	_ =	shalt  }
0x5b: {  	_ =	shalt  }
0x5c: {  	_ =	shalt  }
0x5d: {  	_ =	shalt  }
0x5e: {  	_ =	shalt  }
0x5f: {  	_ =	shalt  }
0x60: {  	_ =	shalt  }
0x61: {  	_ =	shalt  }
0x62: {  	_ =	shalt  }
0x63: {  	_ =	shalt  }
0x64: {  	_ =	shalt  }
0x65: {  	_ =	shalt  }
0x66: {  	_ =	shalt  }
0x67: {  	_ =	shalt  }
0x68: {  	_ =	shalt  }
0x69: {  	_ =	shalt  }
0x6a: {  	_ =	shalt  }
0x6b: {  	_ =	shalt  }
0x6c: {  	_ =	shalt  }
0x6d: {  	_ =	shalt  }
0x6e: {  	_ =	shalt  }
0x6f: {  	_ =	shalt  }
0x70: {  	_ =	shalt  }
0x71: {  	_ =	shalt  }
0x72: {  	_ =	shalt  }
0x73: {  	_ =	shalt  }
0x74: {  	_ =	shalt  }
0x75: {  	_ =	shalt  }
0x76: {  	_ =	shalt  }
0x77: {  	_ =	shalt  }
0x78: {  	_ =	shalt  }
0x79: {  	_ =	shalt  }
0x7a: {  	_ =	shalt  }
0x7b: {  	_ =	shalt  }
0x7c: {  	_ =	shalt  }
0x7d: {  	_ =	shalt  }
0x7e: {  	_ =	shalt  }
0x7f: {  	_ =	shalt  }
0x80: {  	_ =	shalt  }
0x81: {  	_ =	shalt  }
0x82: {  	_ =	shalt  }
0x83: {  	_ =	shalt  }
0x84: {  	_ =	shalt  }
0x85: {  	_ =	shalt  }
0x86: {  	_ =	shalt  }
0x87: {  	_ =	shalt  }
.Lfunc_end0:
.L_simem_size_0:
called_computation.3_lowered:
.L_overlay_start_0:
0x88: {  	s2 =	sld [smem:$0x3FD9]  }
0x89: {  	s3 =	sld [smem:$0x3FFE];
	_ =	sdelay $0x1  }
0x8a: {  	s1 =	srdreg.scid  }
0x8b: {  	s0 =	sand.u32 $0x1, s1  }
0x8c: {  	s17 =	sshll.u32 s0, $0xA;
	s2 =	sadd.s32 s3, s2  }
0x8d: {  	s2 =	sadd.s32 s2, s17  }
0x8e: {  	[smem:$0x3FAF] =	sst s2  }
0x8f: {  	_ = 	snop  }
0x90: {  	(tm) =	ssettm $0x1  }
0x91: {  	s18 =	sld [smem:$0x3FFB];
	_ =	sdelay $0x3  }
0x92: {  	_ =	strace s18  }
0x93: {  	s2 =	sld [smem:$0x3FFC];
	_ =	sdelay $0x3  }
0x94: {  	_ =	strace s2  }
0x95: {  	s2 =	sld [smem:$0x3FFD];
	_ =	sdelay $0x3  }
0x96: {  	_ =	strace s2  }
0x97: {  	_ =	strace $0x8FFFFFFF  }
0x98: {  	s19 =	sld [smem:$0x3FDB];
	_ =	sdelay $0x1  }
0x99: {  	s20 =	simm.s32 $_scs_section_size  }
0x9a: {  	s4 =	simm.s32 $_size__tile_overlayer_lowered;
	s5 =	simm.s32 $_tile_overlayer_lowered  }
0x9b: {  	s6 =	simm.s32 $0x1BFF;
	s21 =	sshll.u32 s5, $0x1;
	s3 =	sadd.s32 s20, s19  }
0x9c: {  	s22 =	simm.s32 $0x0;
	s4 =	sshll.u32 s4, $0x1;
	s5 =	sadd.s32 s21, s3  }
0x9d: {  	[timem:s22], [sflag:s6] =	dma.local [hbm:s5], s4  }
0x9e: {  	_ =	swait.ge [sflag:s6], s4  }
0x9f: {  	s4 =	ssub.s32 $0x0, s4;
	[sflag:s6] =	ssyncset.done $0x0  }
0xa0: {  	[sflag:s6] =	ssyncadd.s32 s4;
	_ =	sdelay $0x1  }
0xa1: {  	s23 =	simm.s32 $0x1B8B  }
0xa2: {  	_ =	swait.ge [sflag:s23], $0x1  }
0xa3: {  	[sflag:s23] =	ssyncset.done $0x0  }
0xa4: {  	[sflag:s23] =	ssyncadd.s32 $0xFFFFFFFF  }
0xa5: {  	s4 =	sld [smem:$0x0]  }
0xa6: {  	s5 =	sand.u32 $0xFFFFFFFE, s1  }
0xa7: {  	p0 =	sne.s32 s1, s5  }
0xa8: {  	s5 =	sshll.u32 @p0 s5, $0xE  }
0xa9: {  	s5 =	sadd.s32 @p0 $0x11B8D, s5;
	s6 =	sshll.u32 @p0 s4, $0x11  }
0xaa: {  	s5 =	sor.u32 @p0 s6, s5  }
0xab: {  	[sflag:s5] =	ssyncadd.remote.s32 @p0 $0x1;
	_ =	sdelay $0x1  }
0xac: {  	s5 =	simm.s32 @p0 $0x1B8D  }
0xad: {  	_ =	swait.eq @p0 [sflag:s5], $0x1  }
0xae: {  	[sflag:s5] =	ssyncadd.s32 @p0 $0xFFFFFFFF  }
0xaf: {  	s6 =	sshll.u32 @!p0 s1, $0xE  }
0xb0: {  	s6 =	sor.u32 @!p0 $0x4000, s6;
	s5 =	simm.s32 @!p0 $0x1B8D  }
0xb1: {  	s4 =	sshll.u32 @!p0 s4, $0x11;
	s6 =	sadd.s32 @!p0 $0x11B8D, s6;
	_ =	swait.eq @!p0 [sflag:s5], $0x1  }
0xb2: {  	s4 =	sor.u32 @!p0 s4, s6;
	[sflag:s5] =	ssyncadd.s32 @!p0 $0xFFFFFFFF  }
0xb3: {  	s25 =	simm.s32 $0x1B8E;
	s24 =	sld [smem:$0x3FFE];
	[sflag:s4] =	ssyncadd.remote.s32 @!p0 $0x1  }
0xb4: {  	s26 =	simm.s32 $execute0_lowered;
	[smem:$0x3FD2] =	sst s25  }
0xb5: {  	s5 =	sshll.u32 s26, $0x1;
	_ =	strace $0x8000004C;
	[dreg:$0x1] =	wrdreg $0xFFFFFFFF  }
0xb6: {  	s28 =	simm.s32 $_size_execute0_lowered;
	s3 =	sadd.s32 s3, s5;
	[dreg:$0x0] =	wrdreg $0x0  }
0xb7: {  	s5 =	sshll.u32 s28, $0x1;
	[dreg:$0x2] =	wrdreg s3  }
0xb8: {  	[dreg:$0x3] =	wrdreg s5  }
0xb9: {  	[dreg:$0x4] =	wrdreg $0xC0  }
0xba: {  	_ =	task [dreg:s22], $0x5FFFF  }
0xbb: {  	[dreg:$0x1] =	wrdreg $0xFFFFFFFF  }
0xbc: {  	[dreg:$0x0] =	wrdreg $0x60  }
0xbd: {  	[dreg:$0x2] =	wrdreg s24  }
0xbe: {  	[dreg:$0x3] =	wrdreg $0xA8000  }
0xbf: {  	[dreg:$0x4] =	wrdreg $0xA  }
0xc0: {  	_ =	task.clear_ibuf [dreg:s22], $0x5FFFF;
	_ =	strace $0x9000004C  }
0xc1: {  	s29 =	simm.s32 $0xA;
	_ =	strace $0x8000004E  }
0xc2: {  	_ =	swait.ge [sflag:s29], $0x1  }
0xc3: {  	[sflag:s29] =	ssyncadd.s32 $0xFFFFFFFF  }
0xc4: {  	_ =	strace $0x9000004E  }
0xc5: {  	_ =	sfence  }
0xc6: {  	s30 =	sld [smem:$0x0];
	_ =	sdelay $0x2  }
0xc7: {  	s31 =	sshll.u32 s1, $0xD;
	s1 =	sshrl.u32 s1, $0x2  }
0xc8: {  	s4 =	sand.u32 $0x4000, s31;
	s1 =	sadd.s32 s1, s30  }
0xc9: {  	s0 =	sor.u32 s4, s0;
	s1 =	sshll.u32 s1, $0x11  }
0xca: {  	s0 =	sor.u32 s1, s0  }
0xcb: {  	s0 =	sadd.s32 $0x8F2B, s0  }
0xcc: {  	[sflag:s0] =	ssyncadd.remote.s32 $0x1  }
0xcd: {  	_ =	sfence.sel $0xFFFF  }
0xce: {  	[dreg:$0x0] =	wrdreg $0xFFFFFFFF;
	(pc) =	sbr.abs _section_cstart, $3  }
0xcf: {  	[dreg:$0x1] =	wrdreg $0xFFFFFFFF  }
0xd0: {  	_ =	task.clear_ibuf [dreg:s22], $0x2FFFF;
	_ =	strace $0x9FFFFFFF  }
0xd1: {  	(tm) =	ssettm $0x7FFFFFFF  }
tec
execute0_lowered:
.L_overlay_start_1:
0x0: {  	(tag) =	ssettag $0x1  }
0x1: {  	s8 =	rddreg [dreg:$0x0]  }
0x2: {  	s1 =	rddreg [dreg:$0x1]  }
0x3: {  	s0 =	rddreg [dreg:$0x2];
	s2 =	simm.s32 $0x0  }
0x4: {  	s3 =	stileid.u32;
	s9 =	srdreg.scid;
	s16 =	simm.s32 $0x4000  }
0x5: {  	s17 =	simm.s32 $0x50;
	s18 =	simm.s32 $0x8000;
	s19 =	simm.s32 $0x1  }
0x6: {  	s20 =	simm.s32 $0x0;
	[smem:$0x7FF] =	sst s2;
	s4 =	sadd.s32 $0x6C200, s8  }
0x7: {  	s5 =	sadd.s32 $0x1DE00, s8;
	s6 =	sadd.s32 $0x45000, s8;
	s7 =	sshll.u32 s3, $0xB  }
0x8: {  	s12 =	sand.u32 $0x1, s9;
	s31 =	smul.u32 $0x50000, s3;
	s14 =	sshll.u32 s3, $0x6  }
0x9: {  	_ =	strace $0x8000004D;
	s11 =	sadd.s32 s7, s8;
	s7 =	sadd.s32 $0x6EA00, s8  }
.Ltmp0:
0xa: {  	s8 =	sadd.s32 $0x96A00, s8;
	s10 =	ssub.s32 $0x2, s12;
	(pc) =	sbr.rel .LBB2_1-.Ltmp0, $4  }
0xb: {  	p0 =	seq.s32 s12, $0x1;
	s13 =	sshrl.u32 s10, $0x1;
	s9 =	sshrl.u32 s31, $0x2  }
0xc: {  	s12 =	smul.u32 $0x2800, s3;
	s13 =	ssub.s32 s10, s13;
	s15 =	sadd.s32 s9, s1  }
0xd: {  	s9 =	sor.u32 $0x1C02, s14;
	s10 =	sadd.s32 $0xDE00, s11;
	s11 =	sadd.s32 $0x15E00, s11  }
0xe: {  	s13 =	smax.u32 s13, $0x1;
	s14 =	sshrl.u32 s15, $0x3;
	s15 =	simm.s32 $0x2  }
.LBB2_7:
0xf: {  	s21 =	sshra.s32 s21, $0x2;
	[sflag:s15] =	ssyncadd.s32 $0xFFFFD800  }
0x10: {  	[tilespmem:s18], [sflag:$0x1] =	stream.indirect.gather [hbm4b:s6+s17], $0x80, s21, s17, $0xb8;
	[tilespmem:$0x1E800] =	vst v63  }
0x11: {  	_ =	swait.ge [sflag:s19], $0x2800  }
0x12: {  	[sflag:s19] =	ssyncset.done $0x0  }
0x13: {  	s21 =	sadd.s32 $0x4000, s21;
	[sflag:s19] =	ssyncadd.s32 $0xFFFFD800  }
0x14: {  	[spmem:s1] =	stream.indirect.scatter.add.f32 [tilespmem:s18], [sflag:$0x2], $0x80, s21, s17, $0xb8;
	[tilespmem:$0x1E800] =	vst v63  }
0x15: {  	_ =	swait.ge [sflag:s15], $0x2800  }
0x16: {  	[sflag:s15] =	ssyncset.done $0x0  }
0x17: {  	s21 =	smov.u32 s8;
	[sflag:s15] =	ssyncadd.s32 $0xFFFFD800  }
.LBB2_8:
0x18: {  	s20 =	sadd.s32 $0x1, s20  }
0x19: {  	p1 =	sne.s32 s20, s13  }
.Ltmp1:
0x1a: {  	s21 =	sadd.s32 s21, s12;
	[bflag:$0x0] =	sbarrier.arrive $0xFFFF;
	(pc) =	sbr.rel @!p1 .LBB2_9-.Ltmp1, $4  }
0x1b: {  	[hbm:s21], [sflag:s9] =	dma.local [spmem:s14], $0x2800  }
0x1c: {  	_ =	swait.ge [sflag:s15], $0x2800  }
0x1d: {  	[sflag:s15] =	ssyncset.done $0x0  }
0x1e: {  	[sflag:s15] =	ssyncadd.s32 $0xFFFFD800  }
.LBB2_1:
0x1f: {  	[spmem:s14], [sflag:s9] =	dma.local [hbm:s4], $0x2800  }
0x20: {  	_ =	swait.ge [sflag:s15], $0x2800  }
0x21: {  	[sflag:s15] =	ssyncset.done $0x0  }
0x22: {  	[sflag:s15] =	ssyncadd.s32 $0xFFFFD800  }
0x23: {  	[tilespmem:s2], [sflag:$0x2] =	stream.linear.gather [hbm4b:s10+s2], $0x3E80, $0x38;
	[tilespmem:$0x1E800] =	vst v63  }
0x24: {  	_ =	swait.ge [sflag:s15], $0x3E80  }
0x25: {  	[sflag:s15] =	ssyncset.done $0x0  }
0x26: {  	[sflag:s15] =	ssyncadd.s32 $0xFFFFC180  }
0x27: {  	[tilespmem:s16], [sflag:$0x2] =	stream.linear.gather [hbm4b:s11+s2], $0x3E80, $0x38;
	[tilespmem:$0x1E800] =	vst v63  }
.Ltmp2:
0x28: {  	_ =	swait.ge [sflag:s15], $0x3E80;
	(pc) =	sbr.rel @!p0 .LBB2_2-.Ltmp2, $4  }
0x29: {  	[sflag:s15] =	ssyncset.done $0x0  }
0x2a: {  	[sflag:s15] =	ssyncadd.s32 $0xFFFFC180  }
0x2b: {  	[bflag:$0x0] =	sbarrier.arrive $0xFFFF  }
0x2c: {  	s21 =	simm.s32 $0x0  }
0x2d: {  	[tilespmem:s18], [sflag:$0x1] =	stream.indirect.gather [hbm4b:s6+s17], $0x80, s21, s17, $0xb8;
	[tilespmem:$0x1E800] =	vst v63  }
0x2e: {  	_ =	swait.ge [sflag:s19], $0x2800  }
0x2f: {  	[sflag:s19] =	ssyncset.done $0x0  }
0x30: {  	s31 =	simm.s32 $0x4000;
	[sflag:s19] =	ssyncadd.s32 $0xFFFFD800  }
0x31: {  	[spmem:s1] =	stream.indirect.scatter.add.f32 [tilespmem:s18], [sflag:$0x2], $0x80, s31, s17, $0xb8;
	[tilespmem:$0x1E800] =	vst v63  }
0x32: {  	_ =	swait.ge [sflag:s15], $0x2800  }
0x33: {  	s21 =	simm.s32 $0x200;
	s22 =	simm.s32 $0x400;
	[sflag:s15] =	ssyncset.done $0x0  }
.LBB2_6:
0x34: {  	s23 =	sshra.s32 s21, $0x2  }
0x35: {  	[sflag:s15] =	ssyncadd.s32 $0xFFFFD800;
	s21 =	smov.u32 s22;
	s24 =	sadd.s32 $0x200, s22  }
0x36: {  	[tilespmem:s18], [sflag:$0x1] =	stream.indirect.gather [hbm4b:s6+s17], $0x80, s23, s17, $0xb8;
	[tilespmem:$0x1E800] =	vst v63  }
0x37: {  	p1 =	sne.s32 s22, $0xF800;
	_ =	swait.ge [sflag:s19], $0x2800  }
.Ltmp3:
0x38: {  	[sflag:s19] =	ssyncset.done $0x0;
	(pc) =	sbr.rel @p1 .LBB2_6-.Ltmp3, $4  }
0x39: {  	s22 =	sadd.s32 $0x4000, s23;
	[sflag:s19] =	ssyncadd.s32 $0xFFFFD800  }
0x3a: {  	[spmem:s1] =	stream.indirect.scatter.add.f32 [tilespmem:s18], [sflag:$0x2], $0x80, s22, s17, $0xb8;
	[tilespmem:$0x1E800] =	vst v63  }
0x3b: {  	_ =	swait.ge [sflag:s15], $0x2800  }
0x3c: {  	s22 =	smov.u32 s24;
	[sflag:s15] =	ssyncset.done $0x0  }
.Ltmp4:
0x3d: {  	_ = 	snop;
	(pc) =	sbr.rel .LBB2_7-.Ltmp4, $1  }
0x3e: {  	_ =	sdelay $0x3  }
.LBB2_2:
0x3f: {  	[tilespmem:s18], [sflag:$0x1] =	stream.indirect.gather [hbm4b:s5+s17], $0x80, s21, s17, $0xb8;
	[tilespmem:$0x1E800] =	vst v63  }
0x40: {  	_ =	swait.ge [sflag:s19], $0x2800  }
0x41: {  	[sflag:s19] =	ssyncset.done $0x0  }
0x42: {  	s31 =	simm.s32 $0x4000;
	[sflag:s19] =	ssyncadd.s32 $0xFFFFD800  }
0x43: {  	[spmem:s1] =	stream.indirect.scatter.add.f32 [tilespmem:s18], [sflag:$0x2], $0x80, s31, s17, $0xb8;
	[tilespmem:$0x1E800] =	vst v63  }
0x44: {  	_ =	swait.ge [sflag:s15], $0x2800  }
0x45: {  	s21 =	simm.s32 $0x200;
	s22 =	simm.s32 $0x400;
	[sflag:s15] =	ssyncset.done $0x0  }
.LBB2_3:
0x46: {  	s23 =	sshra.s32 s21, $0x2  }
0x47: {  	[sflag:s15] =	ssyncadd.s32 $0xFFFFD800;
	s21 =	smov.u32 s22;
	s24 =	sadd.s32 $0x200, s22  }
0x48: {  	[tilespmem:s18], [sflag:$0x1] =	stream.indirect.gather [hbm4b:s5+s17], $0x80, s23, s17, $0xb8;
	[tilespmem:$0x1E800] =	vst v63  }
0x49: {  	p1 =	seq.s32 s22, $0xF800;
	_ =	swait.ge [sflag:s19], $0x2800  }
.Ltmp5:
0x4a: {  	[sflag:s19] =	ssyncset.done $0x0;
	(pc) =	sbr.rel @!p1 .LBB2_3-.Ltmp5, $4  }
0x4b: {  	s22 =	sadd.s32 $0x4000, s23;
	[sflag:s19] =	ssyncadd.s32 $0xFFFFD800  }
0x4c: {  	[spmem:s1] =	stream.indirect.scatter.add.f32 [tilespmem:s18], [sflag:$0x2], $0x80, s22, s17, $0xb8;
	[tilespmem:$0x1E800] =	vst v63  }
0x4d: {  	_ =	swait.ge [sflag:s15], $0x2800  }
0x4e: {  	s22 =	smov.u32 s24;
	[sflag:s15] =	ssyncset.done $0x0  }
0x4f: {  	s21 =	sshra.s32 s21, $0x2;
	[sflag:s15] =	ssyncadd.s32 $0xFFFFD800  }
0x50: {  	[tilespmem:s18], [sflag:$0x1] =	stream.indirect.gather [hbm4b:s5+s17], $0x80, s21, s17, $0xb8;
	[tilespmem:$0x1E800] =	vst v63  }
0x51: {  	_ =	swait.ge [sflag:s19], $0x2800  }
0x52: {  	[sflag:s19] =	ssyncset.done $0x0  }
.Ltmp6:
0x53: {  	s21 =	sadd.s32 $0x4000, s21;
	[sflag:s19] =	ssyncadd.s32 $0xFFFFD800;
	(pc) =	sbr.rel .LBB2_8-.Ltmp6, $4  }
0x54: {  	[spmem:s1] =	stream.indirect.scatter.add.f32 [tilespmem:s18], [sflag:$0x2], $0x80, s21, s17, $0xb8;
	[tilespmem:$0x1E800] =	vst v63  }
0x55: {  	_ =	swait.ge [sflag:s15], $0x2800  }
0x56: {  	[sflag:s15] =	ssyncset.done $0x0  }
0x57: {  	s21 =	smov.u32 s7;
	[sflag:s15] =	ssyncadd.s32 $0xFFFFD800  }
.LBB2_9:
0x58: {  	_ =	sfence.sel $0x180000  }
0x59: {  	[bflag:$0x0] =	sbarrier.arrive $0xFFFF  }
0x5a: {  	p0 =	sne.s32 s3, $0x0;
	_ =	strace $0x9000004D  }
0x5b: {  	s0 =	sadd.s32 @!p0 $0x100000, s0;
	[bflag:$0x2] =	sbarrier.arrive $0xFFFF  }
0x5c: {  	[sflag:s0] =	ssyncadd.tile.s32 @!p0 $0x1;
	_ =	shalt  }
.Lfunc_end2:
_tile_overlayer_lowered:
.L_overlay_start_2:
0x5d: {  	(tag) =	ssettag $0x2  }
0x5e: {  	s0 =	rddreg [dreg:$0x0];
	s2 =	stileid.u32  }
0x5f: {  	s1 =	rddreg [dreg:$0x1];
	p0 =	sne.s32 s2, $0x0  }
0x60: {  	s3 =	rddreg [dreg:$0x2];
	[bflag:$0x3] =	sbarrier.arrive $0xFFFF;
	s2 =	simm.s32 @!p0 $0x1C02  }
0x61: {  	[timem:s3], [sflag:s2] =	dma.local @!p0 [hbm:s0], s1  }
0x62: {  	s0 =	simm.s32 @!p0 $0x2  }
0x63: {  	_ =	swait.ge @!p0 [sflag:s0], s1  }
0x64: {  	s1 =	ssub.s32 @!p0 $0x0, s1;
	[sflag:s0] =	ssyncset.done @!p0 $0x0  }
0x65: {  	[sflag:s0] =	ssyncadd.s32 @!p0 s1  }
0x66: {  	[bflag:$0x3] =	sbarrier.arrive $0xFFFF  }
0x67: {  	_ =	shalt  }

// kernel: kernel.29.cloned.1.call-start
scs
__scs_entry_jumppad:
0x0: {  	(pc) =	sbr.rel $0x88, $3  }
0x1: {  	(tag) =	ssettag $0x0;
	lr =	simm.s32 $0x1  }
0x2: {  	[smem:$0x3F88] =	sst lr;
	_ =	strace $0xD0000000  }
0x3: {  	_ = 	snop  }
0x4: {  	_ = 	snop  }
0x5: {  	_ = 	snop  }
0x6: {  	_ = 	snop  }
0x7: {  	_ = 	snop  }
__scs_overlays_trampoline_lowered:
0x8: {  	[smem:$0x3F97] =	sst s0  }
0x9: {  	[smem:$0x3F98] =	sst s1  }
0xa: {  	[smem:$0x3F99] =	sst s2  }
0xb: {  	[smem:$0x3F9A] =	sst s3  }
0xc: {  	[smem:$0x3F9B] =	sst s4  }
0xd: {  	[smem:$0x3F9C] =	sst s5  }
0xe: {  	[smem:$0x3F9D] =	sst s6  }
0xf: {  	[smem:$0x3F9E] =	sst s7  }
0x10: {  	[smem:$0x3F9F] =	sst s8  }
0x11: {  	[smem:$0x3FA0] =	sst s9;
	s0 =	simm.s32 @!p0 $0x0  }
0x12: {  	s1 =	sld [smem:$0x3F86];
	s0 =	simm.s32 @p0 $0x1  }
0x13: {  	[smem:$0x3FA1] =	sst s0;
	s0 =	simm.s32 @!p1 $0x0  }
0x14: {  	s2 =	sld [smem:$0x3F85];
	s0 =	simm.s32 @p1 $0x1  }
0x15: {  	[smem:$0x3FA2] =	sst s0;
	s0 =	simm.s32 @!p2 $0x0  }
0x16: {  	s3 =	sld [smem:$0x3FDB];
	s0 =	simm.s32 @p2 $0x1  }
0x17: {  	s4 =	simm.s32 $0x1BF5;
	[smem:$0x3FA4] =	sst s0  }
0x18: {  	s0 =	sld [smem:$0x3F87];
	_ =	swait.ge [sflag:s4], $0x0  }
0x19: {  	s7 =	sld [smem:$0x3F88]  }
0x1a: {  	s8 =	sadd.s32 $0xFFFFE003, lr  }
0x1b: {  	s9 =	sadd.s32 $0xFFFFFEF7, lr;
	s5 =	simm.s32 $0xFFFFFFFF;
	p2 =	slt.u32 s8, $0xFFFFF086  }
0x1c: {  	p1 =	slt.u32 s9, $0xF7A;
	s5 =	simm.s32 @!p2 $0x0  }
0x1d: {  	s5 =	simm.s32 @p1 $0x1;
	p0 =	seq.s32 s7, s2  }
0x1e: {  	s7 =	smul.u32 @!p0 $0xF7A, s2;
	p2 =	seq.s32 @!p0 s5, $0x0  }
0x1f: {  	s9 =	smul.u32 $0xF7A, s1;
	s8 =	simm.s32 @!p0 $0x1BF5;
	p2 =	por !p2, p0  }
0x20: {  	[sflag:s8] =	ssyncset.s32 @!p0 $0xFFFFF086;
	s6 =	sadd.s32 @!p0 s3, s7;
	s7 =	simm.s32 @!p0 $0x108  }
0x21: {  	s3 =	sadd.s32 s3, s9;
	s6 =	sadd.s32 @!p0 $0x88, s6;
	s7 =	simm.s32 @p2 $0x1082  }
0x22: {  	[simem:s7], [sflag:s8] =	dma.local @!p0 [hbm:s6], $0xF7A  }
0x23: {  	s9 =	sor.u32 $0xD0000000, s2;
	s6 =	simm.s32 $0x108;
	_ =	swait.ge @!p0 [sflag:s8], $0x0  }
0x24: {  	s3 =	sadd.s32 $0x88, s3;
	s6 =	simm.s32 @!p1 $0x1082;
	[sflag:s4] =	ssyncset.s32 $0xFFFFF086  }
0x25: {  	[simem:s6], [sflag:s4] =	dma.local [hbm:s3], $0xF7A  }
0x26: {  	[smem:$0x3F88] =	sst s1;
	(tag) =	ssettag s2;
	_ =	strace s9  }
0x27: {  	s1 =	sld [smem:$0x3F98]  }
0x28: {  	s2 =	sld [smem:$0x3F99]  }
0x29: {  	s4 =	sld [smem:$0x3F9B]  }
0x2a: {  	p0 =	seq.s32 s5, $0x0;
	s5 =	sld [smem:$0x3F9C]  }
0x2b: {  	s6 =	sld [smem:$0x3F9D]  }
0x2c: {  	s7 =	sld [smem:$0x3F9E]  }
0x2d: {  	s3 =	simm.s32 $0x108;
	s8 =	sld [smem:$0x3F9F]  }
0x2e: {  	s3 =	simm.s32 @!p0 $0x1082;
	s9 =	sld [smem:$0x3FA0]  }
0x2f: {  	lr =	sadd.s32 s0, s3;
	s0 =	sld [smem:$0x3F97]  }
0x30: {  	s3 =	sld [smem:$0x3F9A]  }
0x31: {  	[smem:$0x3FA3] =	sst s10  }
0x32: {  	s10 =	sld [smem:$0x3FA1];
	_ =	sdelay $0x3  }
0x33: {  	p0 =	seq.s32 s10, $0x1;
	s10 =	sld [smem:$0x3FA3];
	_ =	sdelay $0x3  }
0x34: {  	[smem:$0x3FA3] =	sst s10  }
0x35: {  	s10 =	sld [smem:$0x3FA2];
	_ =	sdelay $0x3  }
0x36: {  	p1 =	seq.s32 s10, $0x1;
	s10 =	sld [smem:$0x3FA3];
	_ =	sdelay $0x3  }
0x37: {  	[smem:$0x3FA3] =	sst s10  }
0x38: {  	s10 =	sld [smem:$0x3FA4]  }
0x39: {  	_ = 	snop;
	(pc) =	sbr.ind lr, $3  }
0x3a: {  	_ = 	snop  }
0x3b: {  	_ = 	snop  }
0x3c: {  	p2 =	seq.s32 s10, $0x1;
	s10 =	sld [smem:$0x3FA3]  }
0x3d: {  	_ =	shalt  }
0x3e: {  	_ =	shalt  }
0x3f: {  	_ =	shalt  }
0x40: {  	_ =	shalt  }
0x41: {  	_ =	shalt  }
0x42: {  	_ =	shalt  }
0x43: {  	_ =	shalt  }
0x44: {  	_ =	shalt  }
0x45: {  	_ =	shalt  }
0x46: {  	_ =	shalt  }
0x47: {  	_ =	shalt  }
0x48: {  	_ =	shalt  }
0x49: {  	_ =	shalt  }
0x4a: {  	_ =	shalt  }
0x4b: {  	_ =	shalt  }
0x4c: {  	_ =	shalt  }
0x4d: {  	_ =	shalt  }
0x4e: {  	_ =	shalt  }
0x4f: {  	_ =	shalt  }
0x50: {  	_ =	shalt  }
0x51: {  	_ =	shalt  }
0x52: {  	_ =	shalt  }
0x53: {  	_ =	shalt  }
0x54: {  	_ =	shalt  }
0x55: {  	_ =	shalt  }
0x56: {  	_ =	shalt  }
0x57: {  	_ =	shalt  }
0x58: {  	_ =	shalt  }
0x59: {  	_ =	shalt  }
0x5a: {  	_ =	shalt  }
0x5b: {  	_ =	shalt  }
0x5c: {  	_ =	shalt  }
0x5d: {  	_ =	shalt  }
0x5e: {  	_ =	shalt  }
0x5f: {  	_ =	shalt  }
0x60: {  	_ =	shalt  }
0x61: {  	_ =	shalt  }
0x62: {  	_ =	shalt  }
0x63: {  	_ =	shalt  }
0x64: {  	_ =	shalt  }
0x65: {  	_ =	shalt  }
0x66: {  	_ =	shalt  }
0x67: {  	_ =	shalt  }
0x68: {  	_ =	shalt  }
0x69: {  	_ =	shalt  }
0x6a: {  	_ =	shalt  }
0x6b: {  	_ =	shalt  }
0x6c: {  	_ =	shalt  }
0x6d: {  	_ =	shalt  }
0x6e: {  	_ =	shalt  }
0x6f: {  	_ =	shalt  }
0x70: {  	_ =	shalt  }
0x71: {  	_ =	shalt  }
0x72: {  	_ =	shalt  }
0x73: {  	_ =	shalt  }
0x74: {  	_ =	shalt  }
0x75: {  	_ =	shalt  }
0x76: {  	_ =	shalt  }
0x77: {  	_ =	shalt  }
0x78: {  	_ =	shalt  }
0x79: {  	_ =	shalt  }
0x7a: {  	_ =	shalt  }
0x7b: {  	_ =	shalt  }
0x7c: {  	_ =	shalt  }
0x7d: {  	_ =	shalt  }
0x7e: {  	_ =	shalt  }
0x7f: {  	_ =	shalt  }
0x80: {  	_ =	shalt  }
0x81: {  	_ =	shalt  }
0x82: {  	_ =	shalt  }
0x83: {  	_ =	shalt  }
0x84: {  	_ =	shalt  }
0x85: {  	_ =	shalt  }
0x86: {  	_ =	shalt  }
0x87: {  	_ =	shalt  }
.Lfunc_end0:
.L_simem_size_0:
called_computation.4_lowered:
.L_overlay_start_0:
0x88: {  	s2 =	sld [smem:$0x3FD9]  }
0x89: {  	s3 =	sld [smem:$0x3FFE];
	_ =	sdelay $0x1  }
0x8a: {  	s1 =	srdreg.scid  }
0x8b: {  	s0 =	sand.u32 $0x1, s1  }
0x8c: {  	s17 =	sshll.u32 s0, $0xA;
	s2 =	sadd.s32 s3, s2  }
0x8d: {  	s2 =	sadd.s32 s2, s17  }
0x8e: {  	[smem:$0x3FAF] =	sst s2  }
0x8f: {  	_ = 	snop  }
0x90: {  	(tm) =	ssettm $0x1  }
0x91: {  	s18 =	sld [smem:$0x3FFB];
	_ =	sdelay $0x3  }
0x92: {  	_ =	strace s18  }
0x93: {  	s2 =	sld [smem:$0x3FFC];
	_ =	sdelay $0x3  }
0x94: {  	_ =	strace s2  }
0x95: {  	s2 =	sld [smem:$0x3FFD];
	_ =	sdelay $0x3  }
0x96: {  	_ =	strace s2  }
0x97: {  	_ =	strace $0x8FFFFFFF  }
0x98: {  	s19 =	sld [smem:$0x3FDB];
	_ =	sdelay $0x1  }
0x99: {  	s20 =	simm.s32 $_scs_section_size  }
0x9a: {  	s4 =	simm.s32 $_size__tile_overlayer_lowered;
	s5 =	simm.s32 $_tile_overlayer_lowered  }
0x9b: {  	s6 =	simm.s32 $0x1BFF;
	s21 =	sshll.u32 s5, $0x1;
	s3 =	sadd.s32 s20, s19  }
0x9c: {  	s22 =	simm.s32 $0x0;
	s4 =	sshll.u32 s4, $0x1;
	s5 =	sadd.s32 s21, s3  }
0x9d: {  	[timem:s22], [sflag:s6] =	dma.local [hbm:s5], s4  }
0x9e: {  	_ =	swait.ge [sflag:s6], s4  }
0x9f: {  	s4 =	ssub.s32 $0x0, s4;
	[sflag:s6] =	ssyncset.done $0x0  }
0xa0: {  	[sflag:s6] =	ssyncadd.s32 s4;
	_ =	sdelay $0x1  }
0xa1: {  	s23 =	simm.s32 $0x1B8B  }
0xa2: {  	_ =	swait.ge [sflag:s23], $0x1  }
0xa3: {  	[sflag:s23] =	ssyncset.done $0x0  }
0xa4: {  	[sflag:s23] =	ssyncadd.s32 $0xFFFFFFFF  }
0xa5: {  	s4 =	sld [smem:$0x0]  }
0xa6: {  	s5 =	sand.u32 $0xFFFFFFFE, s1  }
0xa7: {  	p0 =	sne.s32 s1, s5  }
0xa8: {  	s5 =	sshll.u32 @p0 s5, $0xE  }
0xa9: {  	s5 =	sadd.s32 @p0 $0x11B8D, s5;
	s6 =	sshll.u32 @p0 s4, $0x11  }
0xaa: {  	s5 =	sor.u32 @p0 s6, s5  }
0xab: {  	[sflag:s5] =	ssyncadd.remote.s32 @p0 $0x1;
	_ =	sdelay $0x1  }
0xac: {  	s5 =	simm.s32 @p0 $0x1B8D  }
0xad: {  	_ =	swait.eq @p0 [sflag:s5], $0x1  }
0xae: {  	[sflag:s5] =	ssyncadd.s32 @p0 $0xFFFFFFFF  }
0xaf: {  	s6 =	sshll.u32 @!p0 s1, $0xE  }
0xb0: {  	s6 =	sor.u32 @!p0 $0x4000, s6;
	s5 =	simm.s32 @!p0 $0x1B8D  }
0xb1: {  	s4 =	sshll.u32 @!p0 s4, $0x11;
	s6 =	sadd.s32 @!p0 $0x11B8D, s6;
	_ =	swait.eq @!p0 [sflag:s5], $0x1  }
0xb2: {  	s4 =	sor.u32 @!p0 s4, s6;
	[sflag:s5] =	ssyncadd.s32 @!p0 $0xFFFFFFFF  }
0xb3: {  	s25 =	simm.s32 $0x1B8E;
	s24 =	sld [smem:$0x3FFE];
	[sflag:s4] =	ssyncadd.remote.s32 @!p0 $0x1  }
0xb4: {  	s26 =	simm.s32 $execute0_lowered;
	[smem:$0x3FD2] =	sst s25  }
0xb5: {  	s5 =	sshll.u32 s26, $0x1;
	_ =	strace $0x80000055;
	[dreg:$0x1] =	wrdreg $0xFFFFFFFF  }
0xb6: {  	s28 =	simm.s32 $_size_execute0_lowered;
	s3 =	sadd.s32 s3, s5;
	[dreg:$0x0] =	wrdreg $0x0  }
0xb7: {  	s5 =	sshll.u32 s28, $0x1;
	[dreg:$0x2] =	wrdreg s3  }
0xb8: {  	[dreg:$0x3] =	wrdreg s5  }
0xb9: {  	[dreg:$0x4] =	wrdreg $0xC0  }
0xba: {  	_ =	task [dreg:s22], $0x5FFFF  }
0xbb: {  	[dreg:$0x1] =	wrdreg $0xFFFFFFFF  }
0xbc: {  	[dreg:$0x0] =	wrdreg $0x60  }
0xbd: {  	[dreg:$0x2] =	wrdreg s24  }
0xbe: {  	[dreg:$0x3] =	wrdreg $0xA8000  }
0xbf: {  	[dreg:$0x4] =	wrdreg $0x9  }
0xc0: {  	_ =	task.clear_ibuf [dreg:s22], $0x5FFFF;
	_ =	strace $0x90000055  }
0xc1: {  	s29 =	simm.s32 $0x9;
	_ =	strace $0x80000057  }
0xc2: {  	_ =	swait.ge [sflag:s29], $0x1  }
0xc3: {  	[sflag:s29] =	ssyncadd.s32 $0xFFFFFFFF  }
0xc4: {  	_ =	strace $0x90000057  }
0xc5: {  	_ =	sfence  }
0xc6: {  	s30 =	sld [smem:$0x0];
	_ =	sdelay $0x2  }
0xc7: {  	s31 =	sshll.u32 s1, $0xD;
	s1 =	sshrl.u32 s1, $0x2  }
0xc8: {  	s4 =	sand.u32 $0x4000, s31;
	s1 =	sadd.s32 s1, s30  }
0xc9: {  	s0 =	sor.u32 s4, s0;
	s1 =	sshll.u32 s1, $0x11  }
0xca: {  	s0 =	sor.u32 s1, s0  }
0xcb: {  	s0 =	sadd.s32 $0x8F2B, s0  }
0xcc: {  	[sflag:s0] =	ssyncadd.remote.s32 $0x1  }
0xcd: {  	_ =	sfence.sel $0xFFFF  }
0xce: {  	[dreg:$0x0] =	wrdreg $0xFFFFFFFF;
	(pc) =	sbr.abs _section_cstart, $3  }
0xcf: {  	[dreg:$0x1] =	wrdreg $0xFFFFFFFF  }
0xd0: {  	_ =	task.clear_ibuf [dreg:s22], $0x2FFFF;
	_ =	strace $0x9FFFFFFF  }
0xd1: {  	(tm) =	ssettm $0x7FFFFFFF  }
tec
execute0_lowered:
.L_overlay_start_1:
0x0: {  	(tag) =	ssettag $0x1  }
0x1: {  	s8 =	rddreg [dreg:$0x0]  }
0x2: {  	s1 =	rddreg [dreg:$0x1]  }
0x3: {  	s0 =	rddreg [dreg:$0x2];
	s2 =	simm.s32 $0x0  }
0x4: {  	s3 =	stileid.u32;
	s9 =	srdreg.scid;
	s16 =	simm.s32 $0x4000  }
0x5: {  	s17 =	simm.s32 $0x50;
	s18 =	simm.s32 $0x8000;
	s19 =	simm.s32 $0x1  }
0x6: {  	s20 =	simm.s32 $0x0;
	[smem:$0x7FF] =	sst s2;
	s4 =	sadd.s32 $0x6C200, s8  }
0x7: {  	s5 =	sadd.s32 $0xCEA00, s8;
	s6 =	sadd.s32 $0xF5C00, s8;
	s7 =	sshll.u32 s3, $0xB  }
0x8: {  	s12 =	sand.u32 $0x1, s9;
	s31 =	smul.u32 $0x50000, s3;
	s14 =	sshll.u32 s3, $0x6  }
0x9: {  	_ =	strace $0x80000056;
	s11 =	sadd.s32 s7, s8;
	s7 =	sadd.s32 $0x11CE00, s8  }
.Ltmp0:
0xa: {  	s8 =	sadd.s32 $0x144E00, s8;
	s10 =	ssub.s32 $0x2, s12;
	(pc) =	sbr.rel .LBB2_1-.Ltmp0, $4  }
0xb: {  	p0 =	seq.s32 s12, $0x1;
	s13 =	sshrl.u32 s10, $0x1;
	s9 =	sshrl.u32 s31, $0x2  }
0xc: {  	s12 =	smul.u32 $0x2800, s3;
	s13 =	ssub.s32 s10, s13;
	s15 =	sadd.s32 s9, s1  }
0xd: {  	s9 =	sor.u32 $0x1C02, s14;
	s10 =	sadd.s32 $0xBEA00, s11;
	s11 =	sadd.s32 $0xC6A00, s11  }
0xe: {  	s13 =	smax.u32 s13, $0x1;
	s14 =	sshrl.u32 s15, $0x3;
	s15 =	simm.s32 $0x2  }
.LBB2_7:
0xf: {  	s21 =	sshra.s32 s21, $0x2;
	[sflag:s15] =	ssyncadd.s32 $0xFFFFD800  }
0x10: {  	[tilespmem:s18], [sflag:$0x1] =	stream.indirect.gather [hbm4b:s6+s17], $0x80, s21, s17, $0xb8;
	[tilespmem:$0x1E800] =	vst v63  }
0x11: {  	_ =	swait.ge [sflag:s19], $0x2800  }
0x12: {  	[sflag:s19] =	ssyncset.done $0x0  }
0x13: {  	s21 =	sadd.s32 $0x4000, s21;
	[sflag:s19] =	ssyncadd.s32 $0xFFFFD800  }
0x14: {  	[spmem:s1] =	stream.indirect.scatter.add.f32 [tilespmem:s18], [sflag:$0x2], $0x80, s21, s17, $0xb8;
	[tilespmem:$0x1E800] =	vst v63  }
0x15: {  	_ =	swait.ge [sflag:s15], $0x2800  }
0x16: {  	[sflag:s15] =	ssyncset.done $0x0  }
0x17: {  	s21 =	smov.u32 s8;
	[sflag:s15] =	ssyncadd.s32 $0xFFFFD800  }
.LBB2_8:
0x18: {  	s20 =	sadd.s32 $0x1, s20  }
0x19: {  	p1 =	sne.s32 s20, s13  }
.Ltmp1:
0x1a: {  	s21 =	sadd.s32 s21, s12;
	[bflag:$0x0] =	sbarrier.arrive $0xFFFF;
	(pc) =	sbr.rel @!p1 .LBB2_9-.Ltmp1, $4  }
0x1b: {  	[hbm:s21], [sflag:s9] =	dma.local [spmem:s14], $0x2800  }
0x1c: {  	_ =	swait.ge [sflag:s15], $0x2800  }
0x1d: {  	[sflag:s15] =	ssyncset.done $0x0  }
0x1e: {  	[sflag:s15] =	ssyncadd.s32 $0xFFFFD800  }
.LBB2_1:
0x1f: {  	[spmem:s14], [sflag:s9] =	dma.local [hbm:s4], $0x2800  }
0x20: {  	_ =	swait.ge [sflag:s15], $0x2800  }
0x21: {  	[sflag:s15] =	ssyncset.done $0x0  }
0x22: {  	[sflag:s15] =	ssyncadd.s32 $0xFFFFD800  }
0x23: {  	[tilespmem:s2], [sflag:$0x2] =	stream.linear.gather [hbm4b:s10+s2], $0x3E80, $0x38;
	[tilespmem:$0x1E800] =	vst v63  }
0x24: {  	_ =	swait.ge [sflag:s15], $0x3E80  }
0x25: {  	[sflag:s15] =	ssyncset.done $0x0  }
0x26: {  	[sflag:s15] =	ssyncadd.s32 $0xFFFFC180  }
0x27: {  	[tilespmem:s16], [sflag:$0x2] =	stream.linear.gather [hbm4b:s11+s2], $0x3E80, $0x38;
	[tilespmem:$0x1E800] =	vst v63  }
.Ltmp2:
0x28: {  	_ =	swait.ge [sflag:s15], $0x3E80;
	(pc) =	sbr.rel @!p0 .LBB2_2-.Ltmp2, $4  }
0x29: {  	[sflag:s15] =	ssyncset.done $0x0  }
0x2a: {  	[sflag:s15] =	ssyncadd.s32 $0xFFFFC180  }
0x2b: {  	[bflag:$0x0] =	sbarrier.arrive $0xFFFF  }
0x2c: {  	s21 =	simm.s32 $0x0  }
0x2d: {  	[tilespmem:s18], [sflag:$0x1] =	stream.indirect.gather [hbm4b:s6+s17], $0x80, s21, s17, $0xb8;
	[tilespmem:$0x1E800] =	vst v63  }
0x2e: {  	_ =	swait.ge [sflag:s19], $0x2800  }
0x2f: {  	[sflag:s19] =	ssyncset.done $0x0  }
0x30: {  	s31 =	simm.s32 $0x4000;
	[sflag:s19] =	ssyncadd.s32 $0xFFFFD800  }
0x31: {  	[spmem:s1] =	stream.indirect.scatter.add.f32 [tilespmem:s18], [sflag:$0x2], $0x80, s31, s17, $0xb8;
	[tilespmem:$0x1E800] =	vst v63  }
0x32: {  	_ =	swait.ge [sflag:s15], $0x2800  }
0x33: {  	s21 =	simm.s32 $0x200;
	s22 =	simm.s32 $0x400;
	[sflag:s15] =	ssyncset.done $0x0  }
.LBB2_6:
0x34: {  	s23 =	sshra.s32 s21, $0x2  }
0x35: {  	[sflag:s15] =	ssyncadd.s32 $0xFFFFD800;
	s21 =	smov.u32 s22;
	s24 =	sadd.s32 $0x200, s22  }
0x36: {  	[tilespmem:s18], [sflag:$0x1] =	stream.indirect.gather [hbm4b:s6+s17], $0x80, s23, s17, $0xb8;
	[tilespmem:$0x1E800] =	vst v63  }
0x37: {  	p1 =	sne.s32 s22, $0xF800;
	_ =	swait.ge [sflag:s19], $0x2800  }
.Ltmp3:
0x38: {  	[sflag:s19] =	ssyncset.done $0x0;
	(pc) =	sbr.rel @p1 .LBB2_6-.Ltmp3, $4  }
0x39: {  	s22 =	sadd.s32 $0x4000, s23;
	[sflag:s19] =	ssyncadd.s32 $0xFFFFD800  }
0x3a: {  	[spmem:s1] =	stream.indirect.scatter.add.f32 [tilespmem:s18], [sflag:$0x2], $0x80, s22, s17, $0xb8;
	[tilespmem:$0x1E800] =	vst v63  }
0x3b: {  	_ =	swait.ge [sflag:s15], $0x2800  }
0x3c: {  	s22 =	smov.u32 s24;
	[sflag:s15] =	ssyncset.done $0x0  }
.Ltmp4:
0x3d: {  	_ = 	snop;
	(pc) =	sbr.rel .LBB2_7-.Ltmp4, $1  }
0x3e: {  	_ =	sdelay $0x3  }
.LBB2_2:
0x3f: {  	[tilespmem:s18], [sflag:$0x1] =	stream.indirect.gather [hbm4b:s5+s17], $0x80, s21, s17, $0xb8;
	[tilespmem:$0x1E800] =	vst v63  }
0x40: {  	_ =	swait.ge [sflag:s19], $0x2800  }
0x41: {  	[sflag:s19] =	ssyncset.done $0x0  }
0x42: {  	s31 =	simm.s32 $0x4000;
	[sflag:s19] =	ssyncadd.s32 $0xFFFFD800  }
0x43: {  	[spmem:s1] =	stream.indirect.scatter.add.f32 [tilespmem:s18], [sflag:$0x2], $0x80, s31, s17, $0xb8;
	[tilespmem:$0x1E800] =	vst v63  }
0x44: {  	_ =	swait.ge [sflag:s15], $0x2800  }
0x45: {  	s21 =	simm.s32 $0x200;
	s22 =	simm.s32 $0x400;
	[sflag:s15] =	ssyncset.done $0x0  }
.LBB2_3:
0x46: {  	s23 =	sshra.s32 s21, $0x2  }
0x47: {  	[sflag:s15] =	ssyncadd.s32 $0xFFFFD800;
	s21 =	smov.u32 s22;
	s24 =	sadd.s32 $0x200, s22  }
0x48: {  	[tilespmem:s18], [sflag:$0x1] =	stream.indirect.gather [hbm4b:s5+s17], $0x80, s23, s17, $0xb8;
	[tilespmem:$0x1E800] =	vst v63  }
0x49: {  	p1 =	seq.s32 s22, $0xF800;
	_ =	swait.ge [sflag:s19], $0x2800  }
.Ltmp5:
0x4a: {  	[sflag:s19] =	ssyncset.done $0x0;
	(pc) =	sbr.rel @!p1 .LBB2_3-.Ltmp5, $4  }
0x4b: {  	s22 =	sadd.s32 $0x4000, s23;
	[sflag:s19] =	ssyncadd.s32 $0xFFFFD800  }
0x4c: {  	[spmem:s1] =	stream.indirect.scatter.add.f32 [tilespmem:s18], [sflag:$0x2], $0x80, s22, s17, $0xb8;
	[tilespmem:$0x1E800] =	vst v63  }
0x4d: {  	_ =	swait.ge [sflag:s15], $0x2800  }
0x4e: {  	s22 =	smov.u32 s24;
	[sflag:s15] =	ssyncset.done $0x0  }
0x4f: {  	s21 =	sshra.s32 s21, $0x2;
	[sflag:s15] =	ssyncadd.s32 $0xFFFFD800  }
0x50: {  	[tilespmem:s18], [sflag:$0x1] =	stream.indirect.gather [hbm4b:s5+s17], $0x80, s21, s17, $0xb8;
	[tilespmem:$0x1E800] =	vst v63  }
0x51: {  	_ =	swait.ge [sflag:s19], $0x2800  }
0x52: {  	[sflag:s19] =	ssyncset.done $0x0  }
.Ltmp6:
0x53: {  	s21 =	sadd.s32 $0x4000, s21;
	[sflag:s19] =	ssyncadd.s32 $0xFFFFD800;
	(pc) =	sbr.rel .LBB2_8-.Ltmp6, $4  }
0x54: {  	[spmem:s1] =	stream.indirect.scatter.add.f32 [tilespmem:s18], [sflag:$0x2], $0x80, s21, s17, $0xb8;
	[tilespmem:$0x1E800] =	vst v63  }
0x55: {  	_ =	swait.ge [sflag:s15], $0x2800  }
0x56: {  	[sflag:s15] =	ssyncset.done $0x0  }
0x57: {  	s21 =	smov.u32 s7;
	[sflag:s15] =	ssyncadd.s32 $0xFFFFD800  }
.LBB2_9:
0x58: {  	_ =	sfence.sel $0x180000  }
0x59: {  	[bflag:$0x0] =	sbarrier.arrive $0xFFFF  }
0x5a: {  	p0 =	sne.s32 s3, $0x0;
	_ =	strace $0x90000056  }
0x5b: {  	s0 =	sadd.s32 @!p0 $0x100000, s0;
	[bflag:$0x2] =	sbarrier.arrive $0xFFFF  }
0x5c: {  	[sflag:s0] =	ssyncadd.tile.s32 @!p0 $0x1;
	_ =	shalt  }
.Lfunc_end2:
_tile_overlayer_lowered:
.L_overlay_start_2:
0x5d: {  	(tag) =	ssettag $0x2  }
0x5e: {  	s0 =	rddreg [dreg:$0x0];
	s2 =	stileid.u32  }
0x5f: {  	s1 =	rddreg [dreg:$0x1];
	p0 =	sne.s32 s2, $0x0  }
0x60: {  	s3 =	rddreg [dreg:$0x2];
	[bflag:$0x3] =	sbarrier.arrive $0xFFFF;
	s2 =	simm.s32 @!p0 $0x1C02  }
0x61: {  	[timem:s3], [sflag:s2] =	dma.local @!p0 [hbm:s0], s1  }
0x62: {  	s0 =	simm.s32 @!p0 $0x2  }
0x63: {  	_ =	swait.ge @!p0 [sflag:s0], s1  }
0x64: {  	s1 =	ssub.s32 @!p0 $0x0, s1;
	[sflag:s0] =	ssyncset.done @!p0 $0x0  }
0x65: {  	[sflag:s0] =	ssyncadd.s32 @!p0 s1  }
0x66: {  	[bflag:$0x3] =	sbarrier.arrive $0xFFFF  }
0x67: {  	_ =	shalt  }

// kernel: kernel.32.cloned.1.call-start
scs
__scs_entry_jumppad:
0x0: {  	(pc) =	sbr.rel $0x88, $3  }
0x1: {  	(tag) =	ssettag $0x0;
	lr =	simm.s32 $0x1  }
0x2: {  	[smem:$0x3F88] =	sst lr;
	_ =	strace $0xD0000000  }
0x3: {  	_ = 	snop  }
0x4: {  	_ = 	snop  }
0x5: {  	_ = 	snop  }
0x6: {  	_ = 	snop  }
0x7: {  	_ = 	snop  }
__scs_overlays_trampoline_lowered:
0x8: {  	[smem:$0x3F97] =	sst s0  }
0x9: {  	[smem:$0x3F98] =	sst s1  }
0xa: {  	[smem:$0x3F99] =	sst s2  }
0xb: {  	[smem:$0x3F9A] =	sst s3  }
0xc: {  	[smem:$0x3F9B] =	sst s4  }
0xd: {  	[smem:$0x3F9C] =	sst s5  }
0xe: {  	[smem:$0x3F9D] =	sst s6  }
0xf: {  	[smem:$0x3F9E] =	sst s7  }
0x10: {  	[smem:$0x3F9F] =	sst s8  }
0x11: {  	[smem:$0x3FA0] =	sst s9;
	s0 =	simm.s32 @!p0 $0x0  }
0x12: {  	s1 =	sld [smem:$0x3F86];
	s0 =	simm.s32 @p0 $0x1  }
0x13: {  	[smem:$0x3FA1] =	sst s0;
	s0 =	simm.s32 @!p1 $0x0  }
0x14: {  	s2 =	sld [smem:$0x3F85];
	s0 =	simm.s32 @p1 $0x1  }
0x15: {  	[smem:$0x3FA2] =	sst s0;
	s0 =	simm.s32 @!p2 $0x0  }
0x16: {  	s3 =	sld [smem:$0x3FDB];
	s0 =	simm.s32 @p2 $0x1  }
0x17: {  	s4 =	simm.s32 $0x1BF5;
	[smem:$0x3FA4] =	sst s0  }
0x18: {  	s0 =	sld [smem:$0x3F87];
	_ =	swait.ge [sflag:s4], $0x0  }
0x19: {  	s7 =	sld [smem:$0x3F88]  }
0x1a: {  	s8 =	sadd.s32 $0xFFFFE003, lr  }
0x1b: {  	s9 =	sadd.s32 $0xFFFFFEF7, lr;
	s5 =	simm.s32 $0xFFFFFFFF;
	p2 =	slt.u32 s8, $0xFFFFF086  }
0x1c: {  	p1 =	slt.u32 s9, $0xF7A;
	s5 =	simm.s32 @!p2 $0x0  }
0x1d: {  	s5 =	simm.s32 @p1 $0x1;
	p0 =	seq.s32 s7, s2  }
0x1e: {  	s7 =	smul.u32 @!p0 $0xF7A, s2;
	p2 =	seq.s32 @!p0 s5, $0x0  }
0x1f: {  	s9 =	smul.u32 $0xF7A, s1;
	s8 =	simm.s32 @!p0 $0x1BF5;
	p2 =	por !p2, p0  }
0x20: {  	[sflag:s8] =	ssyncset.s32 @!p0 $0xFFFFF086;
	s6 =	sadd.s32 @!p0 s3, s7;
	s7 =	simm.s32 @!p0 $0x108  }
0x21: {  	s3 =	sadd.s32 s3, s9;
	s6 =	sadd.s32 @!p0 $0x88, s6;
	s7 =	simm.s32 @p2 $0x1082  }
0x22: {  	[simem:s7], [sflag:s8] =	dma.local @!p0 [hbm:s6], $0xF7A  }
0x23: {  	s9 =	sor.u32 $0xD0000000, s2;
	s6 =	simm.s32 $0x108;
	_ =	swait.ge @!p0 [sflag:s8], $0x0  }
0x24: {  	s3 =	sadd.s32 $0x88, s3;
	s6 =	simm.s32 @!p1 $0x1082;
	[sflag:s4] =	ssyncset.s32 $0xFFFFF086  }
0x25: {  	[simem:s6], [sflag:s4] =	dma.local [hbm:s3], $0xF7A  }
0x26: {  	[smem:$0x3F88] =	sst s1;
	(tag) =	ssettag s2;
	_ =	strace s9  }
0x27: {  	s1 =	sld [smem:$0x3F98]  }
0x28: {  	s2 =	sld [smem:$0x3F99]  }
0x29: {  	s4 =	sld [smem:$0x3F9B]  }
0x2a: {  	p0 =	seq.s32 s5, $0x0;
	s5 =	sld [smem:$0x3F9C]  }
0x2b: {  	s6 =	sld [smem:$0x3F9D]  }
0x2c: {  	s7 =	sld [smem:$0x3F9E]  }
0x2d: {  	s3 =	simm.s32 $0x108;
	s8 =	sld [smem:$0x3F9F]  }
0x2e: {  	s3 =	simm.s32 @!p0 $0x1082;
	s9 =	sld [smem:$0x3FA0]  }
0x2f: {  	lr =	sadd.s32 s0, s3;
	s0 =	sld [smem:$0x3F97]  }
0x30: {  	s3 =	sld [smem:$0x3F9A]  }
0x31: {  	[smem:$0x3FA3] =	sst s10  }
0x32: {  	s10 =	sld [smem:$0x3FA1];
	_ =	sdelay $0x3  }
0x33: {  	p0 =	seq.s32 s10, $0x1;
	s10 =	sld [smem:$0x3FA3];
	_ =	sdelay $0x3  }
0x34: {  	[smem:$0x3FA3] =	sst s10  }
0x35: {  	s10 =	sld [smem:$0x3FA2];
	_ =	sdelay $0x3  }
0x36: {  	p1 =	seq.s32 s10, $0x1;
	s10 =	sld [smem:$0x3FA3];
	_ =	sdelay $0x3  }
0x37: {  	[smem:$0x3FA3] =	sst s10  }
0x38: {  	s10 =	sld [smem:$0x3FA4]  }
0x39: {  	_ = 	snop;
	(pc) =	sbr.ind lr, $3  }
0x3a: {  	_ = 	snop  }
0x3b: {  	_ = 	snop  }
0x3c: {  	p2 =	seq.s32 s10, $0x1;
	s10 =	sld [smem:$0x3FA3]  }
0x3d: {  	_ =	shalt  }
0x3e: {  	_ =	shalt  }
0x3f: {  	_ =	shalt  }
0x40: {  	_ =	shalt  }
0x41: {  	_ =	shalt  }
0x42: {  	_ =	shalt  }
0x43: {  	_ =	shalt  }
0x44: {  	_ =	shalt  }
0x45: {  	_ =	shalt  }
0x46: {  	_ =	shalt  }
0x47: {  	_ =	shalt  }
0x48: {  	_ =	shalt  }
0x49: {  	_ =	shalt  }
0x4a: {  	_ =	shalt  }
0x4b: {  	_ =	shalt  }
0x4c: {  	_ =	shalt  }
0x4d: {  	_ =	shalt  }
0x4e: {  	_ =	shalt  }
0x4f: {  	_ =	shalt  }
0x50: {  	_ =	shalt  }
0x51: {  	_ =	shalt  }
0x52: {  	_ =	shalt  }
0x53: {  	_ =	shalt  }
0x54: {  	_ =	shalt  }
0x55: {  	_ =	shalt  }
0x56: {  	_ =	shalt  }
0x57: {  	_ =	shalt  }
0x58: {  	_ =	shalt  }
0x59: {  	_ =	shalt  }
0x5a: {  	_ =	shalt  }
0x5b: {  	_ =	shalt  }
0x5c: {  	_ =	shalt  }
0x5d: {  	_ =	shalt  }
0x5e: {  	_ =	shalt  }
0x5f: {  	_ =	shalt  }
0x60: {  	_ =	shalt  }
0x61: {  	_ =	shalt  }
0x62: {  	_ =	shalt  }
0x63: {  	_ =	shalt  }
0x64: {  	_ =	shalt  }
0x65: {  	_ =	shalt  }
0x66: {  	_ =	shalt  }
0x67: {  	_ =	shalt  }
0x68: {  	_ =	shalt  }
0x69: {  	_ =	shalt  }
0x6a: {  	_ =	shalt  }
0x6b: {  	_ =	shalt  }
0x6c: {  	_ =	shalt  }
0x6d: {  	_ =	shalt  }
0x6e: {  	_ =	shalt  }
0x6f: {  	_ =	shalt  }
0x70: {  	_ =	shalt  }
0x71: {  	_ =	shalt  }
0x72: {  	_ =	shalt  }
0x73: {  	_ =	shalt  }
0x74: {  	_ =	shalt  }
0x75: {  	_ =	shalt  }
0x76: {  	_ =	shalt  }
0x77: {  	_ =	shalt  }
0x78: {  	_ =	shalt  }
0x79: {  	_ =	shalt  }
0x7a: {  	_ =	shalt  }
0x7b: {  	_ =	shalt  }
0x7c: {  	_ =	shalt  }
0x7d: {  	_ =	shalt  }
0x7e: {  	_ =	shalt  }
0x7f: {  	_ =	shalt  }
0x80: {  	_ =	shalt  }
0x81: {  	_ =	shalt  }
0x82: {  	_ =	shalt  }
0x83: {  	_ =	shalt  }
0x84: {  	_ =	shalt  }
0x85: {  	_ =	shalt  }
0x86: {  	_ =	shalt  }
0x87: {  	_ =	shalt  }
.Lfunc_end0:
.L_simem_size_0:
called_computation.5_lowered:
.L_overlay_start_0:
0x88: {  	s2 =	sld [smem:$0x3FD9]  }
0x89: {  	s3 =	sld [smem:$0x3FFE];
	_ =	sdelay $0x1  }
0x8a: {  	s1 =	srdreg.scid  }
0x8b: {  	s0 =	sand.u32 $0x1, s1  }
0x8c: {  	s17 =	sshll.u32 s0, $0xA;
	s2 =	sadd.s32 s3, s2  }
0x8d: {  	s2 =	sadd.s32 s2, s17  }
0x8e: {  	[smem:$0x3FAF] =	sst s2  }
0x8f: {  	_ = 	snop  }
0x90: {  	(tm) =	ssettm $0x1  }
0x91: {  	s18 =	sld [smem:$0x3FFB];
	_ =	sdelay $0x3  }
0x92: {  	_ =	strace s18  }
0x93: {  	s2 =	sld [smem:$0x3FFC];
	_ =	sdelay $0x3  }
0x94: {  	_ =	strace s2  }
0x95: {  	s2 =	sld [smem:$0x3FFD];
	_ =	sdelay $0x3  }
0x96: {  	_ =	strace s2  }
0x97: {  	_ =	strace $0x8FFFFFFF  }
0x98: {  	s19 =	sld [smem:$0x3FDB];
	_ =	sdelay $0x1  }
0x99: {  	s20 =	simm.s32 $_scs_section_size  }
0x9a: {  	s4 =	simm.s32 $_size__tile_overlayer_lowered;
	s5 =	simm.s32 $_tile_overlayer_lowered  }
0x9b: {  	s6 =	simm.s32 $0x1BFF;
	s21 =	sshll.u32 s5, $0x1;
	s3 =	sadd.s32 s20, s19  }
0x9c: {  	s22 =	simm.s32 $0x0;
	s4 =	sshll.u32 s4, $0x1;
	s5 =	sadd.s32 s21, s3  }
0x9d: {  	[timem:s22], [sflag:s6] =	dma.local [hbm:s5], s4  }
0x9e: {  	_ =	swait.ge [sflag:s6], s4  }
0x9f: {  	s4 =	ssub.s32 $0x0, s4;
	[sflag:s6] =	ssyncset.done $0x0  }
0xa0: {  	[sflag:s6] =	ssyncadd.s32 s4;
	_ =	sdelay $0x1  }
0xa1: {  	s23 =	simm.s32 $0x1B8B  }
0xa2: {  	_ =	swait.ge [sflag:s23], $0x1  }
0xa3: {  	[sflag:s23] =	ssyncset.done $0x0  }
0xa4: {  	[sflag:s23] =	ssyncadd.s32 $0xFFFFFFFF  }
0xa5: {  	s4 =	sld [smem:$0x0]  }
0xa6: {  	s5 =	sand.u32 $0xFFFFFFFE, s1  }
0xa7: {  	p0 =	sne.s32 s1, s5  }
0xa8: {  	s5 =	sshll.u32 @p0 s5, $0xE  }
0xa9: {  	s5 =	sadd.s32 @p0 $0x11B8D, s5;
	s6 =	sshll.u32 @p0 s4, $0x11  }
0xaa: {  	s5 =	sor.u32 @p0 s6, s5  }
0xab: {  	[sflag:s5] =	ssyncadd.remote.s32 @p0 $0x1;
	_ =	sdelay $0x1  }
0xac: {  	s5 =	simm.s32 @p0 $0x1B8D  }
0xad: {  	_ =	swait.eq @p0 [sflag:s5], $0x1  }
0xae: {  	[sflag:s5] =	ssyncadd.s32 @p0 $0xFFFFFFFF  }
0xaf: {  	s6 =	sshll.u32 @!p0 s1, $0xE  }
0xb0: {  	s6 =	sor.u32 @!p0 $0x4000, s6;
	s5 =	simm.s32 @!p0 $0x1B8D  }
0xb1: {  	s4 =	sshll.u32 @!p0 s4, $0x11;
	s6 =	sadd.s32 @!p0 $0x11B8D, s6;
	_ =	swait.eq @!p0 [sflag:s5], $0x1  }
0xb2: {  	s4 =	sor.u32 @!p0 s4, s6;
	[sflag:s5] =	ssyncadd.s32 @!p0 $0xFFFFFFFF  }
0xb3: {  	s25 =	simm.s32 $0x1B8E;
	s24 =	sld [smem:$0x3FFE];
	[sflag:s4] =	ssyncadd.remote.s32 @!p0 $0x1  }
0xb4: {  	s26 =	simm.s32 $execute0_lowered;
	[smem:$0x3FD2] =	sst s25  }
0xb5: {  	s5 =	sshll.u32 s26, $0x1;
	_ =	strace $0x80000052;
	[dreg:$0x1] =	wrdreg $0xFFFFFFFF  }
0xb6: {  	s28 =	simm.s32 $_size_execute0_lowered;
	s3 =	sadd.s32 s3, s5;
	[dreg:$0x0] =	wrdreg $0x0  }
0xb7: {  	s5 =	sshll.u32 s28, $0x1;
	[dreg:$0x2] =	wrdreg s3  }
0xb8: {  	[dreg:$0x3] =	wrdreg s5  }
0xb9: {  	[dreg:$0x4] =	wrdreg $0xC0  }
0xba: {  	_ =	task [dreg:s22], $0x5FFFF  }
0xbb: {  	[dreg:$0x1] =	wrdreg $0xFFFFFFFF  }
0xbc: {  	[dreg:$0x0] =	wrdreg $0x60  }
0xbd: {  	[dreg:$0x2] =	wrdreg s24  }
0xbe: {  	[dreg:$0x3] =	wrdreg $0xA8000  }
0xbf: {  	[dreg:$0x4] =	wrdreg $0xA  }
0xc0: {  	_ =	task.clear_ibuf [dreg:s22], $0x5FFFF;
	_ =	strace $0x90000052  }
0xc1: {  	s29 =	simm.s32 $0xA;
	_ =	strace $0x80000054  }
0xc2: {  	_ =	swait.ge [sflag:s29], $0x1  }
0xc3: {  	[sflag:s29] =	ssyncadd.s32 $0xFFFFFFFF  }
0xc4: {  	_ =	strace $0x90000054  }
0xc5: {  	_ =	sfence  }
0xc6: {  	s30 =	sld [smem:$0x0];
	_ =	sdelay $0x2  }
0xc7: {  	s31 =	sshll.u32 s1, $0xD;
	s1 =	sshrl.u32 s1, $0x2  }
0xc8: {  	s4 =	sand.u32 $0x4000, s31;
	s1 =	sadd.s32 s1, s30  }
0xc9: {  	s0 =	sor.u32 s4, s0;
	s1 =	sshll.u32 s1, $0x11  }
0xca: {  	s0 =	sor.u32 s1, s0  }
0xcb: {  	s0 =	sadd.s32 $0x8F2B, s0  }
0xcc: {  	[sflag:s0] =	ssyncadd.remote.s32 $0x1  }
0xcd: {  	_ =	sfence.sel $0xFFFF  }
0xce: {  	[dreg:$0x0] =	wrdreg $0xFFFFFFFF;
	(pc) =	sbr.abs _section_cstart, $3  }
0xcf: {  	[dreg:$0x1] =	wrdreg $0xFFFFFFFF  }
0xd0: {  	_ =	task.clear_ibuf [dreg:s22], $0x2FFFF;
	_ =	strace $0x9FFFFFFF  }
0xd1: {  	(tm) =	ssettm $0x7FFFFFFF  }
tec
execute0_lowered:
.L_overlay_start_1:
0x0: {  	(tag) =	ssettag $0x1  }
0x1: {  	s8 =	rddreg [dreg:$0x0]  }
0x2: {  	s1 =	rddreg [dreg:$0x1]  }
0x3: {  	s0 =	rddreg [dreg:$0x2];
	s2 =	simm.s32 $0x0  }
0x4: {  	s3 =	stileid.u32;
	s9 =	srdreg.scid;
	s16 =	simm.s32 $0x4000  }
0x5: {  	s17 =	simm.s32 $0x50;
	s18 =	simm.s32 $0x8000;
	s19 =	simm.s32 $0x1  }
0x6: {  	s20 =	simm.s32 $0x0;
	[smem:$0x7FF] =	sst s2;
	s4 =	sadd.s32 $0x6C200, s8  }
0x7: {  	s5 =	sadd.s32 $0x1DE00, s8;
	s6 =	sadd.s32 $0x45000, s8;
	s7 =	sshll.u32 s3, $0xB  }
0x8: {  	s12 =	sand.u32 $0x1, s9;
	s31 =	smul.u32 $0x50000, s3;
	s14 =	sshll.u32 s3, $0x6  }
0x9: {  	_ =	strace $0x80000053;
	s11 =	sadd.s32 s7, s8;
	s7 =	sadd.s32 $0x6EA00, s8  }
.Ltmp0:
0xa: {  	s8 =	sadd.s32 $0x96A00, s8;
	s10 =	ssub.s32 $0x2, s12;
	(pc) =	sbr.rel .LBB2_1-.Ltmp0, $4  }
0xb: {  	p0 =	seq.s32 s12, $0x1;
	s13 =	sshrl.u32 s10, $0x1;
	s9 =	sshrl.u32 s31, $0x2  }
0xc: {  	s12 =	smul.u32 $0x2800, s3;
	s13 =	ssub.s32 s10, s13;
	s15 =	sadd.s32 s9, s1  }
0xd: {  	s9 =	sor.u32 $0x1C02, s14;
	s10 =	sadd.s32 $0xDE00, s11;
	s11 =	sadd.s32 $0x15E00, s11  }
0xe: {  	s13 =	smax.u32 s13, $0x1;
	s14 =	sshrl.u32 s15, $0x3;
	s15 =	simm.s32 $0x2  }
.LBB2_7:
0xf: {  	s21 =	sshra.s32 s21, $0x2;
	[sflag:s15] =	ssyncadd.s32 $0xFFFFD800  }
0x10: {  	[tilespmem:s18], [sflag:$0x1] =	stream.indirect.gather [hbm4b:s6+s17], $0x80, s21, s17, $0xb8;
	[tilespmem:$0x1E800] =	vst v63  }
0x11: {  	_ =	swait.ge [sflag:s19], $0x2800  }
0x12: {  	[sflag:s19] =	ssyncset.done $0x0  }
0x13: {  	s21 =	sadd.s32 $0x4000, s21;
	[sflag:s19] =	ssyncadd.s32 $0xFFFFD800  }
0x14: {  	[spmem:s1] =	stream.indirect.scatter.add.f32 [tilespmem:s18], [sflag:$0x2], $0x80, s21, s17, $0xb8;
	[tilespmem:$0x1E800] =	vst v63  }
0x15: {  	_ =	swait.ge [sflag:s15], $0x2800  }
0x16: {  	[sflag:s15] =	ssyncset.done $0x0  }
0x17: {  	s21 =	smov.u32 s8;
	[sflag:s15] =	ssyncadd.s32 $0xFFFFD800  }
.LBB2_8:
0x18: {  	s20 =	sadd.s32 $0x1, s20  }
0x19: {  	p1 =	sne.s32 s20, s13  }
.Ltmp1:
0x1a: {  	s21 =	sadd.s32 s21, s12;
	[bflag:$0x0] =	sbarrier.arrive $0xFFFF;
	(pc) =	sbr.rel @!p1 .LBB2_9-.Ltmp1, $4  }
0x1b: {  	[hbm:s21], [sflag:s9] =	dma.local [spmem:s14], $0x2800  }
0x1c: {  	_ =	swait.ge [sflag:s15], $0x2800  }
0x1d: {  	[sflag:s15] =	ssyncset.done $0x0  }
0x1e: {  	[sflag:s15] =	ssyncadd.s32 $0xFFFFD800  }
.LBB2_1:
0x1f: {  	[spmem:s14], [sflag:s9] =	dma.local [hbm:s4], $0x2800  }
0x20: {  	_ =	swait.ge [sflag:s15], $0x2800  }
0x21: {  	[sflag:s15] =	ssyncset.done $0x0  }
0x22: {  	[sflag:s15] =	ssyncadd.s32 $0xFFFFD800  }
0x23: {  	[tilespmem:s2], [sflag:$0x2] =	stream.linear.gather [hbm4b:s10+s2], $0x3E80, $0x38;
	[tilespmem:$0x1E800] =	vst v63  }
0x24: {  	_ =	swait.ge [sflag:s15], $0x3E80  }
0x25: {  	[sflag:s15] =	ssyncset.done $0x0  }
0x26: {  	[sflag:s15] =	ssyncadd.s32 $0xFFFFC180  }
0x27: {  	[tilespmem:s16], [sflag:$0x2] =	stream.linear.gather [hbm4b:s11+s2], $0x3E80, $0x38;
	[tilespmem:$0x1E800] =	vst v63  }
.Ltmp2:
0x28: {  	_ =	swait.ge [sflag:s15], $0x3E80;
	(pc) =	sbr.rel @!p0 .LBB2_2-.Ltmp2, $4  }
0x29: {  	[sflag:s15] =	ssyncset.done $0x0  }
0x2a: {  	[sflag:s15] =	ssyncadd.s32 $0xFFFFC180  }
0x2b: {  	[bflag:$0x0] =	sbarrier.arrive $0xFFFF  }
0x2c: {  	s21 =	simm.s32 $0x0  }
0x2d: {  	[tilespmem:s18], [sflag:$0x1] =	stream.indirect.gather [hbm4b:s6+s17], $0x80, s21, s17, $0xb8;
	[tilespmem:$0x1E800] =	vst v63  }
0x2e: {  	_ =	swait.ge [sflag:s19], $0x2800  }
0x2f: {  	[sflag:s19] =	ssyncset.done $0x0  }
0x30: {  	s31 =	simm.s32 $0x4000;
	[sflag:s19] =	ssyncadd.s32 $0xFFFFD800  }
0x31: {  	[spmem:s1] =	stream.indirect.scatter.add.f32 [tilespmem:s18], [sflag:$0x2], $0x80, s31, s17, $0xb8;
	[tilespmem:$0x1E800] =	vst v63  }
0x32: {  	_ =	swait.ge [sflag:s15], $0x2800  }
0x33: {  	s21 =	simm.s32 $0x200;
	s22 =	simm.s32 $0x400;
	[sflag:s15] =	ssyncset.done $0x0  }
.LBB2_6:
0x34: {  	s23 =	sshra.s32 s21, $0x2  }
0x35: {  	[sflag:s15] =	ssyncadd.s32 $0xFFFFD800;
	s21 =	smov.u32 s22;
	s24 =	sadd.s32 $0x200, s22  }
0x36: {  	[tilespmem:s18], [sflag:$0x1] =	stream.indirect.gather [hbm4b:s6+s17], $0x80, s23, s17, $0xb8;
	[tilespmem:$0x1E800] =	vst v63  }
0x37: {  	p1 =	sne.s32 s22, $0xF800;
	_ =	swait.ge [sflag:s19], $0x2800  }
.Ltmp3:
0x38: {  	[sflag:s19] =	ssyncset.done $0x0;
	(pc) =	sbr.rel @p1 .LBB2_6-.Ltmp3, $4  }
0x39: {  	s22 =	sadd.s32 $0x4000, s23;
	[sflag:s19] =	ssyncadd.s32 $0xFFFFD800  }
0x3a: {  	[spmem:s1] =	stream.indirect.scatter.add.f32 [tilespmem:s18], [sflag:$0x2], $0x80, s22, s17, $0xb8;
	[tilespmem:$0x1E800] =	vst v63  }
0x3b: {  	_ =	swait.ge [sflag:s15], $0x2800  }
0x3c: {  	s22 =	smov.u32 s24;
	[sflag:s15] =	ssyncset.done $0x0  }
.Ltmp4:
0x3d: {  	_ = 	snop;
	(pc) =	sbr.rel .LBB2_7-.Ltmp4, $1  }
0x3e: {  	_ =	sdelay $0x3  }
.LBB2_2:
0x3f: {  	[tilespmem:s18], [sflag:$0x1] =	stream.indirect.gather [hbm4b:s5+s17], $0x80, s21, s17, $0xb8;
	[tilespmem:$0x1E800] =	vst v63  }
0x40: {  	_ =	swait.ge [sflag:s19], $0x2800  }
0x41: {  	[sflag:s19] =	ssyncset.done $0x0  }
0x42: {  	s31 =	simm.s32 $0x4000;
	[sflag:s19] =	ssyncadd.s32 $0xFFFFD800  }
0x43: {  	[spmem:s1] =	stream.indirect.scatter.add.f32 [tilespmem:s18], [sflag:$0x2], $0x80, s31, s17, $0xb8;
	[tilespmem:$0x1E800] =	vst v63  }
0x44: {  	_ =	swait.ge [sflag:s15], $0x2800  }
0x45: {  	s21 =	simm.s32 $0x200;
	s22 =	simm.s32 $0x400;
	[sflag:s15] =	ssyncset.done $0x0  }
.LBB2_3:
0x46: {  	s23 =	sshra.s32 s21, $0x2  }
0x47: {  	[sflag:s15] =	ssyncadd.s32 $0xFFFFD800;
	s21 =	smov.u32 s22;
	s24 =	sadd.s32 $0x200, s22  }
0x48: {  	[tilespmem:s18], [sflag:$0x1] =	stream.indirect.gather [hbm4b:s5+s17], $0x80, s23, s17, $0xb8;
	[tilespmem:$0x1E800] =	vst v63  }
0x49: {  	p1 =	seq.s32 s22, $0xF800;
	_ =	swait.ge [sflag:s19], $0x2800  }
.Ltmp5:
0x4a: {  	[sflag:s19] =	ssyncset.done $0x0;
	(pc) =	sbr.rel @!p1 .LBB2_3-.Ltmp5, $4  }
0x4b: {  	s22 =	sadd.s32 $0x4000, s23;
	[sflag:s19] =	ssyncadd.s32 $0xFFFFD800  }
0x4c: {  	[spmem:s1] =	stream.indirect.scatter.add.f32 [tilespmem:s18], [sflag:$0x2], $0x80, s22, s17, $0xb8;
	[tilespmem:$0x1E800] =	vst v63  }
0x4d: {  	_ =	swait.ge [sflag:s15], $0x2800  }
0x4e: {  	s22 =	smov.u32 s24;
	[sflag:s15] =	ssyncset.done $0x0  }
0x4f: {  	s21 =	sshra.s32 s21, $0x2;
	[sflag:s15] =	ssyncadd.s32 $0xFFFFD800  }
0x50: {  	[tilespmem:s18], [sflag:$0x1] =	stream.indirect.gather [hbm4b:s5+s17], $0x80, s21, s17, $0xb8;
	[tilespmem:$0x1E800] =	vst v63  }
0x51: {  	_ =	swait.ge [sflag:s19], $0x2800  }
0x52: {  	[sflag:s19] =	ssyncset.done $0x0  }
.Ltmp6:
0x53: {  	s21 =	sadd.s32 $0x4000, s21;
	[sflag:s19] =	ssyncadd.s32 $0xFFFFD800;
	(pc) =	sbr.rel .LBB2_8-.Ltmp6, $4  }
0x54: {  	[spmem:s1] =	stream.indirect.scatter.add.f32 [tilespmem:s18], [sflag:$0x2], $0x80, s21, s17, $0xb8;
	[tilespmem:$0x1E800] =	vst v63  }
0x55: {  	_ =	swait.ge [sflag:s15], $0x2800  }
0x56: {  	[sflag:s15] =	ssyncset.done $0x0  }
0x57: {  	s21 =	smov.u32 s7;
	[sflag:s15] =	ssyncadd.s32 $0xFFFFD800  }
.LBB2_9:
0x58: {  	_ =	sfence.sel $0x180000  }
0x59: {  	[bflag:$0x0] =	sbarrier.arrive $0xFFFF  }
0x5a: {  	p0 =	sne.s32 s3, $0x0;
	_ =	strace $0x90000053  }
0x5b: {  	s0 =	sadd.s32 @!p0 $0x100000, s0;
	[bflag:$0x2] =	sbarrier.arrive $0xFFFF  }
0x5c: {  	[sflag:s0] =	ssyncadd.tile.s32 @!p0 $0x1;
	_ =	shalt  }
.Lfunc_end2:
_tile_overlayer_lowered:
.L_overlay_start_2:
0x5d: {  	(tag) =	ssettag $0x2  }
0x5e: {  	s0 =	rddreg [dreg:$0x0];
	s2 =	stileid.u32  }
0x5f: {  	s1 =	rddreg [dreg:$0x1];
	p0 =	sne.s32 s2, $0x0  }
0x60: {  	s3 =	rddreg [dreg:$0x2];
	[bflag:$0x3] =	sbarrier.arrive $0xFFFF;
	s2 =	simm.s32 @!p0 $0x1C02  }
0x61: {  	[timem:s3], [sflag:s2] =	dma.local @!p0 [hbm:s0], s1  }
0x62: {  	s0 =	simm.s32 @!p0 $0x2  }
0x63: {  	_ =	swait.ge @!p0 [sflag:s0], s1  }
0x64: {  	s1 =	ssub.s32 @!p0 $0x0, s1;
	[sflag:s0] =	ssyncset.done @!p0 $0x0  }
0x65: {  	[sflag:s0] =	ssyncadd.s32 @!p0 s1  }
0x66: {  	[bflag:$0x3] =	sbarrier.arrive $0xFFFF  }
0x67: {  	_ =	shalt  }

</sc_bundles>
